<compile_context>
chip_gen: v7x
topology: tpu7x:2x2x1
jax: 0.10.2.dev20260603
libtpu: 0.0.44.dev20260713+nightly
codegen_flags: <defaults>
</compile_context>

<pallas_src>
import functools
import jax
import jax.numpy as jnp
from jax import lax
from jax.experimental import pallas as pl
from jax.experimental.pallas import tpu as pltpu
from jax.experimental.pallas import tpu_sc as plsc

N = 10000
E = 320000
C = 256
NW = 32
EPW = E // NW
NCHUNK = 80
KE = EPW // NCHUNK
ACCN = 10240
RPS = ACCN // 16
PR = 272

_mesh = plsc.VectorSubcoreMesh(core_axis_name="c", subcore_axis_name="s")


def _wid():
    return lax.axis_index("s") * 2 + lax.axis_index("c")


@functools.partial(
    pl.kernel,
    mesh=_mesh,
    compiler_params=pltpu.CompilerParams(needs_layout_passes=False, use_tc_tiling_on_sc=False),
    out_type=[
        jax.ShapeDtypeStruct((10, NW, 1000), jnp.float32),
        jax.ShapeDtypeStruct((NW, C, C), jnp.float32),
    ],
    scratch_types=[
        pltpu.VMEM((N,), jnp.int32),
        pltpu.VMEM((EPW,), jnp.int32),
        pltpu.VMEM((EPW,), jnp.int32),
        pltpu.VMEM((N,), jnp.float32),
        pltpu.VMEM((C, C), jnp.float32),
    ],
)
def _sc_precompute(src_h, dst_h, clus_h, zer_h, zbm_h, degp_h, bmp_h,
                   clus_v, src_v, dst_v, deg_v, bm_v):
    w = _wid()
    pltpu.sync_copy(clus_h, clus_v)
    pltpu.sync_copy(src_h.at[w], src_v)
    pltpu.sync_copy(dst_h.at[w], dst_v)
    pltpu.sync_copy(zer_h, deg_v)
    pltpu.sync_copy(zbm_h, bm_v)
    ones = jnp.full((16,), 1.0, jnp.float32)

    def body(j, carry):
        s16 = src_v[pl.ds(j * 16, 16)]
        d16 = dst_v[pl.ds(j * 16, 16)]
        plsc.addupdate_scatter(deg_v, [d16], ones)
        cs = plsc.load_gather(clus_v, [s16])
        cd = plsc.load_gather(clus_v, [d16])
        plsc.addupdate_scatter(bm_v, [cs, cd], ones)
        return carry

    lax.fori_loop(0, EPW // 16, body, 0)
    for i in range(10):
        pltpu.sync_copy(deg_v.at[pl.ds(i * 1000, 1000)], degp_h.at[i, w])
    pltpu.sync_copy(bm_v, bmp_h.at[w])


@functools.partial(
    pl.kernel,
    mesh=_mesh,
    compiler_params=pltpu.CompilerParams(needs_layout_passes=False, use_tc_tiling_on_sc=False),
    out_type=jax.ShapeDtypeStruct((2, ACCN, 64), jnp.float32),
    scratch_types=[
        pltpu.VMEM((NCHUNK, KE), jnp.int32),
        pltpu.VMEM((NCHUNK, KE), jnp.int32),
        pltpu.VMEM((KE, 64), jnp.float32),
        pltpu.VMEM((KE, 64), jnp.float32),
        pltpu.VMEM_SHARED((ACCN, 64), jnp.float32),
        pltpu.SemaphoreType.DMA,
        pltpu.SemaphoreType.DMA,
    ],
)
def _sc_spmm(xws_h, src_h, dst_h, zrow_h, out_h,
             src_v, dst_v, rows0_v, rows1_v, acc_sh, sem0, sem1):
    cid = lax.axis_index("c")
    sid = lax.axis_index("s")
    w = _wid()
    pltpu.sync_copy(src_h.at[w], src_v)
    pltpu.sync_copy(dst_h.at[w], dst_v)
    pltpu.sync_copy(zrow_h, acc_sh.at[pl.ds(sid * RPS, RPS)])
    plsc.subcore_barrier()

    pltpu.async_copy(xws_h.at[src_v.at[0]], rows0_v, sem0)

    def body(i, carry):
        j0 = 2 * i
        pltpu.async_copy(xws_h.at[src_v.at[j0 + 1]], rows1_v, sem1)
        pltpu.make_async_copy(xws_h.at[src_v.at[j0]], rows0_v, sem0).wait()
        pltpu.sync_copy(rows0_v, acc_sh.at[dst_v.at[j0]], add=True)

        @pl.when(i < NCHUNK // 2 - 1)
        def _():
            pltpu.async_copy(xws_h.at[src_v.at[j0 + 2]], rows0_v, sem0)

        pltpu.make_async_copy(xws_h.at[src_v.at[j0 + 1]], rows1_v, sem1).wait()
        pltpu.sync_copy(rows1_v, acc_sh.at[dst_v.at[j0 + 1]], add=True)
        return carry

    lax.fori_loop(0, NCHUNK // 2, body, 0)
    plsc.subcore_barrier()
    pltpu.sync_copy(acc_sh.at[pl.ds(sid * RPS, RPS)],
                    out_h.at[cid, pl.ds(sid * RPS, RPS)])


@functools.partial(
    pl.kernel,
    mesh=_mesh,
    compiler_params=pltpu.CompilerParams(needs_layout_passes=False, use_tc_tiling_on_sc=False),
    out_type=[
        jax.ShapeDtypeStruct((PR, 256), jnp.float32),
        jax.ShapeDtypeStruct((PR, 16), jnp.float32),
    ],
    scratch_types=[
        pltpu.VMEM((5, 125), jnp.int32),
        pltpu.VMEM((125, 256), jnp.float32),
        pltpu.VMEM((125, 16), jnp.float32),
        pltpu.VMEM_SHARED((PR, 256), jnp.float32),
        pltpu.VMEM_SHARED((PR, 16), jnp.float32),
    ],
)
def _sc_pool(y_h, cidx_h, zrow_h, one_h, z16_h, pool_h, cnt_h,
             cidx_v, rows_v, ones_v, acc_sh, cacc_sh):
    cid = lax.axis_index("c")
    sid = lax.axis_index("s")

    @pl.when(cid == 0)
    def _():
        pltpu.sync_copy(cidx_h.at[sid], cidx_v)
        pltpu.sync_copy(one_h, ones_v)
        pltpu.sync_copy(zrow_h, acc_sh.at[pl.ds(sid * 17, 17)])
        pltpu.sync_copy(z16_h, cacc_sh.at[pl.ds(sid * 17, 17)])

    plsc.subcore_barrier()

    @pl.when(cid == 0)
    def _():
        def body(j, carry):
            pltpu.sync_copy(y_h.at[pl.ds(sid * 625 + j * 125, 125)], rows_v)
            pltpu.sync_copy(rows_v, acc_sh.at[cidx_v.at[j]], add=True)
            pltpu.sync_copy(ones_v, cacc_sh.at[cidx_v.at[j]], add=True)
            return carry

        lax.fori_loop(0, 5, body, 0)

    plsc.subcore_barrier()

    @pl.when(cid == 0)
    def _():
        pltpu.sync_copy(acc_sh.at[pl.ds(sid * 17, 17)],
                        pool_h.at[pl.ds(sid * 17, 17)])
        pltpu.sync_copy(cacc_sh.at[pl.ds(sid * 17, 17)],
                        cnt_h.at[pl.ds(sid * 17, 17)])


def _dot_bf16(a, b):
    return jnp.dot(a.astype(jnp.bfloat16), b.astype(jnp.bfloat16),
                   preferred_element_type=jnp.float32)


def _elu(x):
    xn = jnp.minimum(x, 0.0)
    poly = xn * (1.0 + xn * (0.5 + xn * (1.0 / 6.0 + xn * (1.0 / 24.0
                 + xn * (1.0 / 120.0)))))
    em1 = jnp.where(xn > -0.125, poly, jnp.exp(xn) - 1.0)
    return jnp.where(x > 0, x, em1)


def _t1_body(x_ref, w_ref, degp_ref, xws_ref, o_dinv_ref):
    deg = jnp.sum(degp_ref[0], axis=0) + 1.0
    dv = 1.0 / jnp.sqrt(deg)
    xw = jnp.dot(x_ref[...].astype(jnp.bfloat16),
                 w_ref[...].astype(jnp.bfloat16),
                 preferred_element_type=jnp.float32)
    xws_ref[...] = dv[:, None] * xw
    o_dinv_ref[0] = jnp.broadcast_to(dv[None, :], (8, dv.shape[0]))


def _t2_body(acc_ref, xws_ref, b_ref, dinv_ref, hs_ref):
    dv = dinv_ref[0, 0, :]
    s = acc_ref[0] + acc_ref[1] + xws_ref[...]
    h = _elu(dv[:, None] * s + b_ref[...])
    hb = h.astype(jnp.bfloat16).astype(jnp.float32)
    hs_ref[...] = dv[:, None] * hb


def _t3_body(acc_ref, hs_ref, w_ref, b_ref, dinv_ref, h2_ref, s1_ref, s2_ref):
    i = pl.program_id(0)
    dv = dinv_ref[0, 0, :]
    ah = dv[:, None] * (acc_ref[0] + acc_ref[1] + hs_ref[...])
    wb = w_ref[...].astype(jnp.bfloat16).astype(jnp.float32)
    h2 = _elu(jnp.dot(ah, wb, precision=lax.Precision.HIGHEST,
                      preferred_element_type=jnp.float32)
              + b_ref[...])
    h2_ref[...] = h2

    @pl.when(i == 0)
    def _():
        s1_ref[...] = jnp.zeros_like(s1_ref)
        s2_ref[...] = jnp.zeros_like(s2_ref)

    s1_ref[...] += jnp.broadcast_to(jnp.sum(h2, axis=0)[None, :], s1_ref.shape)
    s2_ref[...] += jnp.broadcast_to(jnp.sum(h2 * h2, axis=0)[None, :],
                                    s2_ref.shape)


def _t4a_body(h2_ref, s1_ref, sq_ref):
    i = pl.program_id(0)
    mean = s1_ref[0, :] * (1.0 / N)
    d = h2_ref[...] - mean[None, :]

    @pl.when(i == 0)
    def _():
        sq_ref[...] = jnp.zeros_like(sq_ref)

    sq_ref[...] += jnp.broadcast_to(jnp.sum(d * d, axis=0)[None, :],
                                    sq_ref.shape)


def _t4_body(h2_ref, s1_ref, sq_ref, y_ref):
    mean = s1_ref[0, :] * (1.0 / N)
    var = sq_ref[0, :] * (1.0 / N)
    y_ref[...] = (h2_ref[...] - mean[None, :]) / jnp.sqrt(var + 1e-5)[None, :]


def _t5_body(bmp_ref, pool_ref, cnt_ref, wl1_ref, bl1_ref, wl2_ref, bl2_ref,
             wm1_ref, bm1_ref, wo1_ref, bo1_ref, g_ref):
    bm = jnp.sum(bmp_ref[...], axis=0)
    at = bm.T
    r = lax.broadcasted_iota(jnp.int32, (C, C), 0)
    c = lax.broadcasted_iota(jnp.int32, (C, C), 1)
    a = jnp.where(r == c, 1.0, jnp.where(at > 0, 1.0, 0.0))
    dc = 1.0 / jnp.sqrt(jnp.sum(a, axis=1))
    m = dc[:, None] * a * dc[None, :]
    px = pool_ref[0:C, :] / jnp.maximum(cnt_ref[0:C, 0:1], 1.0)
    z = _elu(jnp.dot(m, _dot_bf16(px, wl1_ref[...]),
                     precision=lax.Precision.HIGHEST, preferred_element_type=jnp.float32) + bl1_ref[...])
    z = _elu(jnp.dot(m, _dot_bf16(z, wl2_ref[...]),
                     precision=lax.Precision.HIGHEST, preferred_element_type=jnp.float32) + bl2_ref[...])
    z = _elu(jnp.dot(m, _dot_bf16(z, wm1_ref[...]),
                     precision=lax.Precision.HIGHEST, preferred_element_type=jnp.float32) + bm1_ref[...])
    g_ref[...] = jnp.dot(m, _dot_bf16(z, wo1_ref[...]),
                         precision=lax.Precision.HIGHEST, preferred_element_type=jnp.float32) + bo1_ref[...]


def _t6_body(w_ref, g_ref, o_ref):
    o_ref[...] = _dot_bf16(w_ref[...], g_ref[...])


def kernel(x, adj, in_batch, cluster, W_g1, b_g1, W_g2, b_g2, W_l1, b_l1,
           W_l2, b_l2, W_m1, b_m1, W_o1, b_o1, W_fc):
    f32 = jnp.float32
    src = adj[0]
    dst = adj[1]
    src2 = src.reshape(NW, EPW)
    dst2 = dst.reshape(NW, EPW)
    src3 = src.reshape(NW, NCHUNK, KE)
    dst3 = dst.reshape(NW, NCHUNK, KE)
    cidx3 = cluster.reshape(16, 5, 125)
    zbm = jnp.zeros((N,), f32)
    zbm2 = jnp.zeros((C, C), f32)
    zrow = jnp.zeros((RPS, 64), f32)
    zrow256 = jnp.zeros((17, 256), f32)
    z16 = jnp.zeros((17, 16), f32)
    ones125 = jnp.ones((125, 16), f32)

    degT, bmp = _sc_precompute(src2, dst2, cluster, zbm, zbm2)

    BN = 1000
    GN = N // BN
    t1 = pl.pallas_call(
        _t1_body,
        grid=(GN,),
        in_specs=[
            pl.BlockSpec((BN, 128), lambda i: (i, 0)),
            pl.BlockSpec((128, 64), lambda i: (0, 0)),
            pl.BlockSpec((1, NW, BN), lambda i: (i, 0, 0)),
        ],
        out_specs=[
            pl.BlockSpec((BN, 64), lambda i: (i, 0)),
            pl.BlockSpec((1, 8, BN), lambda i: (i, 0, 0)),
        ],
        out_shape=[
            jax.ShapeDtypeStruct((N, 64), f32),
            jax.ShapeDtypeStruct((GN, 8, BN), f32),
        ],
    )
    xws1, dinv8 = t1(x, W_g1, degT)

    accp1 = _sc_spmm(xws1, src3, dst3, zrow)

    t2 = pl.pallas_call(
        _t2_body,
        grid=(GN,),
        in_specs=[
            pl.BlockSpec((2, BN, 64), lambda i: (0, i, 0)),
            pl.BlockSpec((BN, 64), lambda i: (i, 0)),
            pl.BlockSpec((1, 64), lambda i: (0, 0)),
            pl.BlockSpec((1, 8, BN), lambda i: (i, 0, 0)),
        ],
        out_specs=pl.BlockSpec((BN, 64), lambda i: (i, 0)),
        out_shape=jax.ShapeDtypeStruct((N, 64), f32),
    )
    hs1 = t2(accp1, xws1, b_g1.reshape(1, 64), dinv8)

    accp2 = _sc_spmm(hs1, src3, dst3, zrow)

    t3 = pl.pallas_call(
        _t3_body,
        grid=(GN,),
        in_specs=[
            pl.BlockSpec((2, BN, 64), lambda i: (0, i, 0)),
            pl.BlockSpec((BN, 64), lambda i: (i, 0)),
            pl.BlockSpec((64, 256), lambda i: (0, 0)),
            pl.BlockSpec((1, 256), lambda i: (0, 0)),
            pl.BlockSpec((1, 8, BN), lambda i: (i, 0, 0)),
        ],
        out_specs=[
            pl.BlockSpec((BN, 256), lambda i: (i, 0)),
            pl.BlockSpec((8, 256), lambda i: (0, 0)),
            pl.BlockSpec((8, 256), lambda i: (0, 0)),
        ],
        out_shape=[
            jax.ShapeDtypeStruct((N, 256), f32),
            jax.ShapeDtypeStruct((8, 256), f32),
            jax.ShapeDtypeStruct((8, 256), f32),
        ],
    )
    h2, s1, s2 = t3(accp2, hs1, W_g2, b_g2.reshape(1, 256), dinv8)

    t4a = pl.pallas_call(
        _t4a_body,
        grid=(GN,),
        in_specs=[
            pl.BlockSpec((BN, 256), lambda i: (i, 0)),
            pl.BlockSpec((8, 256), lambda i: (0, 0)),
        ],
        out_specs=pl.BlockSpec((8, 256), lambda i: (0, 0)),
        out_shape=jax.ShapeDtypeStruct((8, 256), f32),
    )
    sq = t4a(h2, s1)

    t4 = pl.pallas_call(
        _t4_body,
        grid=(GN,),
        in_specs=[
            pl.BlockSpec((BN, 256), lambda i: (i, 0)),
            pl.BlockSpec((8, 256), lambda i: (0, 0)),
            pl.BlockSpec((8, 256), lambda i: (0, 0)),
        ],
        out_specs=pl.BlockSpec((BN, 256), lambda i: (i, 0)),
        out_shape=jax.ShapeDtypeStruct((N, 256), f32),
    )
    y = t4(h2, s1, sq)

    pool, cntl = _sc_pool(y, cidx3, zrow256, ones125, z16)

    t5 = pl.pallas_call(
        _t5_body,
        in_specs=[
            pl.BlockSpec((NW, C, C), lambda: (0, 0, 0)),
            pl.BlockSpec((PR, 256), lambda: (0, 0)),
            pl.BlockSpec((PR, 16), lambda: (0, 0)),
            pl.BlockSpec((256, 128), lambda: (0, 0)),
            pl.BlockSpec((1, 128), lambda: (0, 0)),
            pl.BlockSpec((128, 64), lambda: (0, 0)),
            pl.BlockSpec((1, 64), lambda: (0, 0)),
            pl.BlockSpec((64, 16), lambda: (0, 0)),
            pl.BlockSpec((1, 16), lambda: (0, 0)),
            pl.BlockSpec((16, 8), lambda: (0, 0)),
            pl.BlockSpec((1, 8), lambda: (0, 0)),
        ],
        out_specs=pl.BlockSpec((C, 8), lambda: (0, 0)),
        out_shape=jax.ShapeDtypeStruct((C, 8), f32),
    )
    wo1p = jnp.pad(W_o1, ((0, 0), (0, 3)))
    bo1p = jnp.pad(b_o1, (0, 3)).reshape(1, 8)
    gpad = t5(bmp, pool, cntl, W_l1, b_l1.reshape(1, 128),
              W_l2, b_l2.reshape(1, 64), W_m1, b_m1.reshape(1, 16),
              wo1p, bo1p)
    g = gpad[:, :5].reshape(-1)

    BM = 1000
    t6 = pl.pallas_call(
        _t6_body,
        grid=(30000 // BM,),
        in_specs=[
            pl.BlockSpec((BM, 1280), lambda i: (i, 0)),
            pl.BlockSpec((1280, 1), lambda i: (0, 0)),
        ],
        out_specs=pl.BlockSpec((BM, 1), lambda i: (i, 0)),
        out_shape=jax.ShapeDtypeStruct((30000, 1), f32),
    )
    o = t6(W_fc, g.reshape(1280, 1)).reshape(-1)
    return (g, o)

# --- scband reference (transcript-rebuilt; emitter-appended) ---
"""Pipeline reference for scband-gcn3-d-apr14-pooling-no-fc-51281909514720 (READ-ONLY COPY).

The authoritative reference and input builder live on the scoring server;
editing this copy changes nothing except your own understanding.
"""

import jax, jax.numpy as jnp
import numpy as np

N = 10000
E = 320000
F = 128
C = 256

def gcn_conv(x, src, dst, W, b, n):
    xw = x @ W
    loop = jnp.arange(n, dtype=src.dtype)
    s = jnp.concatenate([src, loop])
    d = jnp.concatenate([dst, loop])
    deg = jnp.zeros((n,), jnp.float32).at[d].add(1.0)
    dinv = jnp.where(deg > 0, 1.0 / jnp.sqrt(deg), 0.0)
    norm = dinv[s] * dinv[d]
    out = jnp.zeros((n, xw.shape[1]), jnp.float32).at[d].add(norm[:, None] * xw[s])
    return out + b

def gcn_conv_masked(x, src, dst, w, W, b, n):
    xw = x @ W
    loop = jnp.arange(n, dtype=src.dtype)
    s = jnp.concatenate([src, loop])
    d = jnp.concatenate([dst, loop])
    ww = jnp.concatenate([w, jnp.ones((n,), jnp.float32)])
    deg = jnp.zeros((n,), jnp.float32).at[d].add(ww)
    dinv = jnp.where(deg > 0, 1.0 / jnp.sqrt(deg), 0.0)
    norm = dinv[s] * dinv[d] * ww
    out = jnp.zeros((n, xw.shape[1]), jnp.float32).at[d].add(norm[:, None] * xw[s])
    return out + b

def setup_inputs(seed: int = 0):
    key = jax.random.key(seed)
    ks = jax.random.split(key, 16)
    x = jax.random.normal(ks[0], (N, F), jnp.float32)
    adj = jax.random.randint(ks[1], (2, E), 0, N, dtype=jnp.int32)
    in_batch = jnp.zeros((N,), jnp.int32)
    cluster = jax.random.randint(ks[2], (N,), 0, C, dtype=jnp.int32)
    def w(k, shape):
        return jax.random.normal(k, shape, jnp.float32) * 0.05
    return {
        'x': x, 'adj': adj, 'in_batch': in_batch, 'cluster': cluster,
        'W_g1': w(ks[3], (F, 64)), 'b_g1': jnp.zeros((64,), jnp.float32),
        'W_g2': w(ks[4], (64, 256)), 'b_g2': jnp.zeros((256,), jnp.float32),
        'W_l1': w(ks[5], (256, 128)), 'b_l1': jnp.zeros((128,), jnp.float32),
        'W_l2': w(ks[6], (128, 64)), 'b_l2': jnp.zeros((64,), jnp.float32),
        'W_m1': w(ks[7], (64, 16)), 'b_m1': jnp.zeros((16,), jnp.float32),
        'W_o1': w(ks[8], (16, 5)), 'b_o1': jnp.zeros((5,), jnp.float32),
        'W_fc': w(ks[9], (3 * N, 5 * C)),
    }

def reference(x, adj, in_batch, cluster, W_g1, b_g1, W_g2, b_g2, W_l1, b_l1, W_l2, b_l2, W_m1, b_m1, W_o1, b_o1, W_fc):
    src, dst = adj[0], adj[1]
    h = jax.nn.elu(gcn_conv(x, src, dst, W_g1, b_g1, N))
    h = jax.nn.elu(gcn_conv(h, src, dst, W_g2, b_g2, N))
    mean = h.mean(axis=0, keepdims=True)
    var = ((h - mean) ** 2).mean(axis=0, keepdims=True)
    y = (h - mean) / jnp.sqrt(var + 1e-5)
    bc = cluster + in_batch * C
    cnt = jnp.maximum(jnp.zeros((C,), jnp.float32).at[bc].add(1.0), 1.0)
    px = jnp.zeros((C, y.shape[1]), jnp.float32).at[bc].add(y) / cnt[:, None]
    cs = bc[src]
    cd = bc[dst]
    mask = cs != cd
    keys = jnp.where(mask, cs * C + cd, C * C)
    sk = jnp.sort(keys)
    first = jnp.concatenate([jnp.array([True]), sk[1:] != sk[:-1]])
    we = ((sk < C * C) & first).astype(jnp.float32)
    ns = sk // C
    nd = sk % C
    z = jax.nn.elu(gcn_conv_masked(px, ns, nd, we, W_l1, b_l1, C))
    z = jax.nn.elu(gcn_conv_masked(z, ns, nd, we, W_l2, b_l2, C))
    z = jax.nn.elu(gcn_conv_masked(z, ns, nd, we, W_m1, b_m1, C))
    g = gcn_conv_masked(z, ns, nd, we, W_o1, b_o1, C).reshape(-1)
    o = g @ W_fc.T
    return (g, o)

if __name__ == "__main__":
    import jax
    _d = setup_inputs()
    print(jax.jit(kernel)(*tuple(_d.values())))

</pallas_src>

<mosaic_0001>
#map = affine_map<(d0, d1) -> (0, 0)>
#map1 = affine_map<(d0, d1) -> (0)>
#map2 = affine_map<(d0, d1) -> (0, 0, 0)>
module attributes {stable_mosaic.version = 14 : i64} {
  func.func @_sc_precompute(%arg0: i32, %arg1: i32, %arg2: memref<32x10000xi32, #tpu.memory_space<hbm>>, %arg3: memref<32x10000xi32, #tpu.memory_space<hbm>>, %arg4: memref<10000xi32, #tpu.memory_space<hbm>>, %arg5: memref<10000xf32, #tpu.memory_space<hbm>>, %arg6: memref<256x256xf32, #tpu.memory_space<hbm>>, %arg7: memref<10x32x1000xf32, #tpu.memory_space<hbm>>, %arg8: memref<32x256x256xf32, #tpu.memory_space<hbm>>, %arg9: memref<10000xi32, #tpu.memory_space<vmem>>, %arg10: memref<10000xi32, #tpu.memory_space<vmem>>, %arg11: memref<10000xi32, #tpu.memory_space<vmem>>, %arg12: memref<10000xf32, #tpu.memory_space<vmem>>, %arg13: memref<256x256xf32, #tpu.memory_space<vmem>>) attributes {dimension_semantics = [#tpu.dimension_semantics<core_parallel>, #tpu.dimension_semantics<subcore_parallel>], iteration_bounds = array<i64: 2, 16>, scalar_prefetch = 0 : i64, scratch_operands = 5 : i64, tpu.core_type = #tpu.core_type<sc_vector_subcore>, window_params = [{transform_indices = #map}, {transform_indices = #map}, {transform_indices = #map1}, {transform_indices = #map1}, {transform_indices = #map}, {transform_indices = #map2}, {transform_indices = #map2}]} {
    %mul3A = arith.constant 2 : i32
    %mul3A_0 = arith.muli %arg1, %mul3A : i32
    %add3A = arith.addi %mul3A_0, %arg0 : i32
    "tpu.region"() ({
      %run_scoped3A_16 = tpu.sem_alloc : memref<!tpu.dma_semaphore, #tpu.memory_space<semaphore_mem>>
      tpu.enqueue_dma source(%arg4 : memref<10000xi32, #tpu.memory_space<hbm>>) target(%arg9 : memref<10000xi32, #tpu.memory_space<vmem>>) target_semaphore(%run_scoped3A_16 : memref<!tpu.dma_semaphore, #tpu.memory_space<semaphore_mem>>)
      tpu.wait_dma2 semaphore(%run_scoped3A_16 : memref<!tpu.dma_semaphore, #tpu.memory_space<semaphore_mem>>) src(%arg4 : memref<10000xi32, #tpu.memory_space<hbm>>) dst(%arg9 : memref<10000xi32, #tpu.memory_space<vmem>>)
      tpu.yield
    }) : () -> ()
    "tpu.region"() ({
      %run_scoped3A_16 = tpu.sem_alloc : memref<!tpu.dma_semaphore, #tpu.memory_space<semaphore_mem>>
      %dma_start3A = arith.constant 0 : i32
      %dma_start3A_17 = tpu.memref_slice %arg2[%add3A, %dma_start3A] : memref<32x10000xi32, #tpu.memory_space<hbm>> -> memref<1x10000xi32, #tpu.memory_space<hbm>>
      %dma_start3A_18 = tpu.memref_squeeze %dma_start3A_17 : memref<1x10000xi32, #tpu.memory_space<hbm>> -> memref<10000xi32, #tpu.memory_space<hbm>>
      %dma_start3A_19 = arith.constant 0 : i32
      %dma_start3A_20 = tpu.memref_slice %arg2[%add3A, %dma_start3A_19] : memref<32x10000xi32, #tpu.memory_space<hbm>> -> memref<1x10000xi32, #tpu.memory_space<hbm>>
      %dma_start3A_21 = tpu.memref_squeeze %dma_start3A_20 : memref<1x10000xi32, #tpu.memory_space<hbm>> -> memref<10000xi32, #tpu.memory_space<hbm>>
      tpu.enqueue_dma source(%dma_start3A_21 : memref<10000xi32, #tpu.memory_space<hbm>>) target(%arg10 : memref<10000xi32, #tpu.memory_space<vmem>>) target_semaphore(%run_scoped3A_16 : memref<!tpu.dma_semaphore, #tpu.memory_space<semaphore_mem>>)
      %dma_wait3A = arith.constant 0 : i32
      %dma_wait3A_22 = tpu.memref_slice %arg2[%add3A, %dma_wait3A] : memref<32x10000xi32, #tpu.memory_space<hbm>> -> memref<1x10000xi32, #tpu.memory_space<hbm>>
      %dma_wait3A_23 = tpu.memref_squeeze %dma_wait3A_22 : memref<1x10000xi32, #tpu.memory_space<hbm>> -> memref<10000xi32, #tpu.memory_space<hbm>>
      %dma_wait3A_24 = arith.constant 0 : i32
      %dma_wait3A_25 = tpu.memref_slice %arg2[%add3A, %dma_wait3A_24] : memref<32x10000xi32, #tpu.memory_space<hbm>> -> memref<1x10000xi32, #tpu.memory_space<hbm>>
      %dma_wait3A_26 = tpu.memref_squeeze %dma_wait3A_25 : memref<1x10000xi32, #tpu.memory_space<hbm>> -> memref<10000xi32, #tpu.memory_space<hbm>>
      tpu.wait_dma2 semaphore(%run_scoped3A_16 : memref<!tpu.dma_semaphore, #tpu.memory_space<semaphore_mem>>) src(%dma_wait3A_26 : memref<10000xi32, #tpu.memory_space<hbm>>) dst(%arg10 : memref<10000xi32, #tpu.memory_space<vmem>>)
      tpu.yield
    }) : () -> ()
    "tpu.region"() ({
      %run_scoped3A_16 = tpu.sem_alloc : memref<!tpu.dma_semaphore, #tpu.memory_space<semaphore_mem>>
      %dma_start3A = arith.constant 0 : i32
      %dma_start3A_17 = tpu.memref_slice %arg3[%add3A, %dma_start3A] : memref<32x10000xi32, #tpu.memory_space<hbm>> -> memref<1x10000xi32, #tpu.memory_space<hbm>>
      %dma_start3A_18 = tpu.memref_squeeze %dma_start3A_17 : memref<1x10000xi32, #tpu.memory_space<hbm>> -> memref<10000xi32, #tpu.memory_space<hbm>>
      %dma_start3A_19 = arith.constant 0 : i32
      %dma_start3A_20 = tpu.memref_slice %arg3[%add3A, %dma_start3A_19] : memref<32x10000xi32, #tpu.memory_space<hbm>> -> memref<1x10000xi32, #tpu.memory_space<hbm>>
      %dma_start3A_21 = tpu.memref_squeeze %dma_start3A_20 : memref<1x10000xi32, #tpu.memory_space<hbm>> -> memref<10000xi32, #tpu.memory_space<hbm>>
      tpu.enqueue_dma source(%dma_start3A_21 : memref<10000xi32, #tpu.memory_space<hbm>>) target(%arg11 : memref<10000xi32, #tpu.memory_space<vmem>>) target_semaphore(%run_scoped3A_16 : memref<!tpu.dma_semaphore, #tpu.memory_space<semaphore_mem>>)
      %dma_wait3A = arith.constant 0 : i32
      %dma_wait3A_22 = tpu.memref_slice %arg3[%add3A, %dma_wait3A] : memref<32x10000xi32, #tpu.memory_space<hbm>> -> memref<1x10000xi32, #tpu.memory_space<hbm>>
      %dma_wait3A_23 = tpu.memref_squeeze %dma_wait3A_22 : memref<1x10000xi32, #tpu.memory_space<hbm>> -> memref<10000xi32, #tpu.memory_space<hbm>>
      %dma_wait3A_24 = arith.constant 0 : i32
      %dma_wait3A_25 = tpu.memref_slice %arg3[%add3A, %dma_wait3A_24] : memref<32x10000xi32, #tpu.memory_space<hbm>> -> memref<1x10000xi32, #tpu.memory_space<hbm>>
      %dma_wait3A_26 = tpu.memref_squeeze %dma_wait3A_25 : memref<1x10000xi32, #tpu.memory_space<hbm>> -> memref<10000xi32, #tpu.memory_space<hbm>>
      tpu.wait_dma2 semaphore(%run_scoped3A_16 : memref<!tpu.dma_semaphore, #tpu.memory_space<semaphore_mem>>) src(%dma_wait3A_26 : memref<10000xi32, #tpu.memory_space<hbm>>) dst(%arg11 : memref<10000xi32, #tpu.memory_space<vmem>>)
      tpu.yield
    }) : () -> ()
    "tpu.region"() ({
      %run_scoped3A_16 = tpu.sem_alloc : memref<!tpu.dma_semaphore, #tpu.memory_space<semaphore_mem>>
      tpu.enqueue_dma source(%arg5 : memref<10000xf32, #tpu.memory_space<hbm>>) target(%arg12 : memref<10000xf32, #tpu.memory_space<vmem>>) target_semaphore(%run_scoped3A_16 : memref<!tpu.dma_semaphore, #tpu.memory_space<semaphore_mem>>)
      tpu.wait_dma2 semaphore(%run_scoped3A_16 : memref<!tpu.dma_semaphore, #tpu.memory_space<semaphore_mem>>) src(%arg5 : memref<10000xf32, #tpu.memory_space<hbm>>) dst(%arg12 : memref<10000xf32, #tpu.memory_space<vmem>>)
      tpu.yield
    }) : () -> ()
    "tpu.region"() ({
      %run_scoped3A_16 = tpu.sem_alloc : memref<!tpu.dma_semaphore, #tpu.memory_space<semaphore_mem>>
      tpu.enqueue_dma source(%arg6 : memref<256x256xf32, #tpu.memory_space<hbm>>) target(%arg13 : memref<256x256xf32, #tpu.memory_space<vmem>>) target_semaphore(%run_scoped3A_16 : memref<!tpu.dma_semaphore, #tpu.memory_space<semaphore_mem>>)
      tpu.wait_dma2 semaphore(%run_scoped3A_16 : memref<!tpu.dma_semaphore, #tpu.memory_space<semaphore_mem>>) src(%arg6 : memref<256x256xf32, #tpu.memory_space<hbm>>) dst(%arg13 : memref<256x256xf32, #tpu.memory_space<vmem>>)
      tpu.yield
    }) : () -> ()
    %broadcast_in_dim3A = arith.constant 1.000000e+00 : f32
    %broadcast_in_dim3A_1 = vector.broadcast %broadcast_in_dim3A : f32 to vector<16xf32>
    %scan3A = arith.constant 0 : i32
    %scan3A_2 = arith.constant 0 : i32
    %scan3A_3 = arith.constant 625 : i32
    %scan3A_4 = arith.addi %scan3A_2, %scan3A_3 : i32
    %scan3A_5 = arith.constant 1 : i32
    scf.for %scan3A_16 = %scan3A_2 to %scan3A_4 step %scan3A_5  : i32 {
      %mul3A_17 = arith.constant 16 : i32
      %mul3A_18 = arith.muli %scan3A_16, %mul3A_17 : i32
      %get3A = arith.index_cast %mul3A_18 : i32 to index
      %get3A_19 = tpu.vector_load %arg10[%get3A] {strides = array<i32>} : memref<10000xi32, #tpu.memory_space<vmem>>, vector<16xi32>,
      %mul3A_20 = arith.constant 16 : i32
      %mul3A_21 = arith.muli %scan3A_16, %mul3A_20 : i32
      %get3A_22 = arith.index_cast %mul3A_21 : i32 to index
      %get3A_23 = tpu.vector_load %arg11[%get3A_22] {strides = array<i32>} : memref<10000xi32, #tpu.memory_space<vmem>>, vector<16xi32>,
      tpu.vector_store_idx %arg12[%get3A_23], %broadcast_in_dim3A_1 {add = true} : memref<10000xf32, #tpu.memory_space<vmem>>[vector<16xi32>], vector<16xf32>,
      %gather3A = tpu.vector_load_idx %arg9[%get3A_19] : memref<10000xi32, #tpu.memory_space<vmem>>[vector<16xi32>], vector<16xi32>,
      %gather3A_24 = tpu.vector_load_idx %arg9[%get3A_23] : memref<10000xi32, #tpu.memory_space<vmem>>[vector<16xi32>], vector<16xi32>,
      tpu.vector_store_idx %arg13[%gather3A, %gather3A_24], %broadcast_in_dim3A_1 {add = true} : memref<256x256xf32, #tpu.memory_space<vmem>>[vector<16xi32>, vector<16xi32>], vector<16xf32>,
    }
    %scan3A_6 = arith.constant 625 : i32
    %run_scoped3A = arith.constant 0 : i32
    "tpu.region"() ({
      %run_scoped3A_16 = tpu.sem_alloc : memref<!tpu.dma_semaphore, #tpu.memory_space<semaphore_mem>>
      %dma_start3A = arith.constant 0 : i32
      %dma_start3A_17 = tpu.memref_slice %arg12[%dma_start3A] : memref<10000xf32, #tpu.memory_space<vmem>> -> memref<1000xf32, #tpu.memory_space<vmem>>
      %dma_start3A_18 = arith.constant 0 : i32
      %dma_start3A_19 = tpu.memref_slice %arg7[%run_scoped3A, %add3A, %dma_start3A_18] : memref<10x32x1000xf32, #tpu.memory_space<hbm>> -> memref<1x1x1000xf32, #tpu.memory_space<hbm>>
      %dma_start3A_20 = tpu.memref_squeeze %dma_start3A_19 : memref<1x1x1000xf32, #tpu.memory_space<hbm>> -> memref<1000xf32, #tpu.memory_space<hbm>>
      %dma_start3A_21 = arith.constant 0 : i32
      %dma_start3A_22 = tpu.memref_slice %arg7[%run_scoped3A, %add3A, %dma_start3A_21] : memref<10x32x1000xf32, #tpu.memory_space<hbm>> -> memref<1x1x1000xf32, #tpu.memory_space<hbm>>
      %dma_start3A_23 = tpu.memref_squeeze %dma_start3A_22 : memref<1x1x1000xf32, #tpu.memory_space<hbm>> -> memref<1000xf32, #tpu.memory_space<hbm>>
      %dma_start3A_24 = arith.constant 0 : i32
      %dma_start3A_25 = tpu.memref_slice %arg12[%dma_start3A_24] : memref<10000xf32, #tpu.memory_space<vmem>> -> memref<1000xf32, #tpu.memory_space<vmem>>
      tpu.enqueue_dma source(%dma_start3A_25 : memref<1000xf32, #tpu.memory_space<vmem>>) target(%dma_start3A_23 : memref<1000xf32, #tpu.memory_space<hbm>>) target_semaphore(%run_scoped3A_16 : memref<!tpu.dma_semaphore, #tpu.memory_space<semaphore_mem>>)
      %dma_wait3A = arith.constant 0 : i32
      %dma_wait3A_26 = tpu.memref_slice %arg12[%dma_wait3A] : memref<10000xf32, #tpu.memory_space<vmem>> -> memref<1000xf32, #tpu.memory_space<vmem>>
      %dma_wait3A_27 = arith.constant 0 : i32
      %dma_wait3A_28 = tpu.memref_slice %arg7[%run_scoped3A, %add3A, %dma_wait3A_27] : memref<10x32x1000xf32, #tpu.memory_space<hbm>> -> memref<1x1x1000xf32, #tpu.memory_space<hbm>>
      %dma_wait3A_29 = tpu.memref_squeeze %dma_wait3A_28 : memref<1x1x1000xf32, #tpu.memory_space<hbm>> -> memref<1000xf32, #tpu.memory_space<hbm>>
      %dma_wait3A_30 = arith.constant 0 : i32
      %dma_wait3A_31 = tpu.memref_slice %arg7[%run_scoped3A, %add3A, %dma_wait3A_30] : memref<10x32x1000xf32, #tpu.memory_space<hbm>> -> memref<1x1x1000xf32, #tpu.memory_space<hbm>>
      %dma_wait3A_32 = tpu.memref_squeeze %dma_wait3A_31 : memref<1x1x1000xf32, #tpu.memory_space<hbm>> -> memref<1000xf32, #tpu.memory_space<hbm>>
      %dma_wait3A_33 = arith.constant 0 : i32
      %dma_wait3A_34 = tpu.memref_slice %arg12[%dma_wait3A_33] : memref<10000xf32, #tpu.memory_space<vmem>> -> memref<1000xf32, #tpu.memory_space<vmem>>
      tpu.wait_dma2 semaphore(%run_scoped3A_16 : memref<!tpu.dma_semaphore, #tpu.memory_space<semaphore_mem>>) src(%dma_wait3A_34 : memref<1000xf32, #tpu.memory_space<vmem>>) dst(%dma_wait3A_32 : memref<1000xf32, #tpu.memory_space<hbm>>)
      tpu.yield
    }) : () -> ()
    %run_scoped3A_7 = arith.constant 1 : i32
    "tpu.region"() ({
      %run_scoped3A_16 = tpu.sem_alloc : memref<!tpu.dma_semaphore, #tpu.memory_space<semaphore_mem>>
      %dma_start3A = arith.constant 1000 : i32
      %dma_start3A_17 = tpu.memref_slice %arg12[%dma_start3A] : memref<10000xf32, #tpu.memory_space<vmem>> -> memref<1000xf32, #tpu.memory_space<vmem>>
      %dma_start3A_18 = arith.constant 0 : i32
      %dma_start3A_19 = tpu.memref_slice %arg7[%run_scoped3A_7, %add3A, %dma_start3A_18] : memref<10x32x1000xf32, #tpu.memory_space<hbm>> -> memref<1x1x1000xf32, #tpu.memory_space<hbm>>
      %dma_start3A_20 = tpu.memref_squeeze %dma_start3A_19 : memref<1x1x1000xf32, #tpu.memory_space<hbm>> -> memref<1000xf32, #tpu.memory_space<hbm>>
      %dma_start3A_21 = arith.constant 0 : i32
      %dma_start3A_22 = tpu.memref_slice %arg7[%run_scoped3A_7, %add3A, %dma_start3A_21] : memref<10x32x1000xf32, #tpu.memory_space<hbm>> -> memref<1x1x1000xf32, #tpu.memory_space<hbm>>
      %dma_start3A_23 = tpu.memref_squeeze %dma_start3A_22 : memref<1x1x1000xf32, #tpu.memory_space<hbm>> -> memref<1000xf32, #tpu.memory_space<hbm>>
      %dma_start3A_24 = arith.constant 1000 : i32
      %dma_start3A_25 = tpu.memref_slice %arg12[%dma_start3A_24] : memref<10000xf32, #tpu.memory_space<vmem>> -> memref<1000xf32, #tpu.memory_space<vmem>>
      tpu.enqueue_dma source(%dma_start3A_25 : memref<1000xf32, #tpu.memory_space<vmem>>) target(%dma_start3A_23 : memref<1000xf32, #tpu.memory_space<hbm>>) target_semaphore(%run_scoped3A_16 : memref<!tpu.dma_semaphore, #tpu.memory_space<semaphore_mem>>)
      %dma_wait3A = arith.constant 1000 : i32
      %dma_wait3A_26 = tpu.memref_slice %arg12[%dma_wait3A] : memref<10000xf32, #tpu.memory_space<vmem>> -> memref<1000xf32, #tpu.memory_space<vmem>>
      %dma_wait3A_27 = arith.constant 0 : i32
      %dma_wait3A_28 = tpu.memref_slice %arg7[%run_scoped3A_7, %add3A, %dma_wait3A_27] : memref<10x32x1000xf32, #tpu.memory_space<hbm>> -> memref<1x1x1000xf32, #tpu.memory_space<hbm>>
      %dma_wait3A_29 = tpu.memref_squeeze %dma_wait3A_28 : memref<1x1x1000xf32, #tpu.memory_space<hbm>> -> memref<1000xf32, #tpu.memory_space<hbm>>
      %dma_wait3A_30 = arith.constant 0 : i32
      %dma_wait3A_31 = tpu.memref_slice %arg7[%run_scoped3A_7, %add3A, %dma_wait3A_30] : memref<10x32x1000xf32, #tpu.memory_space<hbm>> -> memref<1x1x1000xf32, #tpu.memory_space<hbm>>
      %dma_wait3A_32 = tpu.memref_squeeze %dma_wait3A_31 : memref<1x1x1000xf32, #tpu.memory_space<hbm>> -> memref<1000xf32, #tpu.memory_space<hbm>>
      %dma_wait3A_33 = arith.constant 1000 : i32
      %dma_wait3A_34 = tpu.memref_slice %arg12[%dma_wait3A_33] : memref<10000xf32, #tpu.memory_space<vmem>> -> memref<1000xf32, #tpu.memory_space<vmem>>
      tpu.wait_dma2 semaphore(%run_scoped3A_16 : memref<!tpu.dma_semaphore, #tpu.memory_space<semaphore_mem>>) src(%dma_wait3A_34 : memref<1000xf32, #tpu.memory_space<vmem>>) dst(%dma_wait3A_32 : memref<1000xf32, #tpu.memory_space<hbm>>)
      tpu.yield
    }) : () -> ()
    %run_scoped3A_8 = arith.constant 2 : i32
    "tpu.region"() ({
      %run_scoped3A_16 = tpu.sem_alloc : memref<!tpu.dma_semaphore, #tpu.memory_space<semaphore_mem>>
      %dma_start3A = arith.constant 2000 : i32
      %dma_start3A_17 = tpu.memref_slice %arg12[%dma_start3A] : memref<10000xf32, #tpu.memory_space<vmem>> -> memref<1000xf32, #tpu.memory_space<vmem>>
      %dma_start3A_18 = arith.constant 0 : i32
      %dma_start3A_19 = tpu.memref_slice %arg7[%run_scoped3A_8, %add3A, %dma_start3A_18] : memref<10x32x1000xf32, #tpu.memory_space<hbm>> -> memref<1x1x1000xf32, #tpu.memory_space<hbm>>
      %dma_start3A_20 = tpu.memref_squeeze %dma_start3A_19 : memref<1x1x1000xf32, #tpu.memory_space<hbm>> -> memref<1000xf32, #tpu.memory_space<hbm>>
      %dma_start3A_21 = arith.constant 0 : i32
      %dma_start3A_22 = tpu.memref_slice %arg7[%run_scoped3A_8, %add3A, %dma_start3A_21] : memref<10x32x1000xf32, #tpu.memory_space<hbm>> -> memref<1x1x1000xf32, #tpu.memory_space<hbm>>
      %dma_start3A_23 = tpu.memref_squeeze %dma_start3A_22 : memref<1x1x1000xf32, #tpu.memory_space<hbm>> -> memref<1000xf32, #tpu.memory_space<hbm>>
      %dma_start3A_24 = arith.constant 2000 : i32
      %dma_start3A_25 = tpu.memref_slice %arg12[%dma_start3A_24] : memref<10000xf32, #tpu.memory_space<vmem>> -> memref<1000xf32, #tpu.memory_space<vmem>>
      tpu.enqueue_dma source(%dma_start3A_25 : memref<1000xf32, #tpu.memory_space<vmem>>) target(%dma_start3A_23 : memref<1000xf32, #tpu.memory_space<hbm>>) target_semaphore(%run_scoped3A_16 : memref<!tpu.dma_semaphore, #tpu.memory_space<semaphore_mem>>)
      %dma_wait3A = arith.constant 2000 : i32
      %dma_wait3A_26 = tpu.memref_slice %arg12[%dma_wait3A] : memref<10000xf32, #tpu.memory_space<vmem>> -> memref<1000xf32, #tpu.memory_space<vmem>>
      %dma_wait3A_27 = arith.constant 0 : i32
      %dma_wait3A_28 = tpu.memref_slice %arg7[%run_scoped3A_8, %add3A, %dma_wait3A_27] : memref<10x32x1000xf32, #tpu.memory_space<hbm>> -> memref<1x1x1000xf32, #tpu.memory_space<hbm>>
      %dma_wait3A_29 = tpu.memref_squeeze %dma_wait3A_28 : memref<1x1x1000xf32, #tpu.memory_space<hbm>> -> memref<1000xf32, #tpu.memory_space<hbm>>
      %dma_wait3A_30 = arith.constant 0 : i32
      %dma_wait3A_31 = tpu.memref_slice %arg7[%run_scoped3A_8, %add3A, %dma_wait3A_30] : memref<10x32x1000xf32, #tpu.memory_space<hbm>> -> memref<1x1x1000xf32, #tpu.memory_space<hbm>>
      %dma_wait3A_32 = tpu.memref_squeeze %dma_wait3A_31 : memref<1x1x1000xf32, #tpu.memory_space<hbm>> -> memref<1000xf32, #tpu.memory_space<hbm>>
      %dma_wait3A_33 = arith.constant 2000 : i32
      %dma_wait3A_34 = tpu.memref_slice %arg12[%dma_wait3A_33] : memref<10000xf32, #tpu.memory_space<vmem>> -> memref<1000xf32, #tpu.memory_space<vmem>>
      tpu.wait_dma2 semaphore(%run_scoped3A_16 : memref<!tpu.dma_semaphore, #tpu.memory_space<semaphore_mem>>) src(%dma_wait3A_34 : memref<1000xf32, #tpu.memory_space<vmem>>) dst(%dma_wait3A_32 : memref<1000xf32, #tpu.memory_space<hbm>>)
      tpu.yield
    }) : () -> ()
    %run_scoped3A_9 = arith.constant 3 : i32
    "tpu.region"() ({
      %run_scoped3A_16 = tpu.sem_alloc : memref<!tpu.dma_semaphore, #tpu.memory_space<semaphore_mem>>
      %dma_start3A = arith.constant 3000 : i32
      %dma_start3A_17 = tpu.memref_slice %arg12[%dma_start3A] : memref<10000xf32, #tpu.memory_space<vmem>> -> memref<1000xf32, #tpu.memory_space<vmem>>
      %dma_start3A_18 = arith.constant 0 : i32
      %dma_start3A_19 = tpu.memref_slice %arg7[%run_scoped3A_9, %add3A, %dma_start3A_18] : memref<10x32x1000xf32, #tpu.memory_space<hbm>> -> memref<1x1x1000xf32, #tpu.memory_space<hbm>>
      %dma_start3A_20 = tpu.memref_squeeze %dma_start3A_19 : memref<1x1x1000xf32, #tpu.memory_space<hbm>> -> memref<1000xf32, #tpu.memory_space<hbm>>
      %dma_start3A_21 = arith.constant 0 : i32
      %dma_start3A_22 = tpu.memref_slice %arg7[%run_scoped3A_9, %add3A, %dma_start3A_21] : memref<10x32x1000xf32, #tpu.memory_space<hbm>> -> memref<1x1x1000xf32, #tpu.memory_space<hbm>>
      %dma_start3A_23 = tpu.memref_squeeze %dma_start3A_22 : memref<1x1x1000xf32, #tpu.memory_space<hbm>> -> memref<1000xf32, #tpu.memory_space<hbm>>
      %dma_start3A_24 = arith.constant 3000 : i32
      %dma_start3A_25 = tpu.memref_slice %arg12[%dma_start3A_24] : memref<10000xf32, #tpu.memory_space<vmem>> -> memref<1000xf32, #tpu.memory_space<vmem>>
      tpu.enqueue_dma source(%dma_start3A_25 : memref<1000xf32, #tpu.memory_space<vmem>>) target(%dma_start3A_23 : memref<1000xf32, #tpu.memory_space<hbm>>) target_semaphore(%run_scoped3A_16 : memref<!tpu.dma_semaphore, #tpu.memory_space<semaphore_mem>>)
      %dma_wait3A = arith.constant 3000 : i32
      %dma_wait3A_26 = tpu.memref_slice %arg12[%dma_wait3A] : memref<10000xf32, #tpu.memory_space<vmem>> -> memref<1000xf32, #tpu.memory_space<vmem>>
      %dma_wait3A_27 = arith.constant 0 : i32
      %dma_wait3A_28 = tpu.memref_slice %arg7[%run_scoped3A_9, %add3A, %dma_wait3A_27] : memref<10x32x1000xf32, #tpu.memory_space<hbm>> -> memref<1x1x1000xf32, #tpu.memory_space<hbm>>
      %dma_wait3A_29 = tpu.memref_squeeze %dma_wait3A_28 : memref<1x1x1000xf32, #tpu.memory_space<hbm>> -> memref<1000xf32, #tpu.memory_space<hbm>>
      %dma_wait3A_30 = arith.constant 0 : i32
      %dma_wait3A_31 = tpu.memref_slice %arg7[%run_scoped3A_9, %add3A, %dma_wait3A_30] : memref<10x32x1000xf32, #tpu.memory_space<hbm>> -> memref<1x1x1000xf32, #tpu.memory_space<hbm>>
      %dma_wait3A_32 = tpu.memref_squeeze %dma_wait3A_31 : memref<1x1x1000xf32, #tpu.memory_space<hbm>> -> memref<1000xf32, #tpu.memory_space<hbm>>
      %dma_wait3A_33 = arith.constant 3000 : i32
      %dma_wait3A_34 = tpu.memref_slice %arg12[%dma_wait3A_33] : memref<10000xf32, #tpu.memory_space<vmem>> -> memref<1000xf32, #tpu.memory_space<vmem>>
      tpu.wait_dma2 semaphore(%run_scoped3A_16 : memref<!tpu.dma_semaphore, #tpu.memory_space<semaphore_mem>>) src(%dma_wait3A_34 : memref<1000xf32, #tpu.memory_space<vmem>>) dst(%dma_wait3A_32 : memref<1000xf32, #tpu.memory_space<hbm>>)
      tpu.yield
    }) : () -> ()
    %run_scoped3A_10 = arith.constant 4 : i32
    "tpu.region"() ({
      %run_scoped3A_16 = tpu.sem_alloc : memref<!tpu.dma_semaphore, #tpu.memory_space<semaphore_mem>>
      %dma_start3A = arith.constant 4000 : i32
      %dma_start3A_17 = tpu.memref_slice %arg12[%dma_start3A] : memref<10000xf32, #tpu.memory_space<vmem>> -> memref<1000xf32, #tpu.memory_space<vmem>>
      %dma_start3A_18 = arith.constant 0 : i32
      %dma_start3A_19 = tpu.memref_slice %arg7[%run_scoped3A_10, %add3A, %dma_start3A_18] : memref<10x32x1000xf32, #tpu.memory_space<hbm>> -> memref<1x1x1000xf32, #tpu.memory_space<hbm>>
      %dma_start3A_20 = tpu.memref_squeeze %dma_start3A_19 : memref<1x1x1000xf32, #tpu.memory_space<hbm>> -> memref<1000xf32, #tpu.memory_space<hbm>>
      %dma_start3A_21 = arith.constant 0 : i32
      %dma_start3A_22 = tpu.memref_slice %arg7[%run_scoped3A_10, %add3A, %dma_start3A_21] : memref<10x32x1000xf32, #tpu.memory_space<hbm>> -> memref<1x1x1000xf32, #tpu.memory_space<hbm>>
      %dma_start3A_23 = tpu.memref_squeeze %dma_start3A_22 : memref<1x1x1000xf32, #tpu.memory_space<hbm>> -> memref<1000xf32, #tpu.memory_space<hbm>>
      %dma_start3A_24 = arith.constant 4000 : i32
      %dma_start3A_25 = tpu.memref_slice %arg12[%dma_start3A_24] : memref<10000xf32, #tpu.memory_space<vmem>> -> memref<1000xf32, #tpu.memory_space<vmem>>
      tpu.enqueue_dma source(%dma_start3A_25 : memref<1000xf32, #tpu.memory_space<vmem>>) target(%dma_start3A_23 : memref<1000xf32, #tpu.memory_space<hbm>>) target_semaphore(%run_scoped3A_16 : memref<!tpu.dma_semaphore, #tpu.memory_space<semaphore_mem>>)
      %dma_wait3A = arith.constant 4000 : i32
      %dma_wait3A_26 = tpu.memref_slice %arg12[%dma_wait3A] : memref<10000xf32, #tpu.memory_space<vmem>> -> memref<1000xf32, #tpu.memory_space<vmem>>
      %dma_wait3A_27 = arith.constant 0 : i32
      %dma_wait3A_28 = tpu.memref_slice %arg7[%run_scoped3A_10, %add3A, %dma_wait3A_27] : memref<10x32x1000xf32, #tpu.memory_space<hbm>> -> memref<1x1x1000xf32, #tpu.memory_space<hbm>>
      %dma_wait3A_29 = tpu.memref_squeeze %dma_wait3A_28 : memref<1x1x1000xf32, #tpu.memory_space<hbm>> -> memref<1000xf32, #tpu.memory_space<hbm>>
      %dma_wait3A_30 = arith.constant 0 : i32
      %dma_wait3A_31 = tpu.memref_slice %arg7[%run_scoped3A_10, %add3A, %dma_wait3A_30] : memref<10x32x1000xf32, #tpu.memory_space<hbm>> -> memref<1x1x1000xf32, #tpu.memory_space<hbm>>
      %dma_wait3A_32 = tpu.memref_squeeze %dma_wait3A_31 : memref<1x1x1000xf32, #tpu.memory_space<hbm>> -> memref<1000xf32, #tpu.memory_space<hbm>>
      %dma_wait3A_33 = arith.constant 4000 : i32
      %dma_wait3A_34 = tpu.memref_slice %arg12[%dma_wait3A_33] : memref<10000xf32, #tpu.memory_space<vmem>> -> memref<1000xf32, #tpu.memory_space<vmem>>
      tpu.wait_dma2 semaphore(%run_scoped3A_16 : memref<!tpu.dma_semaphore, #tpu.memory_space<semaphore_mem>>) src(%dma_wait3A_34 : memref<1000xf32, #tpu.memory_space<vmem>>) dst(%dma_wait3A_32 : memref<1000xf32, #tpu.memory_space<hbm>>)
      tpu.yield
    }) : () -> ()
    %run_scoped3A_11 = arith.constant 5 : i32
    "tpu.region"() ({
      %run_scoped3A_16 = tpu.sem_alloc : memref<!tpu.dma_semaphore, #tpu.memory_space<semaphore_mem>>
      %dma_start3A = arith.constant 5000 : i32
      %dma_start3A_17 = tpu.memref_slice %arg12[%dma_start3A] : memref<10000xf32, #tpu.memory_space<vmem>> -> memref<1000xf32, #tpu.memory_space<vmem>>
      %dma_start3A_18 = arith.constant 0 : i32
      %dma_start3A_19 = tpu.memref_slice %arg7[%run_scoped3A_11, %add3A, %dma_start3A_18] : memref<10x32x1000xf32, #tpu.memory_space<hbm>> -> memref<1x1x1000xf32, #tpu.memory_space<hbm>>
      %dma_start3A_20 = tpu.memref_squeeze %dma_start3A_19 : memref<1x1x1000xf32, #tpu.memory_space<hbm>> -> memref<1000xf32, #tpu.memory_space<hbm>>
      %dma_start3A_21 = arith.constant 0 : i32
      %dma_start3A_22 = tpu.memref_slice %arg7[%run_scoped3A_11, %add3A, %dma_start3A_21] : memref<10x32x1000xf32, #tpu.memory_space<hbm>> -> memref<1x1x1000xf32, #tpu.memory_space<hbm>>
      %dma_start3A_23 = tpu.memref_squeeze %dma_start3A_22 : memref<1x1x1000xf32, #tpu.memory_space<hbm>> -> memref<1000xf32, #tpu.memory_space<hbm>>
      %dma_start3A_24 = arith.constant 5000 : i32
      %dma_start3A_25 = tpu.memref_slice %arg12[%dma_start3A_24] : memref<10000xf32, #tpu.memory_space<vmem>> -> memref<1000xf32, #tpu.memory_space<vmem>>
      tpu.enqueue_dma source(%dma_start3A_25 : memref<1000xf32, #tpu.memory_space<vmem>>) target(%dma_start3A_23 : memref<1000xf32, #tpu.memory_space<hbm>>) target_semaphore(%run_scoped3A_16 : memref<!tpu.dma_semaphore, #tpu.memory_space<semaphore_mem>>)
      %dma_wait3A = arith.constant 5000 : i32
      %dma_wait3A_26 = tpu.memref_slice %arg12[%dma_wait3A] : memref<10000xf32, #tpu.memory_space<vmem>> -> memref<1000xf32, #tpu.memory_space<vmem>>
      %dma_wait3A_27 = arith.constant 0 : i32
      %dma_wait3A_28 = tpu.memref_slice %arg7[%run_scoped3A_11, %add3A, %dma_wait3A_27] : memref<10x32x1000xf32, #tpu.memory_space<hbm>> -> memref<1x1x1000xf32, #tpu.memory_space<hbm>>
      %dma_wait3A_29 = tpu.memref_squeeze %dma_wait3A_28 : memref<1x1x1000xf32, #tpu.memory_space<hbm>> -> memref<1000xf32, #tpu.memory_space<hbm>>
      %dma_wait3A_30 = arith.constant 0 : i32
      %dma_wait3A_31 = tpu.memref_slice %arg7[%run_scoped3A_11, %add3A, %dma_wait3A_30] : memref<10x32x1000xf32, #tpu.memory_space<hbm>> -> memref<1x1x1000xf32, #tpu.memory_space<hbm>>
      %dma_wait3A_32 = tpu.memref_squeeze %dma_wait3A_31 : memref<1x1x1000xf32, #tpu.memory_space<hbm>> -> memref<1000xf32, #tpu.memory_space<hbm>>
      %dma_wait3A_33 = arith.constant 5000 : i32
      %dma_wait3A_34 = tpu.memref_slice %arg12[%dma_wait3A_33] : memref<10000xf32, #tpu.memory_space<vmem>> -> memref<1000xf32, #tpu.memory_space<vmem>>
      tpu.wait_dma2 semaphore(%run_scoped3A_16 : memref<!tpu.dma_semaphore, #tpu.memory_space<semaphore_mem>>) src(%dma_wait3A_34 : memref<1000xf32, #tpu.memory_space<vmem>>) dst(%dma_wait3A_32 : memref<1000xf32, #tpu.memory_space<hbm>>)
      tpu.yield
    }) : () -> ()
    %run_scoped3A_12 = arith.constant 6 : i32
    "tpu.region"() ({
      %run_scoped3A_16 = tpu.sem_alloc : memref<!tpu.dma_semaphore, #tpu.memory_space<semaphore_mem>>
      %dma_start3A = arith.constant 6000 : i32
      %dma_start3A_17 = tpu.memref_slice %arg12[%dma_start3A] : memref<10000xf32, #tpu.memory_space<vmem>> -> memref<1000xf32, #tpu.memory_space<vmem>>
      %dma_start3A_18 = arith.constant 0 : i32
      %dma_start3A_19 = tpu.memref_slice %arg7[%run_scoped3A_12, %add3A, %dma_start3A_18] : memref<10x32x1000xf32, #tpu.memory_space<hbm>> -> memref<1x1x1000xf32, #tpu.memory_space<hbm>>
      %dma_start3A_20 = tpu.memref_squeeze %dma_start3A_19 : memref<1x1x1000xf32, #tpu.memory_space<hbm>> -> memref<1000xf32, #tpu.memory_space<hbm>>
      %dma_start3A_21 = arith.constant 0 : i32
      %dma_start3A_22 = tpu.memref_slice %arg7[%run_scoped3A_12, %add3A, %dma_start3A_21] : memref<10x32x1000xf32, #tpu.memory_space<hbm>> -> memref<1x1x1000xf32, #tpu.memory_space<hbm>>
      %dma_start3A_23 = tpu.memref_squeeze %dma_start3A_22 : memref<1x1x1000xf32, #tpu.memory_space<hbm>> -> memref<1000xf32, #tpu.memory_space<hbm>>
      %dma_start3A_24 = arith.constant 6000 : i32
      %dma_start3A_25 = tpu.memref_slice %arg12[%dma_start3A_24] : memref<10000xf32, #tpu.memory_space<vmem>> -> memref<1000xf32, #tpu.memory_space<vmem>>
      tpu.enqueue_dma source(%dma_start3A_25 : memref<1000xf32, #tpu.memory_space<vmem>>) target(%dma_start3A_23 : memref<1000xf32, #tpu.memory_space<hbm>>) target_semaphore(%run_scoped3A_16 : memref<!tpu.dma_semaphore, #tpu.memory_space<semaphore_mem>>)
      %dma_wait3A = arith.constant 6000 : i32
      %dma_wait3A_26 = tpu.memref_slice %arg12[%dma_wait3A] : memref<10000xf32, #tpu.memory_space<vmem>> -> memref<1000xf32, #tpu.memory_space<vmem>>
      %dma_wait3A_27 = arith.constant 0 : i32
      %dma_wait3A_28 = tpu.memref_slice %arg7[%run_scoped3A_12, %add3A, %dma_wait3A_27] : memref<10x32x1000xf32, #tpu.memory_space<hbm>> -> memref<1x1x1000xf32, #tpu.memory_space<hbm>>
      %dma_wait3A_29 = tpu.memref_squeeze %dma_wait3A_28 : memref<1x1x1000xf32, #tpu.memory_space<hbm>> -> memref<1000xf32, #tpu.memory_space<hbm>>
      %dma_wait3A_30 = arith.constant 0 : i32
      %dma_wait3A_31 = tpu.memref_slice %arg7[%run_scoped3A_12, %add3A, %dma_wait3A_30] : memref<10x32x1000xf32, #tpu.memory_space<hbm>> -> memref<1x1x1000xf32, #tpu.memory_space<hbm>>
      %dma_wait3A_32 = tpu.memref_squeeze %dma_wait3A_31 : memref<1x1x1000xf32, #tpu.memory_space<hbm>> -> memref<1000xf32, #tpu.memory_space<hbm>>
      %dma_wait3A_33 = arith.constant 6000 : i32
      %dma_wait3A_34 = tpu.memref_slice %arg12[%dma_wait3A_33] : memref<10000xf32, #tpu.memory_space<vmem>> -> memref<1000xf32, #tpu.memory_space<vmem>>
      tpu.wait_dma2 semaphore(%run_scoped3A_16 : memref<!tpu.dma_semaphore, #tpu.memory_space<semaphore_mem>>) src(%dma_wait3A_34 : memref<1000xf32, #tpu.memory_space<vmem>>) dst(%dma_wait3A_32 : memref<1000xf32, #tpu.memory_space<hbm>>)
      tpu.yield
    }) : () -> ()
    %run_scoped3A_13 = arith.constant 7 : i32
    "tpu.region"() ({
      %run_scoped3A_16 = tpu.sem_alloc : memref<!tpu.dma_semaphore, #tpu.memory_space<semaphore_mem>>
      %dma_start3A = arith.constant 7000 : i32
      %dma_start3A_17 = tpu.memref_slice %arg12[%dma_start3A] : memref<10000xf32, #tpu.memory_space<vmem>> -> memref<1000xf32, #tpu.memory_space<vmem>>
      %dma_start3A_18 = arith.constant 0 : i32
      %dma_start3A_19 = tpu.memref_slice %arg7[%run_scoped3A_13, %add3A, %dma_start3A_18] : memref<10x32x1000xf32, #tpu.memory_space<hbm>> -> memref<1x1x1000xf32, #tpu.memory_space<hbm>>
      %dma_start3A_20 = tpu.memref_squeeze %dma_start3A_19 : memref<1x1x1000xf32, #tpu.memory_space<hbm>> -> memref<1000xf32, #tpu.memory_space<hbm>>
      %dma_start3A_21 = arith.constant 0 : i32
      %dma_start3A_22 = tpu.memref_slice %arg7[%run_scoped3A_13, %add3A, %dma_start3A_21] : memref<10x32x1000xf32, #tpu.memory_space<hbm>> -> memref<1x1x1000xf32, #tpu.memory_space<hbm>>
      %dma_start3A_23 = tpu.memref_squeeze %dma_start3A_22 : memref<1x1x1000xf32, #tpu.memory_space<hbm>> -> memref<1000xf32, #tpu.memory_space<hbm>>
      %dma_start3A_24 = arith.constant 7000 : i32
      %dma_start3A_25 = tpu.memref_slice %arg12[%dma_start3A_24] : memref<10000xf32, #tpu.memory_space<vmem>> -> memref<1000xf32, #tpu.memory_space<vmem>>
      tpu.enqueue_dma source(%dma_start3A_25 : memref<1000xf32, #tpu.memory_space<vmem>>) target(%dma_start3A_23 : memref<1000xf32, #tpu.memory_space<hbm>>) target_semaphore(%run_scoped3A_16 : memref<!tpu.dma_semaphore, #tpu.memory_space<semaphore_mem>>)
      %dma_wait3A = arith.constant 7000 : i32
      %dma_wait3A_26 = tpu.memref_slice %arg12[%dma_wait3A] : memref<10000xf32, #tpu.memory_space<vmem>> -> memref<1000xf32, #tpu.memory_space<vmem>>
      %dma_wait3A_27 = arith.constant 0 : i32
      %dma_wait3A_28 = tpu.memref_slice %arg7[%run_scoped3A_13, %add3A, %dma_wait3A_27] : memref<10x32x1000xf32, #tpu.memory_space<hbm>> -> memref<1x1x1000xf32, #tpu.memory_space<hbm>>
      %dma_wait3A_29 = tpu.memref_squeeze %dma_wait3A_28 : memref<1x1x1000xf32, #tpu.memory_space<hbm>> -> memref<1000xf32, #tpu.memory_space<hbm>>
      %dma_wait3A_30 = arith.constant 0 : i32
      %dma_wait3A_31 = tpu.memref_slice %arg7[%run_scoped3A_13, %add3A, %dma_wait3A_30] : memref<10x32x1000xf32, #tpu.memory_space<hbm>> -> memref<1x1x1000xf32, #tpu.memory_space<hbm>>
      %dma_wait3A_32 = tpu.memref_squeeze %dma_wait3A_31 : memref<1x1x1000xf32, #tpu.memory_space<hbm>> -> memref<1000xf32, #tpu.memory_space<hbm>>
      %dma_wait3A_33 = arith.constant 7000 : i32
      %dma_wait3A_34 = tpu.memref_slice %arg12[%dma_wait3A_33] : memref<10000xf32, #tpu.memory_space<vmem>> -> memref<1000xf32, #tpu.memory_space<vmem>>
      tpu.wait_dma2 semaphore(%run_scoped3A_16 : memref<!tpu.dma_semaphore, #tpu.memory_space<semaphore_mem>>) src(%dma_wait3A_34 : memref<1000xf32, #tpu.memory_space<vmem>>) dst(%dma_wait3A_32 : memref<1000xf32, #tpu.memory_space<hbm>>)
      tpu.yield
    }) : () -> ()
    %run_scoped3A_14 = arith.constant 8 : i32
    "tpu.region"() ({
      %run_scoped3A_16 = tpu.sem_alloc : memref<!tpu.dma_semaphore, #tpu.memory_space<semaphore_mem>>
      %dma_start3A = arith.constant 8000 : i32
      %dma_start3A_17 = tpu.memref_slice %arg12[%dma_start3A] : memref<10000xf32, #tpu.memory_space<vmem>> -> memref<1000xf32, #tpu.memory_space<vmem>>
      %dma_start3A_18 = arith.constant 0 : i32
      %dma_start3A_19 = tpu.memref_slice %arg7[%run_scoped3A_14, %add3A, %dma_start3A_18] : memref<10x32x1000xf32, #tpu.memory_space<hbm>> -> memref<1x1x1000xf32, #tpu.memory_space<hbm>>
      %dma_start3A_20 = tpu.memref_squeeze %dma_start3A_19 : memref<1x1x1000xf32, #tpu.memory_space<hbm>> -> memref<1000xf32, #tpu.memory_space<hbm>>
      %dma_start3A_21 = arith.constant 0 : i32
      %dma_start3A_22 = tpu.memref_slice %arg7[%run_scoped3A_14, %add3A, %dma_start3A_21] : memref<10x32x1000xf32, #tpu.memory_space<hbm>> -> memref<1x1x1000xf32, #tpu.memory_space<hbm>>
      %dma_start3A_23 = tpu.memref_squeeze %dma_start3A_22 : memref<1x1x1000xf32, #tpu.memory_space<hbm>> -> memref<1000xf32, #tpu.memory_space<hbm>>
      %dma_start3A_24 = arith.constant 8000 : i32
      %dma_start3A_25 = tpu.memref_slice %arg12[%dma_start3A_24] : memref<10000xf32, #tpu.memory_space<vmem>> -> memref<1000xf32, #tpu.memory_space<vmem>>
      tpu.enqueue_dma source(%dma_start3A_25 : memref<1000xf32, #tpu.memory_space<vmem>>) target(%dma_start3A_23 : memref<1000xf32, #tpu.memory_space<hbm>>) target_semaphore(%run_scoped3A_16 : memref<!tpu.dma_semaphore, #tpu.memory_space<semaphore_mem>>)
      %dma_wait3A = arith.constant 8000 : i32
      %dma_wait3A_26 = tpu.memref_slice %arg12[%dma_wait3A] : memref<10000xf32, #tpu.memory_space<vmem>> -> memref<1000xf32, #tpu.memory_space<vmem>>
      %dma_wait3A_27 = arith.constant 0 : i32
      %dma_wait3A_28 = tpu.memref_slice %arg7[%run_scoped3A_14, %add3A, %dma_wait3A_27] : memref<10x32x1000xf32, #tpu.memory_space<hbm>> -> memref<1x1x1000xf32, #tpu.memory_space<hbm>>
      %dma_wait3A_29 = tpu.memref_squeeze %dma_wait3A_28 : memref<1x1x1000xf32, #tpu.memory_space<hbm>> -> memref<1000xf32, #tpu.memory_space<hbm>>
      %dma_wait3A_30 = arith.constant 0 : i32
      %dma_wait3A_31 = tpu.memref_slice %arg7[%run_scoped3A_14, %add3A, %dma_wait3A_30] : memref<10x32x1000xf32, #tpu.memory_space<hbm>> -> memref<1x1x1000xf32, #tpu.memory_space<hbm>>
      %dma_wait3A_32 = tpu.memref_squeeze %dma_wait3A_31 : memref<1x1x1000xf32, #tpu.memory_space<hbm>> -> memref<1000xf32, #tpu.memory_space<hbm>>
      %dma_wait3A_33 = arith.constant 8000 : i32
      %dma_wait3A_34 = tpu.memref_slice %arg12[%dma_wait3A_33] : memref<10000xf32, #tpu.memory_space<vmem>> -> memref<1000xf32, #tpu.memory_space<vmem>>
      tpu.wait_dma2 semaphore(%run_scoped3A_16 : memref<!tpu.dma_semaphore, #tpu.memory_space<semaphore_mem>>) src(%dma_wait3A_34 : memref<1000xf32, #tpu.memory_space<vmem>>) dst(%dma_wait3A_32 : memref<1000xf32, #tpu.memory_space<hbm>>)
      tpu.yield
    }) : () -> ()
    %run_scoped3A_15 = arith.constant 9 : i32
    "tpu.region"() ({
      %run_scoped3A_16 = tpu.sem_alloc : memref<!tpu.dma_semaphore, #tpu.memory_space<semaphore_mem>>
      %dma_start3A = arith.constant 9000 : i32
      %dma_start3A_17 = tpu.memref_slice %arg12[%dma_start3A] : memref<10000xf32, #tpu.memory_space<vmem>> -> memref<1000xf32, #tpu.memory_space<vmem>>
      %dma_start3A_18 = arith.constant 0 : i32
      %dma_start3A_19 = tpu.memref_slice %arg7[%run_scoped3A_15, %add3A, %dma_start3A_18] : memref<10x32x1000xf32, #tpu.memory_space<hbm>> -> memref<1x1x1000xf32, #tpu.memory_space<hbm>>
      %dma_start3A_20 = tpu.memref_squeeze %dma_start3A_19 : memref<1x1x1000xf32, #tpu.memory_space<hbm>> -> memref<1000xf32, #tpu.memory_space<hbm>>
      %dma_start3A_21 = arith.constant 0 : i32
      %dma_start3A_22 = tpu.memref_slice %arg7[%run_scoped3A_15, %add3A, %dma_start3A_21] : memref<10x32x1000xf32, #tpu.memory_space<hbm>> -> memref<1x1x1000xf32, #tpu.memory_space<hbm>>
      %dma_start3A_23 = tpu.memref_squeeze %dma_start3A_22 : memref<1x1x1000xf32, #tpu.memory_space<hbm>> -> memref<1000xf32, #tpu.memory_space<hbm>>
      %dma_start3A_24 = arith.constant 9000 : i32
      %dma_start3A_25 = tpu.memref_slice %arg12[%dma_start3A_24] : memref<10000xf32, #tpu.memory_space<vmem>> -> memref<1000xf32, #tpu.memory_space<vmem>>
      tpu.enqueue_dma source(%dma_start3A_25 : memref<1000xf32, #tpu.memory_space<vmem>>) target(%dma_start3A_23 : memref<1000xf32, #tpu.memory_space<hbm>>) target_semaphore(%run_scoped3A_16 : memref<!tpu.dma_semaphore, #tpu.memory_space<semaphore_mem>>)
      %dma_wait3A = arith.constant 9000 : i32
      %dma_wait3A_26 = tpu.memref_slice %arg12[%dma_wait3A] : memref<10000xf32, #tpu.memory_space<vmem>> -> memref<1000xf32, #tpu.memory_space<vmem>>
      %dma_wait3A_27 = arith.constant 0 : i32
      %dma_wait3A_28 = tpu.memref_slice %arg7[%run_scoped3A_15, %add3A, %dma_wait3A_27] : memref<10x32x1000xf32, #tpu.memory_space<hbm>> -> memref<1x1x1000xf32, #tpu.memory_space<hbm>>
      %dma_wait3A_29 = tpu.memref_squeeze %dma_wait3A_28 : memref<1x1x1000xf32, #tpu.memory_space<hbm>> -> memref<1000xf32, #tpu.memory_space<hbm>>
      %dma_wait3A_30 = arith.constant 0 : i32
      %dma_wait3A_31 = tpu.memref_slice %arg7[%run_scoped3A_15, %add3A, %dma_wait3A_30] : memref<10x32x1000xf32, #tpu.memory_space<hbm>> -> memref<1x1x1000xf32, #tpu.memory_space<hbm>>
      %dma_wait3A_32 = tpu.memref_squeeze %dma_wait3A_31 : memref<1x1x1000xf32, #tpu.memory_space<hbm>> -> memref<1000xf32, #tpu.memory_space<hbm>>
      %dma_wait3A_33 = arith.constant 9000 : i32
      %dma_wait3A_34 = tpu.memref_slice %arg12[%dma_wait3A_33] : memref<10000xf32, #tpu.memory_space<vmem>> -> memref<1000xf32, #tpu.memory_space<vmem>>
      tpu.wait_dma2 semaphore(%run_scoped3A_16 : memref<!tpu.dma_semaphore, #tpu.memory_space<semaphore_mem>>) src(%dma_wait3A_34 : memref<1000xf32, #tpu.memory_space<vmem>>) dst(%dma_wait3A_32 : memref<1000xf32, #tpu.memory_space<hbm>>)
      tpu.yield
    }) : () -> ()
    "tpu.region"() ({
      %run_scoped3A_16 = tpu.sem_alloc : memref<!tpu.dma_semaphore, #tpu.memory_space<semaphore_mem>>
      %dma_start3A = arith.constant 0 : i32
      %dma_start3A_17 = arith.constant 0 : i32
      %dma_start3A_18 = tpu.memref_slice %arg8[%add3A, %dma_start3A, %dma_start3A_17] : memref<32x256x256xf32, #tpu.memory_space<hbm>> -> memref<1x256x256xf32, #tpu.memory_space<hbm>>
      %dma_start3A_19 = tpu.memref_squeeze %dma_start3A_18 : memref<1x256x256xf32, #tpu.memory_space<hbm>> -> memref<256x256xf32, #tpu.memory_space<hbm>>
      %dma_start3A_20 = arith.constant 0 : i32
      %dma_start3A_21 = arith.constant 0 : i32
      %dma_start3A_22 = tpu.memref_slice %arg8[%add3A, %dma_start3A_20, %dma_start3A_21] : memref<32x256x256xf32, #tpu.memory_space<hbm>> -> memref<1x256x256xf32, #tpu.memory_space<hbm>>
      %dma_start3A_23 = tpu.memref_squeeze %dma_start3A_22 : memref<1x256x256xf32, #tpu.memory_space<hbm>> -> memref<256x256xf32, #tpu.memory_space<hbm>>
      tpu.enqueue_dma source(%arg13 : memref<256x256xf32, #tpu.memory_space<vmem>>) target(%dma_start3A_23 : memref<256x256xf32, #tpu.memory_space<hbm>>) target_semaphore(%run_scoped3A_16 : memref<!tpu.dma_semaphore, #tpu.memory_space<semaphore_mem>>)
      %dma_wait3A = arith.constant 0 : i32
      %dma_wait3A_24 = arith.constant 0 : i32
      %dma_wait3A_25 = tpu.memref_slice %arg8[%add3A, %dma_wait3A, %dma_wait3A_24] : memref<32x256x256xf32, #tpu.memory_space<hbm>> -> memref<1x256x256xf32, #tpu.memory_space<hbm>>
      %dma_wait3A_26 = tpu.memref_squeeze %dma_wait3A_25 : memref<1x256x256xf32, #tpu.memory_space<hbm>> -> memref<256x256xf32, #tpu.memory_space<hbm>>
      %dma_wait3A_27 = arith.constant 0 : i32
      %dma_wait3A_28 = arith.constant 0 : i32
      %dma_wait3A_29 = tpu.memref_slice %arg8[%add3A, %dma_wait3A_27, %dma_wait3A_28] : memref<32x256x256xf32, #tpu.memory_space<hbm>> -> memref<1x256x256xf32, #tpu.memory_space<hbm>>
      %dma_wait3A_30 = tpu.memref_squeeze %dma_wait3A_29 : memref<1x256x256xf32, #tpu.memory_space<hbm>> -> memref<256x256xf32, #tpu.memory_space<hbm>>
      tpu.wait_dma2 semaphore(%run_scoped3A_16 : memref<!tpu.dma_semaphore, #tpu.memory_space<semaphore_mem>>) src(%arg13 : memref<256x256xf32, #tpu.memory_space<vmem>>) dst(%dma_wait3A_30 : memref<256x256xf32, #tpu.memory_space<hbm>>)
      tpu.yield
    }) : () -> ()
    return
  }
}

#map = affine_map<(d0, d1) -> (0, 0)>
#map1 = affine_map<(d0, d1) -> (0, 0, 0)>
module attributes {stable_mosaic.version = 14 : i64} {
  func.func @_sc_spmm(%arg0: i32, %arg1: i32, %arg2: memref<10000x64xf32, #tpu.memory_space<hbm>>, %arg3: memref<32x80x125xi32, #tpu.memory_space<hbm>>, %arg4: memref<32x80x125xi32, #tpu.memory_space<hbm>>, %arg5: memref<640x64xf32, #tpu.memory_space<hbm>>, %arg6: memref<2x10240x64xf32, #tpu.memory_space<hbm>>, %arg7: memref<80x125xi32, #tpu.memory_space<vmem>>, %arg8: memref<80x125xi32, #tpu.memory_space<vmem>>, %arg9: memref<125x64xf32, #tpu.memory_space<vmem>>, %arg10: memref<125x64xf32, #tpu.memory_space<vmem>>, %arg11: memref<10240x64xf32, #tpu.memory_space<vmem_shared>>, %arg12: memref<!tpu.dma_semaphore, #tpu.memory_space<semaphore_mem>>, %arg13: memref<!tpu.dma_semaphore, #tpu.memory_space<semaphore_mem>>) attributes {dimension_semantics = [#tpu.dimension_semantics<core_parallel>, #tpu.dimension_semantics<subcore_parallel>], iteration_bounds = array<i64: 2, 16>, scalar_prefetch = 0 : i64, scratch_operands = 7 : i64, tpu.core_type = #tpu.core_type<sc_vector_subcore>, window_params = [{transform_indices = #map}, {transform_indices = #map1}, {transform_indices = #map1}, {transform_indices = #map}, {transform_indices = #map1}]} {
    %mul3A = arith.constant 2 : i32
    %mul3A_0 = arith.muli %arg1, %mul3A : i32
    %add3A = arith.addi %mul3A_0, %arg0 : i32
    "tpu.region"() ({
      %run_scoped3A = tpu.sem_alloc : memref<!tpu.dma_semaphore, #tpu.memory_space<semaphore_mem>>
      %dma_start3A_19 = arith.constant 0 : i32
      %dma_start3A_20 = arith.constant 0 : i32
      %dma_start3A_21 = tpu.memref_slice %arg3[%add3A, %dma_start3A_19, %dma_start3A_20] : memref<32x80x125xi32, #tpu.memory_space<hbm>> -> memref<1x80x125xi32, #tpu.memory_space<hbm>>
      %dma_start3A_22 = tpu.memref_squeeze %dma_start3A_21 : memref<1x80x125xi32, #tpu.memory_space<hbm>> -> memref<80x125xi32, #tpu.memory_space<hbm>>
      %dma_start3A_23 = arith.constant 0 : i32
      %dma_start3A_24 = arith.constant 0 : i32
      %dma_start3A_25 = tpu.memref_slice %arg3[%add3A, %dma_start3A_23, %dma_start3A_24] : memref<32x80x125xi32, #tpu.memory_space<hbm>> -> memref<1x80x125xi32, #tpu.memory_space<hbm>>
      %dma_start3A_26 = tpu.memref_squeeze %dma_start3A_25 : memref<1x80x125xi32, #tpu.memory_space<hbm>> -> memref<80x125xi32, #tpu.memory_space<hbm>>
      tpu.enqueue_dma source(%dma_start3A_26 : memref<80x125xi32, #tpu.memory_space<hbm>>) target(%arg7 : memref<80x125xi32, #tpu.memory_space<vmem>>) target_semaphore(%run_scoped3A : memref<!tpu.dma_semaphore, #tpu.memory_space<semaphore_mem>>)
      %dma_wait3A = arith.constant 0 : i32
      %dma_wait3A_27 = arith.constant 0 : i32
      %dma_wait3A_28 = tpu.memref_slice %arg3[%add3A, %dma_wait3A, %dma_wait3A_27] : memref<32x80x125xi32, #tpu.memory_space<hbm>> -> memref<1x80x125xi32, #tpu.memory_space<hbm>>
      %dma_wait3A_29 = tpu.memref_squeeze %dma_wait3A_28 : memref<1x80x125xi32, #tpu.memory_space<hbm>> -> memref<80x125xi32, #tpu.memory_space<hbm>>
      %dma_wait3A_30 = arith.constant 0 : i32
      %dma_wait3A_31 = arith.constant 0 : i32
      %dma_wait3A_32 = tpu.memref_slice %arg3[%add3A, %dma_wait3A_30, %dma_wait3A_31] : memref<32x80x125xi32, #tpu.memory_space<hbm>> -> memref<1x80x125xi32, #tpu.memory_space<hbm>>
      %dma_wait3A_33 = tpu.memref_squeeze %dma_wait3A_32 : memref<1x80x125xi32, #tpu.memory_space<hbm>> -> memref<80x125xi32, #tpu.memory_space<hbm>>
      tpu.wait_dma2 semaphore(%run_scoped3A : memref<!tpu.dma_semaphore, #tpu.memory_space<semaphore_mem>>) src(%dma_wait3A_33 : memref<80x125xi32, #tpu.memory_space<hbm>>) dst(%arg7 : memref<80x125xi32, #tpu.memory_space<vmem>>)
      tpu.yield
    }) : () -> ()
    "tpu.region"() ({
      %run_scoped3A = tpu.sem_alloc : memref<!tpu.dma_semaphore, #tpu.memory_space<semaphore_mem>>
      %dma_start3A_19 = arith.constant 0 : i32
      %dma_start3A_20 = arith.constant 0 : i32
      %dma_start3A_21 = tpu.memref_slice %arg4[%add3A, %dma_start3A_19, %dma_start3A_20] : memref<32x80x125xi32, #tpu.memory_space<hbm>> -> memref<1x80x125xi32, #tpu.memory_space<hbm>>
      %dma_start3A_22 = tpu.memref_squeeze %dma_start3A_21 : memref<1x80x125xi32, #tpu.memory_space<hbm>> -> memref<80x125xi32, #tpu.memory_space<hbm>>
      %dma_start3A_23 = arith.constant 0 : i32
      %dma_start3A_24 = arith.constant 0 : i32
      %dma_start3A_25 = tpu.memref_slice %arg4[%add3A, %dma_start3A_23, %dma_start3A_24] : memref<32x80x125xi32, #tpu.memory_space<hbm>> -> memref<1x80x125xi32, #tpu.memory_space<hbm>>
      %dma_start3A_26 = tpu.memref_squeeze %dma_start3A_25 : memref<1x80x125xi32, #tpu.memory_space<hbm>> -> memref<80x125xi32, #tpu.memory_space<hbm>>
      tpu.enqueue_dma source(%dma_start3A_26 : memref<80x125xi32, #tpu.memory_space<hbm>>) target(%arg8 : memref<80x125xi32, #tpu.memory_space<vmem>>) target_semaphore(%run_scoped3A : memref<!tpu.dma_semaphore, #tpu.memory_space<semaphore_mem>>)
      %dma_wait3A = arith.constant 0 : i32
      %dma_wait3A_27 = arith.constant 0 : i32
      %dma_wait3A_28 = tpu.memref_slice %arg4[%add3A, %dma_wait3A, %dma_wait3A_27] : memref<32x80x125xi32, #tpu.memory_space<hbm>> -> memref<1x80x125xi32, #tpu.memory_space<hbm>>
      %dma_wait3A_29 = tpu.memref_squeeze %dma_wait3A_28 : memref<1x80x125xi32, #tpu.memory_space<hbm>> -> memref<80x125xi32, #tpu.memory_space<hbm>>
      %dma_wait3A_30 = arith.constant 0 : i32
      %dma_wait3A_31 = arith.constant 0 : i32
      %dma_wait3A_32 = tpu.memref_slice %arg4[%add3A, %dma_wait3A_30, %dma_wait3A_31] : memref<32x80x125xi32, #tpu.memory_space<hbm>> -> memref<1x80x125xi32, #tpu.memory_space<hbm>>
      %dma_wait3A_33 = tpu.memref_squeeze %dma_wait3A_32 : memref<1x80x125xi32, #tpu.memory_space<hbm>> -> memref<80x125xi32, #tpu.memory_space<hbm>>
      tpu.wait_dma2 semaphore(%run_scoped3A : memref<!tpu.dma_semaphore, #tpu.memory_space<semaphore_mem>>) src(%dma_wait3A_33 : memref<80x125xi32, #tpu.memory_space<hbm>>) dst(%arg8 : memref<80x125xi32, #tpu.memory_space<vmem>>)
      tpu.yield
    }) : () -> ()
    %mul3A_1 = arith.constant 640 : i32
    %mul3A_2 = arith.muli %arg1, %mul3A_1 : i32
    "tpu.region"() ({
      %run_scoped3A = tpu.sem_alloc : memref<!tpu.dma_semaphore, #tpu.memory_space<semaphore_mem>>
      %dma_start3A_19 = arith.constant 0 : i32
      %dma_start3A_20 = tpu.memref_slice %arg11[%mul3A_2, %dma_start3A_19] : memref<10240x64xf32, #tpu.memory_space<vmem_shared>> -> memref<640x64xf32, #tpu.memory_space<vmem_shared>>
      tpu.enqueue_dma source(%arg5 : memref<640x64xf32, #tpu.memory_space<hbm>>) target(%dma_start3A_20 : memref<640x64xf32, #tpu.memory_space<vmem_shared>>) target_semaphore(%run_scoped3A : memref<!tpu.dma_semaphore, #tpu.memory_space<semaphore_mem>>)
      %dma_wait3A = arith.constant 0 : i32
      %dma_wait3A_21 = tpu.memref_slice %arg11[%mul3A_2, %dma_wait3A] : memref<10240x64xf32, #tpu.memory_space<vmem_shared>> -> memref<640x64xf32, #tpu.memory_space<vmem_shared>>
      tpu.wait_dma2 semaphore(%run_scoped3A : memref<!tpu.dma_semaphore, #tpu.memory_space<semaphore_mem>>) src(%arg5 : memref<640x64xf32, #tpu.memory_space<hbm>>) dst(%dma_wait3A_21 : memref<640x64xf32, #tpu.memory_space<vmem_shared>>)
      tpu.yield
    }) : () -> ()
    %barrier3A = arith.constant 0 : index
    tpu.barrier barrier_id(%barrier3A)
    %dma_start3A = arith.constant 0 : i32
    %dma_start3A_3 = arith.constant 0 : i32
    %dma_start3A_4 = tpu.memref_slice %arg7[%dma_start3A, %dma_start3A_3] : memref<80x125xi32, #tpu.memory_space<vmem>> -> memref<1x125xi32, #tpu.memory_space<vmem>>
    %dma_start3A_5 = tpu.memref_squeeze %dma_start3A_4 : memref<1x125xi32, #tpu.memory_space<vmem>> -> memref<125xi32, #tpu.memory_space<vmem>>
    %dma_start3A_6 = arith.constant 0 : i32
    %dma_start3A_7 = arith.constant 0 : i32
    %dma_start3A_8 = tpu.memref_slice %arg2[%dma_start3A_6, %dma_start3A_7] : memref<10000x64xf32, #tpu.memory_space<hbm>> -> memref<10000x64xf32, #tpu.memory_space<hbm>>
    tpu.enqueue_indirect_dma source(%dma_start3A_8 : memref<10000x64xf32, #tpu.memory_space<hbm>>) target(%arg9 : memref<125x64xf32, #tpu.memory_space<vmem>>) offsets(%dma_start3A_5 : memref<125xi32, #tpu.memory_space<vmem>>) semaphore(%arg12 : memref<!tpu.dma_semaphore, #tpu.memory_space<semaphore_mem>>)
    %scan3A = arith.constant 0 : i32
    %scan3A_9 = arith.constant 0 : i32
    %scan3A_10 = arith.constant 40 : i32
    %scan3A_11 = arith.addi %scan3A_9, %scan3A_10 : i32
    %scan3A_12 = arith.constant 1 : i32
    scf.for %scan3A_19 = %scan3A_9 to %scan3A_11 step %scan3A_12  : i32 {
      %mul3A_20 = arith.constant 2 : i32
      %mul3A_21 = arith.muli %mul3A_20, %scan3A_19 : i32
      %add3A_22 = arith.constant 1 : i32
      %add3A_23 = arith.addi %mul3A_21, %add3A_22 : i32
      %dma_start3A_24 = arith.constant 0 : i32
      %dma_start3A_25 = tpu.memref_slice %arg7[%add3A_23, %dma_start3A_24] : memref<80x125xi32, #tpu.memory_space<vmem>> -> memref<1x125xi32, #tpu.memory_space<vmem>>
      %dma_start3A_26 = tpu.memref_squeeze %dma_start3A_25 : memref<1x125xi32, #tpu.memory_space<vmem>> -> memref<125xi32, #tpu.memory_space<vmem>>
      %dma_start3A_27 = arith.constant 0 : i32
      %dma_start3A_28 = arith.constant 0 : i32
      %dma_start3A_29 = tpu.memref_slice %arg2[%dma_start3A_27, %dma_start3A_28] : memref<10000x64xf32, #tpu.memory_space<hbm>> -> memref<10000x64xf32, #tpu.memory_space<hbm>>
      tpu.enqueue_indirect_dma source(%dma_start3A_29 : memref<10000x64xf32, #tpu.memory_space<hbm>>) target(%arg10 : memref<125x64xf32, #tpu.memory_space<vmem>>) offsets(%dma_start3A_26 : memref<125xi32, #tpu.memory_space<vmem>>) semaphore(%arg13 : memref<!tpu.dma_semaphore, #tpu.memory_space<semaphore_mem>>)
      %dma_wait3A = arith.constant 0 : i32
      %dma_wait3A_30 = tpu.memref_slice %arg7[%mul3A_21, %dma_wait3A] : memref<80x125xi32, #tpu.memory_space<vmem>> -> memref<1x125xi32, #tpu.memory_space<vmem>>
      %dma_wait3A_31 = tpu.memref_squeeze %dma_wait3A_30 : memref<1x125xi32, #tpu.memory_space<vmem>> -> memref<125xi32, #tpu.memory_space<vmem>>
      %dma_wait3A_32 = arith.constant 0 : i32
      %dma_wait3A_33 = arith.constant 0 : i32
      %dma_wait3A_34 = tpu.memref_slice %arg2[%dma_wait3A_32, %dma_wait3A_33] : memref<10000x64xf32, #tpu.memory_space<hbm>> -> memref<10000x64xf32, #tpu.memory_space<hbm>>
      tpu.wait_indirect_dma semaphore(%arg12 : memref<!tpu.dma_semaphore, #tpu.memory_space<semaphore_mem>>) src(%dma_wait3A_34 : memref<10000x64xf32, #tpu.memory_space<hbm>>) dst(%arg9 : memref<125x64xf32, #tpu.memory_space<vmem>>)
      "tpu.region"() ({
        %run_scoped3A = tpu.sem_alloc : memref<!tpu.dma_semaphore, #tpu.memory_space<semaphore_mem>>
        %dma_start3A_47 = arith.constant 0 : i32
        %dma_start3A_48 = tpu.memref_slice %arg8[%mul3A_21, %dma_start3A_47] : memref<80x125xi32, #tpu.memory_space<vmem>> -> memref<1x125xi32, #tpu.memory_space<vmem>>
        %dma_start3A_49 = tpu.memref_squeeze %dma_start3A_48 : memref<1x125xi32, #tpu.memory_space<vmem>> -> memref<125xi32, #tpu.memory_space<vmem>>
        %dma_start3A_50 = arith.constant 0 : i32
        %dma_start3A_51 = arith.constant 0 : i32
        %dma_start3A_52 = tpu.memref_slice %arg11[%dma_start3A_50, %dma_start3A_51] : memref<10240x64xf32, #tpu.memory_space<vmem_shared>> -> memref<10240x64xf32, #tpu.memory_space<vmem_shared>>
        tpu.enqueue_indirect_dma source(%arg9 : memref<125x64xf32, #tpu.memory_space<vmem>>) target(%dma_start3A_52 : memref<10240x64xf32, #tpu.memory_space<vmem_shared>>) offsets(%dma_start3A_49 : memref<125xi32, #tpu.memory_space<vmem>>) semaphore(%run_scoped3A : memref<!tpu.dma_semaphore, #tpu.memory_space<semaphore_mem>>) {add = true}
        %dma_wait3A_53 = arith.constant 0 : i32
        %dma_wait3A_54 = tpu.memref_slice %arg8[%mul3A_21, %dma_wait3A_53] : memref<80x125xi32, #tpu.memory_space<vmem>> -> memref<1x125xi32, #tpu.memory_space<vmem>>
        %dma_wait3A_55 = tpu.memref_squeeze %dma_wait3A_54 : memref<1x125xi32, #tpu.memory_space<vmem>> -> memref<125xi32, #tpu.memory_space<vmem>>
        %dma_wait3A_56 = arith.constant 0 : i32
        %dma_wait3A_57 = arith.constant 0 : i32
        %dma_wait3A_58 = tpu.memref_slice %arg11[%dma_wait3A_56, %dma_wait3A_57] : memref<10240x64xf32, #tpu.memory_space<vmem_shared>> -> memref<10240x64xf32, #tpu.memory_space<vmem_shared>>
        tpu.wait_indirect_dma semaphore(%run_scoped3A : memref<!tpu.dma_semaphore, #tpu.memory_space<semaphore_mem>>) src(%arg9 : memref<125x64xf32, #tpu.memory_space<vmem>>) dst(%dma_wait3A_58 : memref<10240x64xf32, #tpu.memory_space<vmem_shared>>)
        tpu.yield
      }) : () -> ()
      %lt3A = arith.constant 39 : i32
      %lt3A_35 = arith.cmpi slt, %scan3A_19, %lt3A : i32
      %convert_element_type3A = arith.extui %lt3A_35 : i1 to i32
      %cond3A = arith.constant 0 : i32
      %cond3A_36 = arith.cmpi ne, %convert_element_type3A, %cond3A : i32
      scf.if %cond3A_36 {
        %add3A_47 = arith.constant 2 : i32
        %add3A_48 = arith.addi %mul3A_21, %add3A_47 : i32
        %dma_start3A_49 = arith.constant 0 : i32
        %dma_start3A_50 = tpu.memref_slice %arg7[%add3A_48, %dma_start3A_49] : memref<80x125xi32, #tpu.memory_space<vmem>> -> memref<1x125xi32, #tpu.memory_space<vmem>>
        %dma_start3A_51 = tpu.memref_squeeze %dma_start3A_50 : memref<1x125xi32, #tpu.memory_space<vmem>> -> memref<125xi32, #tpu.memory_space<vmem>>
        %dma_start3A_52 = arith.constant 0 : i32
        %dma_start3A_53 = arith.constant 0 : i32
        %dma_start3A_54 = tpu.memref_slice %arg2[%dma_start3A_52, %dma_start3A_53] : memref<10000x64xf32, #tpu.memory_space<hbm>> -> memref<10000x64xf32, #tpu.memory_space<hbm>>
        tpu.enqueue_indirect_dma source(%dma_start3A_54 : memref<10000x64xf32, #tpu.memory_space<hbm>>) target(%arg9 : memref<125x64xf32, #tpu.memory_space<vmem>>) offsets(%dma_start3A_51 : memref<125xi32, #tpu.memory_space<vmem>>) semaphore(%arg12 : memref<!tpu.dma_semaphore, #tpu.memory_space<semaphore_mem>>)
      } else {
      }
      %add3A_37 = arith.constant 1 : i32
      %add3A_38 = arith.addi %mul3A_21, %add3A_37 : i32
      %dma_wait3A_39 = arith.constant 0 : i32
      %dma_wait3A_40 = tpu.memref_slice %arg7[%add3A_38, %dma_wait3A_39] : memref<80x125xi32, #tpu.memory_space<vmem>> -> memref<1x125xi32, #tpu.memory_space<vmem>>
      %dma_wait3A_41 = tpu.memref_squeeze %dma_wait3A_40 : memref<1x125xi32, #tpu.memory_space<vmem>> -> memref<125xi32, #tpu.memory_space<vmem>>
      %dma_wait3A_42 = arith.constant 0 : i32
      %dma_wait3A_43 = arith.constant 0 : i32
      %dma_wait3A_44 = tpu.memref_slice %arg2[%dma_wait3A_42, %dma_wait3A_43] : memref<10000x64xf32, #tpu.memory_space<hbm>> -> memref<10000x64xf32, #tpu.memory_space<hbm>>
      tpu.wait_indirect_dma semaphore(%arg13 : memref<!tpu.dma_semaphore, #tpu.memory_space<semaphore_mem>>) src(%dma_wait3A_44 : memref<10000x64xf32, #tpu.memory_space<hbm>>) dst(%arg10 : memref<125x64xf32, #tpu.memory_space<vmem>>)
      %add3A_45 = arith.constant 1 : i32
      %add3A_46 = arith.addi %mul3A_21, %add3A_45 : i32
      "tpu.region"() ({
        %run_scoped3A = tpu.sem_alloc : memref<!tpu.dma_semaphore, #tpu.memory_space<semaphore_mem>>
        %dma_start3A_47 = arith.constant 0 : i32
        %dma_start3A_48 = tpu.memref_slice %arg8[%add3A_46, %dma_start3A_47] : memref<80x125xi32, #tpu.memory_space<vmem>> -> memref<1x125xi32, #tpu.memory_space<vmem>>
        %dma_start3A_49 = tpu.memref_squeeze %dma_start3A_48 : memref<1x125xi32, #tpu.memory_space<vmem>> -> memref<125xi32, #tpu.memory_space<vmem>>
        %dma_start3A_50 = arith.constant 0 : i32
        %dma_start3A_51 = arith.constant 0 : i32
        %dma_start3A_52 = tpu.memref_slice %arg11[%dma_start3A_50, %dma_start3A_51] : memref<10240x64xf32, #tpu.memory_space<vmem_shared>> -> memref<10240x64xf32, #tpu.memory_space<vmem_shared>>
        tpu.enqueue_indirect_dma source(%arg10 : memref<125x64xf32, #tpu.memory_space<vmem>>) target(%dma_start3A_52 : memref<10240x64xf32, #tpu.memory_space<vmem_shared>>) offsets(%dma_start3A_49 : memref<125xi32, #tpu.memory_space<vmem>>) semaphore(%run_scoped3A : memref<!tpu.dma_semaphore, #tpu.memory_space<semaphore_mem>>) {add = true}
        %dma_wait3A_53 = arith.constant 0 : i32
        %dma_wait3A_54 = tpu.memref_slice %arg8[%add3A_46, %dma_wait3A_53] : memref<80x125xi32, #tpu.memory_space<vmem>> -> memref<1x125xi32, #tpu.memory_space<vmem>>
        %dma_wait3A_55 = tpu.memref_squeeze %dma_wait3A_54 : memref<1x125xi32, #tpu.memory_space<vmem>> -> memref<125xi32, #tpu.memory_space<vmem>>
        %dma_wait3A_56 = arith.constant 0 : i32
        %dma_wait3A_57 = arith.constant 0 : i32
        %dma_wait3A_58 = tpu.memref_slice %arg11[%dma_wait3A_56, %dma_wait3A_57] : memref<10240x64xf32, #tpu.memory_space<vmem_shared>> -> memref<10240x64xf32, #tpu.memory_space<vmem_shared>>
        tpu.wait_indirect_dma semaphore(%run_scoped3A : memref<!tpu.dma_semaphore, #tpu.memory_space<semaphore_mem>>) src(%arg10 : memref<125x64xf32, #tpu.memory_space<vmem>>) dst(%dma_wait3A_58 : memref<10240x64xf32, #tpu.memory_space<vmem_shared>>)
        tpu.yield
      }) : () -> ()
    }
    %scan3A_13 = arith.constant 40 : i32
    %barrier3A_14 = arith.constant 0 : index
    tpu.barrier barrier_id(%barrier3A_14)
    %mul3A_15 = arith.constant 640 : i32
    %mul3A_16 = arith.muli %arg1, %mul3A_15 : i32
    %mul3A_17 = arith.constant 640 : i32
    %mul3A_18 = arith.muli %arg1, %mul3A_17 : i32
    "tpu.region"() ({
      %run_scoped3A = tpu.sem_alloc : memref<!tpu.dma_semaphore, #tpu.memory_space<semaphore_mem>>
      %dma_start3A_19 = arith.constant 0 : i32
      %dma_start3A_20 = tpu.memref_slice %arg6[%arg0, %mul3A_18, %dma_start3A_19] : memref<2x10240x64xf32, #tpu.memory_space<hbm>> -> memref<1x640x64xf32, #tpu.memory_space<hbm>>
      %dma_start3A_21 = tpu.memref_squeeze %dma_start3A_20 : memref<1x640x64xf32, #tpu.memory_space<hbm>> -> memref<640x64xf32, #tpu.memory_space<hbm>>
      %dma_start3A_22 = arith.constant 0 : i32
      %dma_start3A_23 = tpu.memref_slice %arg11[%mul3A_16, %dma_start3A_22] : memref<10240x64xf32, #tpu.memory_space<vmem_shared>> -> memref<640x64xf32, #tpu.memory_space<vmem_shared>>
      tpu.enqueue_dma source(%dma_start3A_23 : memref<640x64xf32, #tpu.memory_space<vmem_shared>>) target(%dma_start3A_21 : memref<640x64xf32, #tpu.memory_space<hbm>>) target_semaphore(%run_scoped3A : memref<!tpu.dma_semaphore, #tpu.memory_space<semaphore_mem>>)
      %dma_wait3A = arith.constant 0 : i32
      %dma_wait3A_24 = tpu.memref_slice %arg6[%arg0, %mul3A_18, %dma_wait3A] : memref<2x10240x64xf32, #tpu.memory_space<hbm>> -> memref<1x640x64xf32, #tpu.memory_space<hbm>>
      %dma_wait3A_25 = tpu.memref_squeeze %dma_wait3A_24 : memref<1x640x64xf32, #tpu.memory_space<hbm>> -> memref<640x64xf32, #tpu.memory_space<hbm>>
      %dma_wait3A_26 = arith.constant 0 : i32
      %dma_wait3A_27 = tpu.memref_slice %arg11[%mul3A_16, %dma_wait3A_26] : memref<10240x64xf32, #tpu.memory_space<vmem_shared>> -> memref<640x64xf32, #tpu.memory_space<vmem_shared>>
      tpu.wait_dma2 semaphore(%run_scoped3A : memref<!tpu.dma_semaphore, #tpu.memory_space<semaphore_mem>>) src(%dma_wait3A_27 : memref<640x64xf32, #tpu.memory_space<vmem_shared>>) dst(%dma_wait3A_25 : memref<640x64xf32, #tpu.memory_space<hbm>>)
      tpu.yield
    }) : () -> ()
    return
  }
}

#map = affine_map<(d0, d1) -> (0, 0)>
#map1 = affine_map<(d0, d1) -> (0, 0, 0)>
module attributes {stable_mosaic.version = 14 : i64} {
  func.func @_sc_pool(%arg0: i32, %arg1: i32, %arg2: memref<10000x256xf32, #tpu.memory_space<hbm>>, %arg3: memref<16x5x125xi32, #tpu.memory_space<hbm>>, %arg4: memref<17x256xf32, #tpu.memory_space<hbm>>, %arg5: memref<125x16xf32, #tpu.memory_space<hbm>>, %arg6: memref<17x16xf32, #tpu.memory_space<hbm>>, %arg7: memref<272x256xf32, #tpu.memory_space<hbm>>, %arg8: memref<272x16xf32, #tpu.memory_space<hbm>>, %arg9: memref<5x125xi32, #tpu.memory_space<vmem>>, %arg10: memref<125x256xf32, #tpu.memory_space<vmem>>, %arg11: memref<125x16xf32, #tpu.memory_space<vmem>>, %arg12: memref<272x256xf32, #tpu.memory_space<vmem_shared>>, %arg13: memref<272x16xf32, #tpu.memory_space<vmem_shared>>) attributes {dimension_semantics = [#tpu.dimension_semantics<core_parallel>, #tpu.dimension_semantics<subcore_parallel>], iteration_bounds = array<i64: 2, 16>, scalar_prefetch = 0 : i64, scratch_operands = 5 : i64, tpu.core_type = #tpu.core_type<sc_vector_subcore>, window_params = [{transform_indices = #map}, {transform_indices = #map1}, {transform_indices = #map}, {transform_indices = #map}, {transform_indices = #map}, {transform_indices = #map}, {transform_indices = #map}]} {
    %eq3A = arith.constant 0 : i32
    %eq3A_0 = arith.cmpi eq, %arg0, %eq3A : i32
    %convert_element_type3A = arith.extui %eq3A_0 : i1 to i32
    %cond3A = arith.constant 0 : i32
    %cond3A_1 = arith.cmpi ne, %convert_element_type3A, %cond3A : i32
    scf.if %cond3A_1 {
      "tpu.region"() ({
        %run_scoped3A = tpu.sem_alloc : memref<!tpu.dma_semaphore, #tpu.memory_space<semaphore_mem>>
        %dma_start3A = arith.constant 0 : i32
        %dma_start3A_16 = arith.constant 0 : i32
        %dma_start3A_17 = tpu.memref_slice %arg3[%arg1, %dma_start3A, %dma_start3A_16] : memref<16x5x125xi32, #tpu.memory_space<hbm>> -> memref<1x5x125xi32, #tpu.memory_space<hbm>>
        %dma_start3A_18 = tpu.memref_squeeze %dma_start3A_17 : memref<1x5x125xi32, #tpu.memory_space<hbm>> -> memref<5x125xi32, #tpu.memory_space<hbm>>
        %dma_start3A_19 = arith.constant 0 : i32
        %dma_start3A_20 = arith.constant 0 : i32
        %dma_start3A_21 = tpu.memref_slice %arg3[%arg1, %dma_start3A_19, %dma_start3A_20] : memref<16x5x125xi32, #tpu.memory_space<hbm>> -> memref<1x5x125xi32, #tpu.memory_space<hbm>>
        %dma_start3A_22 = tpu.memref_squeeze %dma_start3A_21 : memref<1x5x125xi32, #tpu.memory_space<hbm>> -> memref<5x125xi32, #tpu.memory_space<hbm>>
        tpu.enqueue_dma source(%dma_start3A_22 : memref<5x125xi32, #tpu.memory_space<hbm>>) target(%arg9 : memref<5x125xi32, #tpu.memory_space<vmem>>) target_semaphore(%run_scoped3A : memref<!tpu.dma_semaphore, #tpu.memory_space<semaphore_mem>>)
        %dma_wait3A = arith.constant 0 : i32
        %dma_wait3A_23 = arith.constant 0 : i32
        %dma_wait3A_24 = tpu.memref_slice %arg3[%arg1, %dma_wait3A, %dma_wait3A_23] : memref<16x5x125xi32, #tpu.memory_space<hbm>> -> memref<1x5x125xi32, #tpu.memory_space<hbm>>
        %dma_wait3A_25 = tpu.memref_squeeze %dma_wait3A_24 : memref<1x5x125xi32, #tpu.memory_space<hbm>> -> memref<5x125xi32, #tpu.memory_space<hbm>>
        %dma_wait3A_26 = arith.constant 0 : i32
        %dma_wait3A_27 = arith.constant 0 : i32
        %dma_wait3A_28 = tpu.memref_slice %arg3[%arg1, %dma_wait3A_26, %dma_wait3A_27] : memref<16x5x125xi32, #tpu.memory_space<hbm>> -> memref<1x5x125xi32, #tpu.memory_space<hbm>>
        %dma_wait3A_29 = tpu.memref_squeeze %dma_wait3A_28 : memref<1x5x125xi32, #tpu.memory_space<hbm>> -> memref<5x125xi32, #tpu.memory_space<hbm>>
        tpu.wait_dma2 semaphore(%run_scoped3A : memref<!tpu.dma_semaphore, #tpu.memory_space<semaphore_mem>>) src(%dma_wait3A_29 : memref<5x125xi32, #tpu.memory_space<hbm>>) dst(%arg9 : memref<5x125xi32, #tpu.memory_space<vmem>>)
        tpu.yield
      }) : () -> ()
      "tpu.region"() ({
        %run_scoped3A = tpu.sem_alloc : memref<!tpu.dma_semaphore, #tpu.memory_space<semaphore_mem>>
        tpu.enqueue_dma source(%arg5 : memref<125x16xf32, #tpu.memory_space<hbm>>) target(%arg11 : memref<125x16xf32, #tpu.memory_space<vmem>>) target_semaphore(%run_scoped3A : memref<!tpu.dma_semaphore, #tpu.memory_space<semaphore_mem>>)
        tpu.wait_dma2 semaphore(%run_scoped3A : memref<!tpu.dma_semaphore, #tpu.memory_space<semaphore_mem>>) src(%arg5 : memref<125x16xf32, #tpu.memory_space<hbm>>) dst(%arg11 : memref<125x16xf32, #tpu.memory_space<vmem>>)
        tpu.yield
      }) : () -> ()
      %mul3A = arith.constant 17 : i32
      %mul3A_13 = arith.muli %arg1, %mul3A : i32
      "tpu.region"() ({
        %run_scoped3A = tpu.sem_alloc : memref<!tpu.dma_semaphore, #tpu.memory_space<semaphore_mem>>
        %dma_start3A = arith.constant 0 : i32
        %dma_start3A_16 = tpu.memref_slice %arg12[%mul3A_13, %dma_start3A] : memref<272x256xf32, #tpu.memory_space<vmem_shared>> -> memref<17x256xf32, #tpu.memory_space<vmem_shared>>
        tpu.enqueue_dma source(%arg4 : memref<17x256xf32, #tpu.memory_space<hbm>>) target(%dma_start3A_16 : memref<17x256xf32, #tpu.memory_space<vmem_shared>>) target_semaphore(%run_scoped3A : memref<!tpu.dma_semaphore, #tpu.memory_space<semaphore_mem>>)
        %dma_wait3A = arith.constant 0 : i32
        %dma_wait3A_17 = tpu.memref_slice %arg12[%mul3A_13, %dma_wait3A] : memref<272x256xf32, #tpu.memory_space<vmem_shared>> -> memref<17x256xf32, #tpu.memory_space<vmem_shared>>
        tpu.wait_dma2 semaphore(%run_scoped3A : memref<!tpu.dma_semaphore, #tpu.memory_space<semaphore_mem>>) src(%arg4 : memref<17x256xf32, #tpu.memory_space<hbm>>) dst(%dma_wait3A_17 : memref<17x256xf32, #tpu.memory_space<vmem_shared>>)
        tpu.yield
      }) : () -> ()
      %mul3A_14 = arith.constant 17 : i32
      %mul3A_15 = arith.muli %arg1, %mul3A_14 : i32
      "tpu.region"() ({
        %run_scoped3A = tpu.sem_alloc : memref<!tpu.dma_semaphore, #tpu.memory_space<semaphore_mem>>
        %dma_start3A = arith.constant 0 : i32
        %dma_start3A_16 = tpu.memref_slice %arg13[%mul3A_15, %dma_start3A] : memref<272x16xf32, #tpu.memory_space<vmem_shared>> -> memref<17x16xf32, #tpu.memory_space<vmem_shared>>
        tpu.enqueue_dma source(%arg6 : memref<17x16xf32, #tpu.memory_space<hbm>>) target(%dma_start3A_16 : memref<17x16xf32, #tpu.memory_space<vmem_shared>>) target_semaphore(%run_scoped3A : memref<!tpu.dma_semaphore, #tpu.memory_space<semaphore_mem>>)
        %dma_wait3A = arith.constant 0 : i32
        %dma_wait3A_17 = tpu.memref_slice %arg13[%mul3A_15, %dma_wait3A] : memref<272x16xf32, #tpu.memory_space<vmem_shared>> -> memref<17x16xf32, #tpu.memory_space<vmem_shared>>
        tpu.wait_dma2 semaphore(%run_scoped3A : memref<!tpu.dma_semaphore, #tpu.memory_space<semaphore_mem>>) src(%arg6 : memref<17x16xf32, #tpu.memory_space<hbm>>) dst(%dma_wait3A_17 : memref<17x16xf32, #tpu.memory_space<vmem_shared>>)
        tpu.yield
      }) : () -> ()
    } else {
    }
    %barrier3A = arith.constant 0 : index
    tpu.barrier barrier_id(%barrier3A)
    %eq3A_2 = arith.constant 0 : i32
    %eq3A_3 = arith.cmpi eq, %arg0, %eq3A_2 : i32
    %convert_element_type3A_4 = arith.extui %eq3A_3 : i1 to i32
    %cond3A_5 = arith.constant 0 : i32
    %cond3A_6 = arith.cmpi ne, %convert_element_type3A_4, %cond3A_5 : i32
    scf.if %cond3A_6 {
      %scan3A = arith.constant 0 : i32
      %scan3A_13 = arith.constant 0 : i32
      %scan3A_14 = arith.constant 5 : i32
      %scan3A_15 = arith.addi %scan3A_13, %scan3A_14 : i32
      %scan3A_16 = arith.constant 1 : i32
      scf.for %scan3A_18 = %scan3A_13 to %scan3A_15 step %scan3A_16  : i32 {
        %mul3A = arith.constant 625 : i32
        %mul3A_19 = arith.muli %arg1, %mul3A : i32
        %mul3A_20 = arith.constant 125 : i32
        %mul3A_21 = arith.muli %scan3A_18, %mul3A_20 : i32
        %add3A = arith.addi %mul3A_19, %mul3A_21 : i32
        "tpu.region"() ({
          %run_scoped3A = tpu.sem_alloc : memref<!tpu.dma_semaphore, #tpu.memory_space<semaphore_mem>>
          %dma_start3A = arith.constant 0 : i32
          %dma_start3A_22 = tpu.memref_slice %arg2[%add3A, %dma_start3A] : memref<10000x256xf32, #tpu.memory_space<hbm>> -> memref<125x256xf32, #tpu.memory_space<hbm>>
          %dma_start3A_23 = arith.constant 0 : i32
          %dma_start3A_24 = tpu.memref_slice %arg2[%add3A, %dma_start3A_23] : memref<10000x256xf32, #tpu.memory_space<hbm>> -> memref<125x256xf32, #tpu.memory_space<hbm>>
          tpu.enqueue_dma source(%dma_start3A_24 : memref<125x256xf32, #tpu.memory_space<hbm>>) target(%arg10 : memref<125x256xf32, #tpu.memory_space<vmem>>) target_semaphore(%run_scoped3A : memref<!tpu.dma_semaphore, #tpu.memory_space<semaphore_mem>>)
          %dma_wait3A = arith.constant 0 : i32
          %dma_wait3A_25 = tpu.memref_slice %arg2[%add3A, %dma_wait3A] : memref<10000x256xf32, #tpu.memory_space<hbm>> -> memref<125x256xf32, #tpu.memory_space<hbm>>
          %dma_wait3A_26 = arith.constant 0 : i32
          %dma_wait3A_27 = tpu.memref_slice %arg2[%add3A, %dma_wait3A_26] : memref<10000x256xf32, #tpu.memory_space<hbm>> -> memref<125x256xf32, #tpu.memory_space<hbm>>
          tpu.wait_dma2 semaphore(%run_scoped3A : memref<!tpu.dma_semaphore, #tpu.memory_space<semaphore_mem>>) src(%dma_wait3A_27 : memref<125x256xf32, #tpu.memory_space<hbm>>) dst(%arg10 : memref<125x256xf32, #tpu.memory_space<vmem>>)
          tpu.yield
        }) : () -> ()
        "tpu.region"() ({
          %run_scoped3A = tpu.sem_alloc : memref<!tpu.dma_semaphore, #tpu.memory_space<semaphore_mem>>
          %dma_start3A = arith.constant 0 : i32
          %dma_start3A_22 = tpu.memref_slice %arg9[%scan3A_18, %dma_start3A] : memref<5x125xi32, #tpu.memory_space<vmem>> -> memref<1x125xi32, #tpu.memory_space<vmem>>
          %dma_start3A_23 = tpu.memref_squeeze %dma_start3A_22 : memref<1x125xi32, #tpu.memory_space<vmem>> -> memref<125xi32, #tpu.memory_space<vmem>>
          %dma_start3A_24 = arith.constant 0 : i32
          %dma_start3A_25 = arith.constant 0 : i32
          %dma_start3A_26 = tpu.memref_slice %arg12[%dma_start3A_24, %dma_start3A_25] : memref<272x256xf32, #tpu.memory_space<vmem_shared>> -> memref<272x256xf32, #tpu.memory_space<vmem_shared>>
          tpu.enqueue_indirect_dma source(%arg10 : memref<125x256xf32, #tpu.memory_space<vmem>>) target(%dma_start3A_26 : memref<272x256xf32, #tpu.memory_space<vmem_shared>>) offsets(%dma_start3A_23 : memref<125xi32, #tpu.memory_space<vmem>>) semaphore(%run_scoped3A : memref<!tpu.dma_semaphore, #tpu.memory_space<semaphore_mem>>) {add = true}
          %dma_wait3A = arith.constant 0 : i32
          %dma_wait3A_27 = tpu.memref_slice %arg9[%scan3A_18, %dma_wait3A] : memref<5x125xi32, #tpu.memory_space<vmem>> -> memref<1x125xi32, #tpu.memory_space<vmem>>
          %dma_wait3A_28 = tpu.memref_squeeze %dma_wait3A_27 : memref<1x125xi32, #tpu.memory_space<vmem>> -> memref<125xi32, #tpu.memory_space<vmem>>
          %dma_wait3A_29 = arith.constant 0 : i32
          %dma_wait3A_30 = arith.constant 0 : i32
          %dma_wait3A_31 = tpu.memref_slice %arg12[%dma_wait3A_29, %dma_wait3A_30] : memref<272x256xf32, #tpu.memory_space<vmem_shared>> -> memref<272x256xf32, #tpu.memory_space<vmem_shared>>
          tpu.wait_indirect_dma semaphore(%run_scoped3A : memref<!tpu.dma_semaphore, #tpu.memory_space<semaphore_mem>>) src(%arg10 : memref<125x256xf32, #tpu.memory_space<vmem>>) dst(%dma_wait3A_31 : memref<272x256xf32, #tpu.memory_space<vmem_shared>>)
          tpu.yield
        }) : () -> ()
        "tpu.region"() ({
          %run_scoped3A = tpu.sem_alloc : memref<!tpu.dma_semaphore, #tpu.memory_space<semaphore_mem>>
          %dma_start3A = arith.constant 0 : i32
          %dma_start3A_22 = tpu.memref_slice %arg9[%scan3A_18, %dma_start3A] : memref<5x125xi32, #tpu.memory_space<vmem>> -> memref<1x125xi32, #tpu.memory_space<vmem>>
          %dma_start3A_23 = tpu.memref_squeeze %dma_start3A_22 : memref<1x125xi32, #tpu.memory_space<vmem>> -> memref<125xi32, #tpu.memory_space<vmem>>
          %dma_start3A_24 = arith.constant 0 : i32
          %dma_start3A_25 = arith.constant 0 : i32
          %dma_start3A_26 = tpu.memref_slice %arg13[%dma_start3A_24, %dma_start3A_25] : memref<272x16xf32, #tpu.memory_space<vmem_shared>> -> memref<272x16xf32, #tpu.memory_space<vmem_shared>>
          tpu.enqueue_indirect_dma source(%arg11 : memref<125x16xf32, #tpu.memory_space<vmem>>) target(%dma_start3A_26 : memref<272x16xf32, #tpu.memory_space<vmem_shared>>) offsets(%dma_start3A_23 : memref<125xi32, #tpu.memory_space<vmem>>) semaphore(%run_scoped3A : memref<!tpu.dma_semaphore, #tpu.memory_space<semaphore_mem>>) {add = true}
          %dma_wait3A = arith.constant 0 : i32
          %dma_wait3A_27 = tpu.memref_slice %arg9[%scan3A_18, %dma_wait3A] : memref<5x125xi32, #tpu.memory_space<vmem>> -> memref<1x125xi32, #tpu.memory_space<vmem>>
          %dma_wait3A_28 = tpu.memref_squeeze %dma_wait3A_27 : memref<1x125xi32, #tpu.memory_space<vmem>> -> memref<125xi32, #tpu.memory_space<vmem>>
          %dma_wait3A_29 = arith.constant 0 : i32
          %dma_wait3A_30 = arith.constant 0 : i32
          %dma_wait3A_31 = tpu.memref_slice %arg13[%dma_wait3A_29, %dma_wait3A_30] : memref<272x16xf32, #tpu.memory_space<vmem_shared>> -> memref<272x16xf32, #tpu.memory_space<vmem_shared>>
          tpu.wait_indirect_dma semaphore(%run_scoped3A : memref<!tpu.dma_semaphore, #tpu.memory_space<semaphore_mem>>) src(%arg11 : memref<125x16xf32, #tpu.memory_space<vmem>>) dst(%dma_wait3A_31 : memref<272x16xf32, #tpu.memory_space<vmem_shared>>)
          tpu.yield
        }) : () -> ()
      }
      %scan3A_17 = arith.constant 5 : i32
    } else {
    }
    %barrier3A_7 = arith.constant 0 : index
    tpu.barrier barrier_id(%barrier3A_7)
    %eq3A_8 = arith.constant 0 : i32
    %eq3A_9 = arith.cmpi eq, %arg0, %eq3A_8 : i32
    %convert_element_type3A_10 = arith.extui %eq3A_9 : i1 to i32
    %cond3A_11 = arith.constant 0 : i32
    %cond3A_12 = arith.cmpi ne, %convert_element_type3A_10, %cond3A_11 : i32
    scf.if %cond3A_12 {
      %mul3A = arith.constant 17 : i32
      %mul3A_13 = arith.muli %arg1, %mul3A : i32
      %mul3A_14 = arith.constant 17 : i32
      %mul3A_15 = arith.muli %arg1, %mul3A_14 : i32
      "tpu.region"() ({
        %run_scoped3A = tpu.sem_alloc : memref<!tpu.dma_semaphore, #tpu.memory_space<semaphore_mem>>
        %dma_start3A = arith.constant 0 : i32
        %dma_start3A_20 = tpu.memref_slice %arg7[%mul3A_15, %dma_start3A] : memref<272x256xf32, #tpu.memory_space<hbm>> -> memref<17x256xf32, #tpu.memory_space<hbm>>
        %dma_start3A_21 = arith.constant 0 : i32
        %dma_start3A_22 = tpu.memref_slice %arg12[%mul3A_13, %dma_start3A_21] : memref<272x256xf32, #tpu.memory_space<vmem_shared>> -> memref<17x256xf32, #tpu.memory_space<vmem_shared>>
        tpu.enqueue_dma source(%dma_start3A_22 : memref<17x256xf32, #tpu.memory_space<vmem_shared>>) target(%dma_start3A_20 : memref<17x256xf32, #tpu.memory_space<hbm>>) target_semaphore(%run_scoped3A : memref<!tpu.dma_semaphore, #tpu.memory_space<semaphore_mem>>)
        %dma_wait3A = arith.constant 0 : i32
        %dma_wait3A_23 = tpu.memref_slice %arg7[%mul3A_15, %dma_wait3A] : memref<272x256xf32, #tpu.memory_space<hbm>> -> memref<17x256xf32, #tpu.memory_space<hbm>>
        %dma_wait3A_24 = arith.constant 0 : i32
        %dma_wait3A_25 = tpu.memref_slice %arg12[%mul3A_13, %dma_wait3A_24] : memref<272x256xf32, #tpu.memory_space<vmem_shared>> -> memref<17x256xf32, #tpu.memory_space<vmem_shared>>
        tpu.wait_dma2 semaphore(%run_scoped3A : memref<!tpu.dma_semaphore, #tpu.memory_space<semaphore_mem>>) src(%dma_wait3A_25 : memref<17x256xf32, #tpu.memory_space<vmem_shared>>) dst(%dma_wait3A_23 : memref<17x256xf32, #tpu.memory_space<hbm>>)
        tpu.yield
      }) : () -> ()
      %mul3A_16 = arith.constant 17 : i32
      %mul3A_17 = arith.muli %arg1, %mul3A_16 : i32
      %mul3A_18 = arith.constant 17 : i32
      %mul3A_19 = arith.muli %arg1, %mul3A_18 : i32
      "tpu.region"() ({
        %run_scoped3A = tpu.sem_alloc : memref<!tpu.dma_semaphore, #tpu.memory_space<semaphore_mem>>
        %dma_start3A = arith.constant 0 : i32
        %dma_start3A_20 = tpu.memref_slice %arg8[%mul3A_19, %dma_start3A] : memref<272x16xf32, #tpu.memory_space<hbm>> -> memref<17x16xf32, #tpu.memory_space<hbm>>
        %dma_start3A_21 = arith.constant 0 : i32
        %dma_start3A_22 = tpu.memref_slice %arg13[%mul3A_17, %dma_start3A_21] : memref<272x16xf32, #tpu.memory_space<vmem_shared>> -> memref<17x16xf32, #tpu.memory_space<vmem_shared>>
        tpu.enqueue_dma source(%dma_start3A_22 : memref<17x16xf32, #tpu.memory_space<vmem_shared>>) target(%dma_start3A_20 : memref<17x16xf32, #tpu.memory_space<hbm>>) target_semaphore(%run_scoped3A : memref<!tpu.dma_semaphore, #tpu.memory_space<semaphore_mem>>)
        %dma_wait3A = arith.constant 0 : i32
        %dma_wait3A_23 = tpu.memref_slice %arg8[%mul3A_19, %dma_wait3A] : memref<272x16xf32, #tpu.memory_space<hbm>> -> memref<17x16xf32, #tpu.memory_space<hbm>>
        %dma_wait3A_24 = arith.constant 0 : i32
        %dma_wait3A_25 = tpu.memref_slice %arg13[%mul3A_17, %dma_wait3A_24] : memref<272x16xf32, #tpu.memory_space<vmem_shared>> -> memref<17x16xf32, #tpu.memory_space<vmem_shared>>
        tpu.wait_dma2 semaphore(%run_scoped3A : memref<!tpu.dma_semaphore, #tpu.memory_space<semaphore_mem>>) src(%dma_wait3A_25 : memref<17x16xf32, #tpu.memory_space<vmem_shared>>) dst(%dma_wait3A_23 : memref<17x16xf32, #tpu.memory_space<hbm>>)
        tpu.yield
      }) : () -> ()
    } else {
    }
    return
  }
}

#map = affine_map<(d0, d1) -> (0, 0)>
#map1 = affine_map<(d0, d1) -> (0, 0, 0)>
module attributes {stable_mosaic.version = 14 : i64} {
  func.func @_sc_spmm(%arg0: i32, %arg1: i32, %arg2: memref<10000x64xf32, #tpu.memory_space<hbm>>, %arg3: memref<32x80x125xi32, #tpu.memory_space<hbm>>, %arg4: memref<32x80x125xi32, #tpu.memory_space<hbm>>, %arg5: memref<640x64xf32, #tpu.memory_space<hbm>>, %arg6: memref<2x10240x64xf32, #tpu.memory_space<hbm>>, %arg7: memref<80x125xi32, #tpu.memory_space<vmem>>, %arg8: memref<80x125xi32, #tpu.memory_space<vmem>>, %arg9: memref<125x64xf32, #tpu.memory_space<vmem>>, %arg10: memref<125x64xf32, #tpu.memory_space<vmem>>, %arg11: memref<10240x64xf32, #tpu.memory_space<vmem_shared>>, %arg12: memref<!tpu.dma_semaphore, #tpu.memory_space<semaphore_mem>>, %arg13: memref<!tpu.dma_semaphore, #tpu.memory_space<semaphore_mem>>) attributes {dimension_semantics = [#tpu.dimension_semantics<core_parallel>, #tpu.dimension_semantics<subcore_parallel>], iteration_bounds = array<i64: 2, 16>, scalar_prefetch = 0 : i64, scratch_operands = 7 : i64, tpu.core_type = #tpu.core_type<sc_vector_subcore>, window_params = [{transform_indices = #map}, {transform_indices = #map1}, {transform_indices = #map1}, {transform_indices = #map}, {transform_indices = #map1}]} {
    %mul3A = arith.constant 2 : i32
    %mul3A_0 = arith.muli %arg1, %mul3A : i32
    %add3A = arith.addi %mul3A_0, %arg0 : i32
    "tpu.region"() ({
      %run_scoped3A = tpu.sem_alloc : memref<!tpu.dma_semaphore, #tpu.memory_space<semaphore_mem>>
      %dma_start3A_19 = arith.constant 0 : i32
      %dma_start3A_20 = arith.constant 0 : i32
      %dma_start3A_21 = tpu.memref_slice %arg3[%add3A, %dma_start3A_19, %dma_start3A_20] : memref<32x80x125xi32, #tpu.memory_space<hbm>> -> memref<1x80x125xi32, #tpu.memory_space<hbm>>
      %dma_start3A_22 = tpu.memref_squeeze %dma_start3A_21 : memref<1x80x125xi32, #tpu.memory_space<hbm>> -> memref<80x125xi32, #tpu.memory_space<hbm>>
      %dma_start3A_23 = arith.constant 0 : i32
      %dma_start3A_24 = arith.constant 0 : i32
      %dma_start3A_25 = tpu.memref_slice %arg3[%add3A, %dma_start3A_23, %dma_start3A_24] : memref<32x80x125xi32, #tpu.memory_space<hbm>> -> memref<1x80x125xi32, #tpu.memory_space<hbm>>
      %dma_start3A_26 = tpu.memref_squeeze %dma_start3A_25 : memref<1x80x125xi32, #tpu.memory_space<hbm>> -> memref<80x125xi32, #tpu.memory_space<hbm>>
      tpu.enqueue_dma source(%dma_start3A_26 : memref<80x125xi32, #tpu.memory_space<hbm>>) target(%arg7 : memref<80x125xi32, #tpu.memory_space<vmem>>) target_semaphore(%run_scoped3A : memref<!tpu.dma_semaphore, #tpu.memory_space<semaphore_mem>>)
      %dma_wait3A = arith.constant 0 : i32
      %dma_wait3A_27 = arith.constant 0 : i32
      %dma_wait3A_28 = tpu.memref_slice %arg3[%add3A, %dma_wait3A, %dma_wait3A_27] : memref<32x80x125xi32, #tpu.memory_space<hbm>> -> memref<1x80x125xi32, #tpu.memory_space<hbm>>
      %dma_wait3A_29 = tpu.memref_squeeze %dma_wait3A_28 : memref<1x80x125xi32, #tpu.memory_space<hbm>> -> memref<80x125xi32, #tpu.memory_space<hbm>>
      %dma_wait3A_30 = arith.constant 0 : i32
      %dma_wait3A_31 = arith.constant 0 : i32
      %dma_wait3A_32 = tpu.memref_slice %arg3[%add3A, %dma_wait3A_30, %dma_wait3A_31] : memref<32x80x125xi32, #tpu.memory_space<hbm>> -> memref<1x80x125xi32, #tpu.memory_space<hbm>>
      %dma_wait3A_33 = tpu.memref_squeeze %dma_wait3A_32 : memref<1x80x125xi32, #tpu.memory_space<hbm>> -> memref<80x125xi32, #tpu.memory_space<hbm>>
      tpu.wait_dma2 semaphore(%run_scoped3A : memref<!tpu.dma_semaphore, #tpu.memory_space<semaphore_mem>>) src(%dma_wait3A_33 : memref<80x125xi32, #tpu.memory_space<hbm>>) dst(%arg7 : memref<80x125xi32, #tpu.memory_space<vmem>>)
      tpu.yield
    }) : () -> ()
    "tpu.region"() ({
      %run_scoped3A = tpu.sem_alloc : memref<!tpu.dma_semaphore, #tpu.memory_space<semaphore_mem>>
      %dma_start3A_19 = arith.constant 0 : i32
      %dma_start3A_20 = arith.constant 0 : i32
      %dma_start3A_21 = tpu.memref_slice %arg4[%add3A, %dma_start3A_19, %dma_start3A_20] : memref<32x80x125xi32, #tpu.memory_space<hbm>> -> memref<1x80x125xi32, #tpu.memory_space<hbm>>
      %dma_start3A_22 = tpu.memref_squeeze %dma_start3A_21 : memref<1x80x125xi32, #tpu.memory_space<hbm>> -> memref<80x125xi32, #tpu.memory_space<hbm>>
      %dma_start3A_23 = arith.constant 0 : i32
      %dma_start3A_24 = arith.constant 0 : i32
      %dma_start3A_25 = tpu.memref_slice %arg4[%add3A, %dma_start3A_23, %dma_start3A_24] : memref<32x80x125xi32, #tpu.memory_space<hbm>> -> memref<1x80x125xi32, #tpu.memory_space<hbm>>
      %dma_start3A_26 = tpu.memref_squeeze %dma_start3A_25 : memref<1x80x125xi32, #tpu.memory_space<hbm>> -> memref<80x125xi32, #tpu.memory_space<hbm>>
      tpu.enqueue_dma source(%dma_start3A_26 : memref<80x125xi32, #tpu.memory_space<hbm>>) target(%arg8 : memref<80x125xi32, #tpu.memory_space<vmem>>) target_semaphore(%run_scoped3A : memref<!tpu.dma_semaphore, #tpu.memory_space<semaphore_mem>>)
      %dma_wait3A = arith.constant 0 : i32
      %dma_wait3A_27 = arith.constant 0 : i32
      %dma_wait3A_28 = tpu.memref_slice %arg4[%add3A, %dma_wait3A, %dma_wait3A_27] : memref<32x80x125xi32, #tpu.memory_space<hbm>> -> memref<1x80x125xi32, #tpu.memory_space<hbm>>
      %dma_wait3A_29 = tpu.memref_squeeze %dma_wait3A_28 : memref<1x80x125xi32, #tpu.memory_space<hbm>> -> memref<80x125xi32, #tpu.memory_space<hbm>>
      %dma_wait3A_30 = arith.constant 0 : i32
      %dma_wait3A_31 = arith.constant 0 : i32
      %dma_wait3A_32 = tpu.memref_slice %arg4[%add3A, %dma_wait3A_30, %dma_wait3A_31] : memref<32x80x125xi32, #tpu.memory_space<hbm>> -> memref<1x80x125xi32, #tpu.memory_space<hbm>>
      %dma_wait3A_33 = tpu.memref_squeeze %dma_wait3A_32 : memref<1x80x125xi32, #tpu.memory_space<hbm>> -> memref<80x125xi32, #tpu.memory_space<hbm>>
      tpu.wait_dma2 semaphore(%run_scoped3A : memref<!tpu.dma_semaphore, #tpu.memory_space<semaphore_mem>>) src(%dma_wait3A_33 : memref<80x125xi32, #tpu.memory_space<hbm>>) dst(%arg8 : memref<80x125xi32, #tpu.memory_space<vmem>>)
      tpu.yield
    }) : () -> ()
    %mul3A_1 = arith.constant 640 : i32
    %mul3A_2 = arith.muli %arg1, %mul3A_1 : i32
    "tpu.region"() ({
      %run_scoped3A = tpu.sem_alloc : memref<!tpu.dma_semaphore, #tpu.memory_space<semaphore_mem>>
      %dma_start3A_19 = arith.constant 0 : i32
      %dma_start3A_20 = tpu.memref_slice %arg11[%mul3A_2, %dma_start3A_19] : memref<10240x64xf32, #tpu.memory_space<vmem_shared>> -> memref<640x64xf32, #tpu.memory_space<vmem_shared>>
      tpu.enqueue_dma source(%arg5 : memref<640x64xf32, #tpu.memory_space<hbm>>) target(%dma_start3A_20 : memref<640x64xf32, #tpu.memory_space<vmem_shared>>) target_semaphore(%run_scoped3A : memref<!tpu.dma_semaphore, #tpu.memory_space<semaphore_mem>>)
      %dma_wait3A = arith.constant 0 : i32
      %dma_wait3A_21 = tpu.memref_slice %arg11[%mul3A_2, %dma_wait3A] : memref<10240x64xf32, #tpu.memory_space<vmem_shared>> -> memref<640x64xf32, #tpu.memory_space<vmem_shared>>
      tpu.wait_dma2 semaphore(%run_scoped3A : memref<!tpu.dma_semaphore, #tpu.memory_space<semaphore_mem>>) src(%arg5 : memref<640x64xf32, #tpu.memory_space<hbm>>) dst(%dma_wait3A_21 : memref<640x64xf32, #tpu.memory_space<vmem_shared>>)
      tpu.yield
    }) : () -> ()
    %barrier3A = arith.constant 0 : index
    tpu.barrier barrier_id(%barrier3A)
    %dma_start3A = arith.constant 0 : i32
    %dma_start3A_3 = arith.constant 0 : i32
    %dma_start3A_4 = tpu.memref_slice %arg7[%dma_start3A, %dma_start3A_3] : memref<80x125xi32, #tpu.memory_space<vmem>> -> memref<1x125xi32, #tpu.memory_space<vmem>>
    %dma_start3A_5 = tpu.memref_squeeze %dma_start3A_4 : memref<1x125xi32, #tpu.memory_space<vmem>> -> memref<125xi32, #tpu.memory_space<vmem>>
    %dma_start3A_6 = arith.constant 0 : i32
    %dma_start3A_7 = arith.constant 0 : i32
    %dma_start3A_8 = tpu.memref_slice %arg2[%dma_start3A_6, %dma_start3A_7] : memref<10000x64xf32, #tpu.memory_space<hbm>> -> memref<10000x64xf32, #tpu.memory_space<hbm>>
    tpu.enqueue_indirect_dma source(%dma_start3A_8 : memref<10000x64xf32, #tpu.memory_space<hbm>>) target(%arg9 : memref<125x64xf32, #tpu.memory_space<vmem>>) offsets(%dma_start3A_5 : memref<125xi32, #tpu.memory_space<vmem>>) semaphore(%arg12 : memref<!tpu.dma_semaphore, #tpu.memory_space<semaphore_mem>>)
    %scan3A = arith.constant 0 : i32
    %scan3A_9 = arith.constant 0 : i32
    %scan3A_10 = arith.constant 40 : i32
    %scan3A_11 = arith.addi %scan3A_9, %scan3A_10 : i32
    %scan3A_12 = arith.constant 1 : i32
    scf.for %scan3A_19 = %scan3A_9 to %scan3A_11 step %scan3A_12  : i32 {
      %mul3A_20 = arith.constant 2 : i32
      %mul3A_21 = arith.muli %mul3A_20, %scan3A_19 : i32
      %add3A_22 = arith.constant 1 : i32
      %add3A_23 = arith.addi %mul3A_21, %add3A_22 : i32
      %dma_start3A_24 = arith.constant 0 : i32
      %dma_start3A_25 = tpu.memref_slice %arg7[%add3A_23, %dma_start3A_24] : memref<80x125xi32, #tpu.memory_space<vmem>> -> memref<1x125xi32, #tpu.memory_space<vmem>>
      %dma_start3A_26 = tpu.memref_squeeze %dma_start3A_25 : memref<1x125xi32, #tpu.memory_space<vmem>> -> memref<125xi32, #tpu.memory_space<vmem>>
      %dma_start3A_27 = arith.constant 0 : i32
      %dma_start3A_28 = arith.constant 0 : i32
      %dma_start3A_29 = tpu.memref_slice %arg2[%dma_start3A_27, %dma_start3A_28] : memref<10000x64xf32, #tpu.memory_space<hbm>> -> memref<10000x64xf32, #tpu.memory_space<hbm>>
      tpu.enqueue_indirect_dma source(%dma_start3A_29 : memref<10000x64xf32, #tpu.memory_space<hbm>>) target(%arg10 : memref<125x64xf32, #tpu.memory_space<vmem>>) offsets(%dma_start3A_26 : memref<125xi32, #tpu.memory_space<vmem>>) semaphore(%arg13 : memref<!tpu.dma_semaphore, #tpu.memory_space<semaphore_mem>>)
      %dma_wait3A = arith.constant 0 : i32
      %dma_wait3A_30 = tpu.memref_slice %arg7[%mul3A_21, %dma_wait3A] : memref<80x125xi32, #tpu.memory_space<vmem>> -> memref<1x125xi32, #tpu.memory_space<vmem>>
      %dma_wait3A_31 = tpu.memref_squeeze %dma_wait3A_30 : memref<1x125xi32, #tpu.memory_space<vmem>> -> memref<125xi32, #tpu.memory_space<vmem>>
      %dma_wait3A_32 = arith.constant 0 : i32
      %dma_wait3A_33 = arith.constant 0 : i32
      %dma_wait3A_34 = tpu.memref_slice %arg2[%dma_wait3A_32, %dma_wait3A_33] : memref<10000x64xf32, #tpu.memory_space<hbm>> -> memref<10000x64xf32, #tpu.memory_space<hbm>>
      tpu.wait_indirect_dma semaphore(%arg12 : memref<!tpu.dma_semaphore, #tpu.memory_space<semaphore_mem>>) src(%dma_wait3A_34 : memref<10000x64xf32, #tpu.memory_space<hbm>>) dst(%arg9 : memref<125x64xf32, #tpu.memory_space<vmem>>)
      "tpu.region"() ({
        %run_scoped3A = tpu.sem_alloc : memref<!tpu.dma_semaphore, #tpu.memory_space<semaphore_mem>>
        %dma_start3A_47 = arith.constant 0 : i32
        %dma_start3A_48 = tpu.memref_slice %arg8[%mul3A_21, %dma_start3A_47] : memref<80x125xi32, #tpu.memory_space<vmem>> -> memref<1x125xi32, #tpu.memory_space<vmem>>
        %dma_start3A_49 = tpu.memref_squeeze %dma_start3A_48 : memref<1x125xi32, #tpu.memory_space<vmem>> -> memref<125xi32, #tpu.memory_space<vmem>>
        %dma_start3A_50 = arith.constant 0 : i32
        %dma_start3A_51 = arith.constant 0 : i32
        %dma_start3A_52 = tpu.memref_slice %arg11[%dma_start3A_50, %dma_start3A_51] : memref<10240x64xf32, #tpu.memory_space<vmem_shared>> -> memref<10240x64xf32, #tpu.memory_space<vmem_shared>>
        tpu.enqueue_indirect_dma source(%arg9 : memref<125x64xf32, #tpu.memory_space<vmem>>) target(%dma_start3A_52 : memref<10240x64xf32, #tpu.memory_space<vmem_shared>>) offsets(%dma_start3A_49 : memref<125xi32, #tpu.memory_space<vmem>>) semaphore(%run_scoped3A : memref<!tpu.dma_semaphore, #tpu.memory_space<semaphore_mem>>) {add = true}
        %dma_wait3A_53 = arith.constant 0 : i32
        %dma_wait3A_54 = tpu.memref_slice %arg8[%mul3A_21, %dma_wait3A_53] : memref<80x125xi32, #tpu.memory_space<vmem>> -> memref<1x125xi32, #tpu.memory_space<vmem>>
        %dma_wait3A_55 = tpu.memref_squeeze %dma_wait3A_54 : memref<1x125xi32, #tpu.memory_space<vmem>> -> memref<125xi32, #tpu.memory_space<vmem>>
        %dma_wait3A_56 = arith.constant 0 : i32
        %dma_wait3A_57 = arith.constant 0 : i32
        %dma_wait3A_58 = tpu.memref_slice %arg11[%dma_wait3A_56, %dma_wait3A_57] : memref<10240x64xf32, #tpu.memory_space<vmem_shared>> -> memref<10240x64xf32, #tpu.memory_space<vmem_shared>>
        tpu.wait_indirect_dma semaphore(%run_scoped3A : memref<!tpu.dma_semaphore, #tpu.memory_space<semaphore_mem>>) src(%arg9 : memref<125x64xf32, #tpu.memory_space<vmem>>) dst(%dma_wait3A_58 : memref<10240x64xf32, #tpu.memory_space<vmem_shared>>)
        tpu.yield
      }) : () -> ()
      %lt3A = arith.constant 39 : i32
      %lt3A_35 = arith.cmpi slt, %scan3A_19, %lt3A : i32
      %convert_element_type3A = arith.extui %lt3A_35 : i1 to i32
      %cond3A = arith.constant 0 : i32
      %cond3A_36 = arith.cmpi ne, %convert_element_type3A, %cond3A : i32
      scf.if %cond3A_36 {
        %add3A_47 = arith.constant 2 : i32
        %add3A_48 = arith.addi %mul3A_21, %add3A_47 : i32
        %dma_start3A_49 = arith.constant 0 : i32
        %dma_start3A_50 = tpu.memref_slice %arg7[%add3A_48, %dma_start3A_49] : memref<80x125xi32, #tpu.memory_space<vmem>> -> memref<1x125xi32, #tpu.memory_space<vmem>>
        %dma_start3A_51 = tpu.memref_squeeze %dma_start3A_50 : memref<1x125xi32, #tpu.memory_space<vmem>> -> memref<125xi32, #tpu.memory_space<vmem>>
        %dma_start3A_52 = arith.constant 0 : i32
        %dma_start3A_53 = arith.constant 0 : i32
        %dma_start3A_54 = tpu.memref_slice %arg2[%dma_start3A_52, %dma_start3A_53] : memref<10000x64xf32, #tpu.memory_space<hbm>> -> memref<10000x64xf32, #tpu.memory_space<hbm>>
        tpu.enqueue_indirect_dma source(%dma_start3A_54 : memref<10000x64xf32, #tpu.memory_space<hbm>>) target(%arg9 : memref<125x64xf32, #tpu.memory_space<vmem>>) offsets(%dma_start3A_51 : memref<125xi32, #tpu.memory_space<vmem>>) semaphore(%arg12 : memref<!tpu.dma_semaphore, #tpu.memory_space<semaphore_mem>>)
      } else {
      }
      %add3A_37 = arith.constant 1 : i32
      %add3A_38 = arith.addi %mul3A_21, %add3A_37 : i32
      %dma_wait3A_39 = arith.constant 0 : i32
      %dma_wait3A_40 = tpu.memref_slice %arg7[%add3A_38, %dma_wait3A_39] : memref<80x125xi32, #tpu.memory_space<vmem>> -> memref<1x125xi32, #tpu.memory_space<vmem>>
      %dma_wait3A_41 = tpu.memref_squeeze %dma_wait3A_40 : memref<1x125xi32, #tpu.memory_space<vmem>> -> memref<125xi32, #tpu.memory_space<vmem>>
      %dma_wait3A_42 = arith.constant 0 : i32
      %dma_wait3A_43 = arith.constant 0 : i32
      %dma_wait3A_44 = tpu.memref_slice %arg2[%dma_wait3A_42, %dma_wait3A_43] : memref<10000x64xf32, #tpu.memory_space<hbm>> -> memref<10000x64xf32, #tpu.memory_space<hbm>>
      tpu.wait_indirect_dma semaphore(%arg13 : memref<!tpu.dma_semaphore, #tpu.memory_space<semaphore_mem>>) src(%dma_wait3A_44 : memref<10000x64xf32, #tpu.memory_space<hbm>>) dst(%arg10 : memref<125x64xf32, #tpu.memory_space<vmem>>)
      %add3A_45 = arith.constant 1 : i32
      %add3A_46 = arith.addi %mul3A_21, %add3A_45 : i32
      "tpu.region"() ({
        %run_scoped3A = tpu.sem_alloc : memref<!tpu.dma_semaphore, #tpu.memory_space<semaphore_mem>>
        %dma_start3A_47 = arith.constant 0 : i32
        %dma_start3A_48 = tpu.memref_slice %arg8[%add3A_46, %dma_start3A_47] : memref<80x125xi32, #tpu.memory_space<vmem>> -> memref<1x125xi32, #tpu.memory_space<vmem>>
        %dma_start3A_49 = tpu.memref_squeeze %dma_start3A_48 : memref<1x125xi32, #tpu.memory_space<vmem>> -> memref<125xi32, #tpu.memory_space<vmem>>
        %dma_start3A_50 = arith.constant 0 : i32
        %dma_start3A_51 = arith.constant 0 : i32
        %dma_start3A_52 = tpu.memref_slice %arg11[%dma_start3A_50, %dma_start3A_51] : memref<10240x64xf32, #tpu.memory_space<vmem_shared>> -> memref<10240x64xf32, #tpu.memory_space<vmem_shared>>
        tpu.enqueue_indirect_dma source(%arg10 : memref<125x64xf32, #tpu.memory_space<vmem>>) target(%dma_start3A_52 : memref<10240x64xf32, #tpu.memory_space<vmem_shared>>) offsets(%dma_start3A_49 : memref<125xi32, #tpu.memory_space<vmem>>) semaphore(%run_scoped3A : memref<!tpu.dma_semaphore, #tpu.memory_space<semaphore_mem>>) {add = true}
        %dma_wait3A_53 = arith.constant 0 : i32
        %dma_wait3A_54 = tpu.memref_slice %arg8[%add3A_46, %dma_wait3A_53] : memref<80x125xi32, #tpu.memory_space<vmem>> -> memref<1x125xi32, #tpu.memory_space<vmem>>
        %dma_wait3A_55 = tpu.memref_squeeze %dma_wait3A_54 : memref<1x125xi32, #tpu.memory_space<vmem>> -> memref<125xi32, #tpu.memory_space<vmem>>
        %dma_wait3A_56 = arith.constant 0 : i32
        %dma_wait3A_57 = arith.constant 0 : i32
        %dma_wait3A_58 = tpu.memref_slice %arg11[%dma_wait3A_56, %dma_wait3A_57] : memref<10240x64xf32, #tpu.memory_space<vmem_shared>> -> memref<10240x64xf32, #tpu.memory_space<vmem_shared>>
        tpu.wait_indirect_dma semaphore(%run_scoped3A : memref<!tpu.dma_semaphore, #tpu.memory_space<semaphore_mem>>) src(%arg10 : memref<125x64xf32, #tpu.memory_space<vmem>>) dst(%dma_wait3A_58 : memref<10240x64xf32, #tpu.memory_space<vmem_shared>>)
        tpu.yield
      }) : () -> ()
    }
    %scan3A_13 = arith.constant 40 : i32
    %barrier3A_14 = arith.constant 0 : index
    tpu.barrier barrier_id(%barrier3A_14)
    %mul3A_15 = arith.constant 640 : i32
    %mul3A_16 = arith.muli %arg1, %mul3A_15 : i32
    %mul3A_17 = arith.constant 640 : i32
    %mul3A_18 = arith.muli %arg1, %mul3A_17 : i32
    "tpu.region"() ({
      %run_scoped3A = tpu.sem_alloc : memref<!tpu.dma_semaphore, #tpu.memory_space<semaphore_mem>>
      %dma_start3A_19 = arith.constant 0 : i32
      %dma_start3A_20 = tpu.memref_slice %arg6[%arg0, %mul3A_18, %dma_start3A_19] : memref<2x10240x64xf32, #tpu.memory_space<hbm>> -> memref<1x640x64xf32, #tpu.memory_space<hbm>>
      %dma_start3A_21 = tpu.memref_squeeze %dma_start3A_20 : memref<1x640x64xf32, #tpu.memory_space<hbm>> -> memref<640x64xf32, #tpu.memory_space<hbm>>
      %dma_start3A_22 = arith.constant 0 : i32
      %dma_start3A_23 = tpu.memref_slice %arg11[%mul3A_16, %dma_start3A_22] : memref<10240x64xf32, #tpu.memory_space<vmem_shared>> -> memref<640x64xf32, #tpu.memory_space<vmem_shared>>
      tpu.enqueue_dma source(%dma_start3A_23 : memref<640x64xf32, #tpu.memory_space<vmem_shared>>) target(%dma_start3A_21 : memref<640x64xf32, #tpu.memory_space<hbm>>) target_semaphore(%run_scoped3A : memref<!tpu.dma_semaphore, #tpu.memory_space<semaphore_mem>>)
      %dma_wait3A = arith.constant 0 : i32
      %dma_wait3A_24 = tpu.memref_slice %arg6[%arg0, %mul3A_18, %dma_wait3A] : memref<2x10240x64xf32, #tpu.memory_space<hbm>> -> memref<1x640x64xf32, #tpu.memory_space<hbm>>
      %dma_wait3A_25 = tpu.memref_squeeze %dma_wait3A_24 : memref<1x640x64xf32, #tpu.memory_space<hbm>> -> memref<640x64xf32, #tpu.memory_space<hbm>>
      %dma_wait3A_26 = arith.constant 0 : i32
      %dma_wait3A_27 = tpu.memref_slice %arg11[%mul3A_16, %dma_wait3A_26] : memref<10240x64xf32, #tpu.memory_space<vmem_shared>> -> memref<640x64xf32, #tpu.memory_space<vmem_shared>>
      tpu.wait_dma2 semaphore(%run_scoped3A : memref<!tpu.dma_semaphore, #tpu.memory_space<semaphore_mem>>) src(%dma_wait3A_27 : memref<640x64xf32, #tpu.memory_space<vmem_shared>>) dst(%dma_wait3A_25 : memref<640x64xf32, #tpu.memory_space<hbm>>)
      tpu.yield
    }) : () -> ()
    return
  }
}

module attributes {stable_mosaic.version = 14 : i64} {
  func.func @_t1_body(%arg0: i32, %arg1: memref<1000x128xf32, #tpu.memory_space<vmem>>, %arg2: memref<128x64xf32, #tpu.memory_space<vmem>>, %arg3: memref<1x32x1000xf32, #tpu.memory_space<vmem>>, %arg4: memref<1000x64xf32, #tpu.memory_space<vmem>>, %arg5: memref<1x8x1000xf32, #tpu.memory_space<vmem>>) attributes {dimension_semantics = [#tpu.dimension_semantics<arbitrary>], iteration_bounds = array<i64: 10>, scalar_prefetch = 0 : i64, scratch_operands = 0 : i64, tpu.core_type = #tpu.core_type<tc>, window_params = [{transform_indices = @transform_0, window_bounds = array<i64: 1000, 128>}, {pipeline_mode = #tpu.pipeline_mode<synchronous>, transform_indices = @transform_1, window_bounds = array<i64: 128, 64>}, {transform_indices = @transform_2, window_bounds = array<i64: 1, 32, 1000>}, {transform_indices = @transform_3, window_bounds = array<i64: 1000, 64>}, {transform_indices = @transform_4, window_bounds = array<i64: 1, 8, 1000>}]} {
    %get3A = arith.constant 0 : index
    %get3A_0 = arith.constant 0 : index
    %get3A_1 = arith.constant 0 : index
    %get3A_2 = vector.load %arg3[%get3A, %get3A_0, %get3A_1] : memref<1x32x1000xf32, #tpu.memory_space<vmem>>, vector<1x32x1000xf32>
    %get3A_3 = vector.shape_cast %get3A_2 : vector<1x32x1000xf32> to vector<32x1000xf32>
    %reduce_sum3A = arith.constant dense<0.000000e+00> : vector<1000xf32>
    %reduce_sum3A_4 = vector.multi_reduction <add>, %get3A_3, %reduce_sum3A [0] : vector<32x1000xf32> to vector<1000xf32>
    %add3A = arith.constant 1.000000e+00 : f32
    %add3A_5 = vector.broadcast %add3A : f32 to vector<1000xf32>
    %add3A_6 = arith.addf %reduce_sum3A_4, %add3A_5 : vector<1000xf32>
    %sqrt3A = math.sqrt %add3A_6 : vector<1000xf32>
    %div3A = arith.constant 1.000000e+00 : f32
    %div3A_7 = vector.broadcast %div3A : f32 to vector<1000xf32>
    %div3A_8 = arith.divf %div3A_7, %sqrt3A : vector<1000xf32>
    %get3A_9 = arith.constant 0 : index
    %get3A_10 = arith.constant 0 : index
    %get3A_11 = vector.load %arg1[%get3A_9, %get3A_10] : memref<1000x128xf32, #tpu.memory_space<vmem>>, vector<1000x128xf32>
    %convert_element_type3A = arith.truncf %get3A_11 : vector<1000x128xf32> to vector<1000x128xbf16>
    %get3A_12 = arith.constant 0 : index
    %get3A_13 = arith.constant 0 : index
    %get3A_14 = vector.load %arg2[%get3A_12, %get3A_13] : memref<128x64xf32, #tpu.memory_space<vmem>>, vector<128x64xf32>
    %convert_element_type3A_15 = arith.truncf %get3A_14 : vector<128x64xf32> to vector<128x64xbf16>
    %dot_general3A = arith.constant dense<0.000000e+00> : vector<1000x64xf32>
    %dot_general3A_16 = tpu.matmul %convert_element_type3A, %convert_element_type3A_15, %dot_general3A {dimension_numbers = #tpu.dot_dimension_numbers<[1], [0], [0], [1], [0, 0, 1, 1], [], []>, transpose_lhs_hint = false} : vector<1000x128xbf16>, vector<128x64xbf16>, vector<1000x64xf32> -> vector<1000x64xf32>
    %broadcast_in_dim3A = vector.shape_cast %div3A_8 : vector<1000xf32> to vector<1000x1xf32>
    %mul3A = vector.broadcast %broadcast_in_dim3A : vector<1000x1xf32> to vector<1000x64xf32>
    %mul3A_17 = arith.mulf %mul3A, %dot_general3A_16 : vector<1000x64xf32>
    %swap3A = arith.constant 0 : index
    %swap3A_18 = arith.constant 0 : index
    %swap3A_19 = vector.load %arg4[%swap3A, %swap3A_18] : memref<1000x64xf32, #tpu.memory_space<vmem>>, vector<1000x64xf32>
    tpu.vector_store %arg4[%swap3A, %swap3A_18], %mul3A_17 {strides = array<i32>} : memref<1000x64xf32, #tpu.memory_space<vmem>>, vector<1000x64xf32>,
    %broadcast_in_dim3A_20 = vector.shape_cast %div3A_8 : vector<1000xf32> to vector<1x1000xf32>
    %broadcast_in_dim3A_21 = vector.shape_cast %broadcast_in_dim3A_20 : vector<1x1000xf32> to vector<1x1000xf32>
    %broadcast_in_dim3A_22 = vector.broadcast %broadcast_in_dim3A_21 : vector<1x1000xf32> to vector<8x1000xf32>
    %swap3A_23 = arith.constant 0 : index
    %swap3A_24 = arith.constant 0 : index
    %swap3A_25 = arith.constant 0 : index
    %swap3A_26 = vector.load %arg5[%swap3A_23, %swap3A_24, %swap3A_25] : memref<1x8x1000xf32, #tpu.memory_space<vmem>>, vector<1x8x1000xf32>
    %swap3A_27 = vector.shape_cast %swap3A_26 : vector<1x8x1000xf32> to vector<8x1000xf32>
    %swap3A_28 = vector.shape_cast %broadcast_in_dim3A_22 : vector<8x1000xf32> to vector<1x8x1000xf32>
    tpu.vector_store %arg5[%swap3A_23, %swap3A_24, %swap3A_25], %swap3A_28 {strides = array<i32>} : memref<1x8x1000xf32, #tpu.memory_space<vmem>>, vector<1x8x1000xf32>,
    return
  }
  func.func @transform_0(%arg0: i32) -> (i32, i32) {
    %c0_i32 = arith.constant 0 : i32
    %c0_i32_0 = arith.constant 0 : i32
    return %arg0, %c0_i32 : i32, i32
  }
  func.func @transform_1(%arg0: i32) -> (i32, i32) {
    %c0_i32 = arith.constant 0 : i32
    %c0_i32_0 = arith.constant 0 : i32
    %c0_i32_1 = arith.constant 0 : i32
    return %c0_i32, %c0_i32_0 : i32, i32
  }
  func.func @transform_2(%arg0: i32) -> (i32, i32, i32) {
    %c0_i32 = arith.constant 0 : i32
    %c0_i32_0 = arith.constant 0 : i32
    %c0_i32_1 = arith.constant 0 : i32
    return %arg0, %c0_i32, %c0_i32_0 : i32, i32, i32
  }
  func.func @transform_3(%arg0: i32) -> (i32, i32) {
    %c0_i32 = arith.constant 0 : i32
    %c0_i32_0 = arith.constant 0 : i32
    return %arg0, %c0_i32 : i32, i32
  }
  func.func @transform_4(%arg0: i32) -> (i32, i32, i32) {
    %c0_i32 = arith.constant 0 : i32
    %c0_i32_0 = arith.constant 0 : i32
    %c0_i32_1 = arith.constant 0 : i32
    return %arg0, %c0_i32, %c0_i32_0 : i32, i32, i32
  }
}

module attributes {stable_mosaic.version = 14 : i64} {
  func.func @_t2_body(%arg0: i32, %arg1: memref<2x1000x64xf32, #tpu.memory_space<vmem>>, %arg2: memref<1000x64xf32, #tpu.memory_space<vmem>>, %arg3: memref<1x64xf32, #tpu.memory_space<vmem>>, %arg4: memref<1x8x1000xf32, #tpu.memory_space<vmem>>, %arg5: memref<1000x64xf32, #tpu.memory_space<vmem>>) attributes {dimension_semantics = [#tpu.dimension_semantics<arbitrary>], iteration_bounds = array<i64: 10>, scalar_prefetch = 0 : i64, scratch_operands = 0 : i64, tpu.core_type = #tpu.core_type<tc>, window_params = [{transform_indices = @transform_0, window_bounds = array<i64: 2, 1000, 64>}, {transform_indices = @transform_1, window_bounds = array<i64: 1000, 64>}, {pipeline_mode = #tpu.pipeline_mode<synchronous>, transform_indices = @transform_2, window_bounds = array<i64: 1, 64>}, {transform_indices = @transform_3, window_bounds = array<i64: 1, 8, 1000>}, {transform_indices = @transform_4, window_bounds = array<i64: 1000, 64>}]} {
    %get3A = arith.constant 0 : index
    %get3A_0 = arith.constant 0 : index
    %get3A_1 = arith.constant 0 : index
    %get3A_2 = vector.load %arg4[%get3A, %get3A_0, %get3A_1] : memref<1x8x1000xf32, #tpu.memory_space<vmem>>, vector<1x1x1000xf32>
    %get3A_3 = vector.shape_cast %get3A_2 : vector<1x1x1000xf32> to vector<1000xf32>
    %get3A_4 = arith.constant 0 : index
    %get3A_5 = arith.constant 0 : index
    %get3A_6 = arith.constant 0 : index
    %get3A_7 = vector.load %arg1[%get3A_4, %get3A_5, %get3A_6] : memref<2x1000x64xf32, #tpu.memory_space<vmem>>, vector<1x1000x64xf32>
    %get3A_8 = vector.shape_cast %get3A_7 : vector<1x1000x64xf32> to vector<1000x64xf32>
    %get3A_9 = arith.constant 1 : index
    %get3A_10 = arith.constant 0 : index
    %get3A_11 = arith.constant 0 : index
    %get3A_12 = vector.load %arg1[%get3A_9, %get3A_10, %get3A_11] : memref<2x1000x64xf32, #tpu.memory_space<vmem>>, vector<1x1000x64xf32>
    %get3A_13 = vector.shape_cast %get3A_12 : vector<1x1000x64xf32> to vector<1000x64xf32>
    %add3A = arith.addf %get3A_8, %get3A_13 : vector<1000x64xf32>
    %get3A_14 = arith.constant 0 : index
    %get3A_15 = arith.constant 0 : index
    %get3A_16 = vector.load %arg2[%get3A_14, %get3A_15] : memref<1000x64xf32, #tpu.memory_space<vmem>>, vector<1000x64xf32>
    %add3A_17 = arith.addf %add3A, %get3A_16 : vector<1000x64xf32>
    %broadcast_in_dim3A = vector.shape_cast %get3A_3 : vector<1000xf32> to vector<1000x1xf32>
    %mul3A = vector.broadcast %broadcast_in_dim3A : vector<1000x1xf32> to vector<1000x64xf32>
    %mul3A_18 = arith.mulf %mul3A, %add3A_17 : vector<1000x64xf32>
    %get3A_19 = arith.constant 0 : index
    %get3A_20 = arith.constant 0 : index
    %get3A_21 = vector.load %arg3[%get3A_19, %get3A_20] : memref<1x64xf32, #tpu.memory_space<vmem>>, vector<1x64xf32>
    %add3A_22 = vector.broadcast %get3A_21 : vector<1x64xf32> to vector<1000x64xf32>
    %add3A_23 = arith.addf %mul3A_18, %add3A_22 : vector<1000x64xf32>
    %min3A = arith.constant 0.000000e+00 : f32
    %min3A_24 = vector.broadcast %min3A : f32 to vector<1000x64xf32>
    %min3A_25 = arith.minimumf %add3A_23, %min3A_24 : vector<1000x64xf32>
    %mul3A_26 = arith.constant 0.00833333377 : f32
    %mul3A_27 = vector.broadcast %mul3A_26 : f32 to vector<1000x64xf32>
    %mul3A_28 = arith.mulf %min3A_25, %mul3A_27 : vector<1000x64xf32>
    %add3A_29 = arith.constant 0.0416666679 : f32
    %add3A_30 = vector.broadcast %add3A_29 : f32 to vector<1000x64xf32>
    %add3A_31 = arith.addf %add3A_30, %mul3A_28 : vector<1000x64xf32>
    %mul3A_32 = arith.mulf %min3A_25, %add3A_31 : vector<1000x64xf32>
    %add3A_33 = arith.constant 0.166666672 : f32
    %add3A_34 = vector.broadcast %add3A_33 : f32 to vector<1000x64xf32>
    %add3A_35 = arith.addf %add3A_34, %mul3A_32 : vector<1000x64xf32>
    %mul3A_36 = arith.mulf %min3A_25, %add3A_35 : vector<1000x64xf32>
    %add3A_37 = arith.constant 5.000000e-01 : f32
    %add3A_38 = vector.broadcast %add3A_37 : f32 to vector<1000x64xf32>
    %add3A_39 = arith.addf %add3A_38, %mul3A_36 : vector<1000x64xf32>
    %mul3A_40 = arith.mulf %min3A_25, %add3A_39 : vector<1000x64xf32>
    %add3A_41 = arith.constant 1.000000e+00 : f32
    %add3A_42 = vector.broadcast %add3A_41 : f32 to vector<1000x64xf32>
    %add3A_43 = arith.addf %add3A_42, %mul3A_40 : vector<1000x64xf32>
    %mul3A_44 = arith.mulf %min3A_25, %add3A_43 : vector<1000x64xf32>
    %gt3A = arith.constant -1.250000e-01 : f32
    %gt3A_45 = vector.broadcast %gt3A : f32 to vector<1000x64xf32>
    %gt3A_46 = arith.cmpf ogt, %min3A_25, %gt3A_45 : vector<1000x64xf32>
    %exp3A = math.exp %min3A_25 : vector<1000x64xf32>
    %sub3A = arith.constant 1.000000e+00 : f32
    %sub3A_47 = vector.broadcast %sub3A : f32 to vector<1000x64xf32>
    %sub3A_48 = arith.subf %exp3A, %sub3A_47 : vector<1000x64xf32>
    %select_n3A = arith.select %gt3A_46, %mul3A_44, %sub3A_48 : vector<1000x64xi1>, vector<1000x64xf32>
    %gt3A_49 = arith.constant 0.000000e+00 : f32
    %gt3A_50 = vector.broadcast %gt3A_49 : f32 to vector<1000x64xf32>
    %gt3A_51 = arith.cmpf ogt, %add3A_23, %gt3A_50 : vector<1000x64xf32>
    %select_n3A_52 = arith.select %gt3A_51, %add3A_23, %select_n3A : vector<1000x64xi1>, vector<1000x64xf32>
    %convert_element_type3A = arith.truncf %select_n3A_52 : vector<1000x64xf32> to vector<1000x64xbf16>
    %convert_element_type3A_53 = arith.extf %convert_element_type3A : vector<1000x64xbf16> to vector<1000x64xf32>
    %broadcast_in_dim3A_54 = vector.shape_cast %get3A_3 : vector<1000xf32> to vector<1000x1xf32>
    %mul3A_55 = vector.broadcast %broadcast_in_dim3A_54 : vector<1000x1xf32> to vector<1000x64xf32>
    %mul3A_56 = arith.mulf %mul3A_55, %convert_element_type3A_53 : vector<1000x64xf32>
    %swap3A = arith.constant 0 : index
    %swap3A_57 = arith.constant 0 : index
    %swap3A_58 = vector.load %arg5[%swap3A, %swap3A_57] : memref<1000x64xf32, #tpu.memory_space<vmem>>, vector<1000x64xf32>
    tpu.vector_store %arg5[%swap3A, %swap3A_57], %mul3A_56 {strides = array<i32>} : memref<1000x64xf32, #tpu.memory_space<vmem>>, vector<1000x64xf32>,
    return
  }
  func.func @transform_0(%arg0: i32) -> (i32, i32, i32) {
    %c0_i32 = arith.constant 0 : i32
    %c0_i32_0 = arith.constant 0 : i32
    %c0_i32_1 = arith.constant 0 : i32
    return %c0_i32, %arg0, %c0_i32_0 : i32, i32, i32
  }
  func.func @transform_1(%arg0: i32) -> (i32, i32) {
    %c0_i32 = arith.constant 0 : i32
    %c0_i32_0 = arith.constant 0 : i32
    return %arg0, %c0_i32 : i32, i32
  }
  func.func @transform_2(%arg0: i32) -> (i32, i32) {
    %c0_i32 = arith.constant 0 : i32
    %c0_i32_0 = arith.constant 0 : i32
    %c0_i32_1 = arith.constant 0 : i32
    return %c0_i32, %c0_i32_0 : i32, i32
  }
  func.func @transform_3(%arg0: i32) -> (i32, i32, i32) {
    %c0_i32 = arith.constant 0 : i32
    %c0_i32_0 = arith.constant 0 : i32
    %c0_i32_1 = arith.constant 0 : i32
    return %arg0, %c0_i32, %c0_i32_0 : i32, i32, i32
  }
  func.func @transform_4(%arg0: i32) -> (i32, i32) {
    %c0_i32 = arith.constant 0 : i32
    %c0_i32_0 = arith.constant 0 : i32
    return %arg0, %c0_i32 : i32, i32
  }
}

module attributes {stable_mosaic.version = 14 : i64} {
  func.func @_t3_body(%arg0: i32, %arg1: memref<2x1000x64xf32, #tpu.memory_space<vmem>>, %arg2: memref<1000x64xf32, #tpu.memory_space<vmem>>, %arg3: memref<64x256xf32, #tpu.memory_space<vmem>>, %arg4: memref<1x256xf32, #tpu.memory_space<vmem>>, %arg5: memref<1x8x1000xf32, #tpu.memory_space<vmem>>, %arg6: memref<1000x256xf32, #tpu.memory_space<vmem>>, %arg7: memref<8x256xf32, #tpu.memory_space<vmem>>, %arg8: memref<8x256xf32, #tpu.memory_space<vmem>>) attributes {dimension_semantics = [#tpu.dimension_semantics<arbitrary>], iteration_bounds = array<i64: 10>, scalar_prefetch = 0 : i64, scratch_operands = 0 : i64, tpu.core_type = #tpu.core_type<tc>, window_params = [{transform_indices = @transform_0, window_bounds = array<i64: 2, 1000, 64>}, {transform_indices = @transform_1, window_bounds = array<i64: 1000, 64>}, {pipeline_mode = #tpu.pipeline_mode<synchronous>, transform_indices = @transform_2, window_bounds = array<i64: 64, 256>}, {pipeline_mode = #tpu.pipeline_mode<synchronous>, transform_indices = @transform_3, window_bounds = array<i64: 1, 256>}, {transform_indices = @transform_4, window_bounds = array<i64: 1, 8, 1000>}, {transform_indices = @transform_5, window_bounds = array<i64: 1000, 256>}, {pipeline_mode = #tpu.pipeline_mode<synchronous>, transform_indices = @transform_6, window_bounds = array<i64: 8, 256>}, {pipeline_mode = #tpu.pipeline_mode<synchronous>, transform_indices = @transform_7, window_bounds = array<i64: 8, 256>}]} {
    %get3A = arith.constant 0 : index
    %get3A_0 = arith.constant 0 : index
    %get3A_1 = arith.constant 0 : index
    %get3A_2 = vector.load %arg5[%get3A, %get3A_0, %get3A_1] : memref<1x8x1000xf32, #tpu.memory_space<vmem>>, vector<1x1x1000xf32>
    %get3A_3 = vector.shape_cast %get3A_2 : vector<1x1x1000xf32> to vector<1000xf32>
    %broadcast_in_dim3A = vector.shape_cast %get3A_3 : vector<1000xf32> to vector<1000x1xf32>
    %get3A_4 = arith.constant 0 : index
    %get3A_5 = arith.constant 0 : index
    %get3A_6 = arith.constant 0 : index
    %get3A_7 = vector.load %arg1[%get3A_4, %get3A_5, %get3A_6] : memref<2x1000x64xf32, #tpu.memory_space<vmem>>, vector<1x1000x64xf32>
    %get3A_8 = vector.shape_cast %get3A_7 : vector<1x1000x64xf32> to vector<1000x64xf32>
    %get3A_9 = arith.constant 1 : index
    %get3A_10 = arith.constant 0 : index
    %get3A_11 = arith.constant 0 : index
    %get3A_12 = vector.load %arg1[%get3A_9, %get3A_10, %get3A_11] : memref<2x1000x64xf32, #tpu.memory_space<vmem>>, vector<1x1000x64xf32>
    %get3A_13 = vector.shape_cast %get3A_12 : vector<1x1000x64xf32> to vector<1000x64xf32>
    %add3A = arith.addf %get3A_8, %get3A_13 : vector<1000x64xf32>
    %get3A_14 = arith.constant 0 : index
    %get3A_15 = arith.constant 0 : index
    %get3A_16 = vector.load %arg2[%get3A_14, %get3A_15] : memref<1000x64xf32, #tpu.memory_space<vmem>>, vector<1000x64xf32>
    %add3A_17 = arith.addf %add3A, %get3A_16 : vector<1000x64xf32>
    %mul3A = vector.broadcast %broadcast_in_dim3A : vector<1000x1xf32> to vector<1000x64xf32>
    %mul3A_18 = arith.mulf %mul3A, %add3A_17 : vector<1000x64xf32>
    %get3A_19 = arith.constant 0 : index
    %get3A_20 = arith.constant 0 : index
    %get3A_21 = vector.load %arg3[%get3A_19, %get3A_20] : memref<64x256xf32, #tpu.memory_space<vmem>>, vector<64x256xf32>
    %convert_element_type3A = arith.truncf %get3A_21 : vector<64x256xf32> to vector<64x256xbf16>
    %convert_element_type3A_22 = arith.extf %convert_element_type3A : vector<64x256xbf16> to vector<64x256xf32>
    %dot_general3A = arith.constant dense<0.000000e+00> : vector<1000x256xf32>
    %dot_general3A_23 = tpu.matmul %mul3A_18, %convert_element_type3A_22, %dot_general3A {dimension_numbers = #tpu.dot_dimension_numbers<[1], [0], [0], [1], [0, 0, 1, 1], [], []>, precision = #tpu.contract_precision<fp32>, transpose_lhs_hint = false} : vector<1000x64xf32>, vector<64x256xf32>, vector<1000x256xf32> -> vector<1000x256xf32>
    %get3A_24 = arith.constant 0 : index
    %get3A_25 = arith.constant 0 : index
    %get3A_26 = vector.load %arg4[%get3A_24, %get3A_25] : memref<1x256xf32, #tpu.memory_space<vmem>>, vector<1x256xf32>
    %add3A_27 = vector.broadcast %get3A_26 : vector<1x256xf32> to vector<1000x256xf32>
    %add3A_28 = arith.addf %dot_general3A_23, %add3A_27 : vector<1000x256xf32>
    %min3A = arith.constant 0.000000e+00 : f32
    %min3A_29 = vector.broadcast %min3A : f32 to vector<1000x256xf32>
    %min3A_30 = arith.minimumf %add3A_28, %min3A_29 : vector<1000x256xf32>
    %mul3A_31 = arith.constant 0.00833333377 : f32
    %mul3A_32 = vector.broadcast %mul3A_31 : f32 to vector<1000x256xf32>
    %mul3A_33 = arith.mulf %min3A_30, %mul3A_32 : vector<1000x256xf32>
    %add3A_34 = arith.constant 0.0416666679 : f32
    %add3A_35 = vector.broadcast %add3A_34 : f32 to vector<1000x256xf32>
    %add3A_36 = arith.addf %add3A_35, %mul3A_33 : vector<1000x256xf32>
    %mul3A_37 = arith.mulf %min3A_30, %add3A_36 : vector<1000x256xf32>
    %add3A_38 = arith.constant 0.166666672 : f32
    %add3A_39 = vector.broadcast %add3A_38 : f32 to vector<1000x256xf32>
    %add3A_40 = arith.addf %add3A_39, %mul3A_37 : vector<1000x256xf32>
    %mul3A_41 = arith.mulf %min3A_30, %add3A_40 : vector<1000x256xf32>
    %add3A_42 = arith.constant 5.000000e-01 : f32
    %add3A_43 = vector.broadcast %add3A_42 : f32 to vector<1000x256xf32>
    %add3A_44 = arith.addf %add3A_43, %mul3A_41 : vector<1000x256xf32>
    %mul3A_45 = arith.mulf %min3A_30, %add3A_44 : vector<1000x256xf32>
    %add3A_46 = arith.constant 1.000000e+00 : f32
    %add3A_47 = vector.broadcast %add3A_46 : f32 to vector<1000x256xf32>
    %add3A_48 = arith.addf %add3A_47, %mul3A_45 : vector<1000x256xf32>
    %mul3A_49 = arith.mulf %min3A_30, %add3A_48 : vector<1000x256xf32>
    %gt3A = arith.constant -1.250000e-01 : f32
    %gt3A_50 = vector.broadcast %gt3A : f32 to vector<1000x256xf32>
    %gt3A_51 = arith.cmpf ogt, %min3A_30, %gt3A_50 : vector<1000x256xf32>
    %exp3A = math.exp %min3A_30 : vector<1000x256xf32>
    %sub3A = arith.constant 1.000000e+00 : f32
    %sub3A_52 = vector.broadcast %sub3A : f32 to vector<1000x256xf32>
    %sub3A_53 = arith.subf %exp3A, %sub3A_52 : vector<1000x256xf32>
    %select_n3A = arith.select %gt3A_51, %mul3A_49, %sub3A_53 : vector<1000x256xi1>, vector<1000x256xf32>
    %gt3A_54 = arith.constant 0.000000e+00 : f32
    %gt3A_55 = vector.broadcast %gt3A_54 : f32 to vector<1000x256xf32>
    %gt3A_56 = arith.cmpf ogt, %add3A_28, %gt3A_55 : vector<1000x256xf32>
    %select_n3A_57 = arith.select %gt3A_56, %add3A_28, %select_n3A : vector<1000x256xi1>, vector<1000x256xf32>
    %swap3A = arith.constant 0 : index
    %swap3A_58 = arith.constant 0 : index
    %swap3A_59 = vector.load %arg6[%swap3A, %swap3A_58] : memref<1000x256xf32, #tpu.memory_space<vmem>>, vector<1000x256xf32>
    tpu.vector_store %arg6[%swap3A, %swap3A_58], %select_n3A_57 {strides = array<i32>} : memref<1000x256xf32, #tpu.memory_space<vmem>>, vector<1000x256xf32>,
    %eq3A = arith.constant 0 : i32
    %eq3A_60 = arith.cmpi eq, %arg0, %eq3A : i32
    %convert_element_type3A_61 = arith.extui %eq3A_60 : i1 to i32
    %cond3A = arith.constant 0 : i32
    %cond3A_62 = arith.cmpi ne, %convert_element_type3A_61, %cond3A : i32
    scf.if %cond3A_62 {
      %broadcast_in_dim3A_87 = arith.constant 0.000000e+00 : f32
      %broadcast_in_dim3A_88 = vector.broadcast %broadcast_in_dim3A_87 : f32 to vector<8x256xf32>
      %swap3A_89 = arith.constant 0 : index
      %swap3A_90 = arith.constant 0 : index
      %swap3A_91 = vector.load %arg7[%swap3A_89, %swap3A_90] : memref<8x256xf32, #tpu.memory_space<vmem>>, vector<8x256xf32>
      tpu.vector_store %arg7[%swap3A_89, %swap3A_90], %broadcast_in_dim3A_88 {strides = array<i32>} : memref<8x256xf32, #tpu.memory_space<vmem>>, vector<8x256xf32>,
      %broadcast_in_dim3A_92 = arith.constant 0.000000e+00 : f32
      %broadcast_in_dim3A_93 = vector.broadcast %broadcast_in_dim3A_92 : f32 to vector<8x256xf32>
      %swap3A_94 = arith.constant 0 : index
      %swap3A_95 = arith.constant 0 : index
      %swap3A_96 = vector.load %arg8[%swap3A_94, %swap3A_95] : memref<8x256xf32, #tpu.memory_space<vmem>>, vector<8x256xf32>
      tpu.vector_store %arg8[%swap3A_94, %swap3A_95], %broadcast_in_dim3A_93 {strides = array<i32>} : memref<8x256xf32, #tpu.memory_space<vmem>>, vector<8x256xf32>,
    } else {
    }
    %get3A_63 = arith.constant 0 : index
    %get3A_64 = arith.constant 0 : index
    %get3A_65 = vector.load %arg7[%get3A_63, %get3A_64] : memref<8x256xf32, #tpu.memory_space<vmem>>, vector<8x256xf32>
    %reduce_sum3A = arith.constant dense<0.000000e+00> : vector<256xf32>
    %reduce_sum3A_66 = vector.multi_reduction <add>, %select_n3A_57, %reduce_sum3A [0] : vector<1000x256xf32> to vector<256xf32>
    %broadcast_in_dim3A_67 = vector.shape_cast %reduce_sum3A_66 : vector<256xf32> to vector<1x256xf32>
    %broadcast_in_dim3A_68 = vector.shape_cast %broadcast_in_dim3A_67 : vector<1x256xf32> to vector<1x256xf32>
    %broadcast_in_dim3A_69 = vector.broadcast %broadcast_in_dim3A_68 : vector<1x256xf32> to vector<8x256xf32>
    %add3A_70 = arith.addf %get3A_65, %broadcast_in_dim3A_69 : vector<8x256xf32>
    %swap3A_71 = arith.constant 0 : index
    %swap3A_72 = arith.constant 0 : index
    %swap3A_73 = vector.load %arg7[%swap3A_71, %swap3A_72] : memref<8x256xf32, #tpu.memory_space<vmem>>, vector<8x256xf32>
    tpu.vector_store %arg7[%swap3A_71, %swap3A_72], %add3A_70 {strides = array<i32>} : memref<8x256xf32, #tpu.memory_space<vmem>>, vector<8x256xf32>,
    %get3A_74 = arith.constant 0 : index
    %get3A_75 = arith.constant 0 : index
    %get3A_76 = vector.load %arg8[%get3A_74, %get3A_75] : memref<8x256xf32, #tpu.memory_space<vmem>>, vector<8x256xf32>
    %mul3A_77 = arith.mulf %select_n3A_57, %select_n3A_57 : vector<1000x256xf32>
    %reduce_sum3A_78 = arith.constant dense<0.000000e+00> : vector<256xf32>
    %reduce_sum3A_79 = vector.multi_reduction <add>, %mul3A_77, %reduce_sum3A_78 [0] : vector<1000x256xf32> to vector<256xf32>
    %broadcast_in_dim3A_80 = vector.shape_cast %reduce_sum3A_79 : vector<256xf32> to vector<1x256xf32>
    %broadcast_in_dim3A_81 = vector.shape_cast %broadcast_in_dim3A_80 : vector<1x256xf32> to vector<1x256xf32>
    %broadcast_in_dim3A_82 = vector.broadcast %broadcast_in_dim3A_81 : vector<1x256xf32> to vector<8x256xf32>
    %add3A_83 = arith.addf %get3A_76, %broadcast_in_dim3A_82 : vector<8x256xf32>
    %swap3A_84 = arith.constant 0 : index
    %swap3A_85 = arith.constant 0 : index
    %swap3A_86 = vector.load %arg8[%swap3A_84, %swap3A_85] : memref<8x256xf32, #tpu.memory_space<vmem>>, vector<8x256xf32>
    tpu.vector_store %arg8[%swap3A_84, %swap3A_85], %add3A_83 {strides = array<i32>} : memref<8x256xf32, #tpu.memory_space<vmem>>, vector<8x256xf32>,
    return
  }
  func.func @transform_0(%arg0: i32) -> (i32, i32, i32) {
    %c0_i32 = arith.constant 0 : i32
    %c0_i32_0 = arith.constant 0 : i32
    %c0_i32_1 = arith.constant 0 : i32
    return %c0_i32, %arg0, %c0_i32_0 : i32, i32, i32
  }
  func.func @transform_1(%arg0: i32) -> (i32, i32) {
    %c0_i32 = arith.constant 0 : i32
    %c0_i32_0 = arith.constant 0 : i32
    return %arg0, %c0_i32 : i32, i32
  }
  func.func @transform_2(%arg0: i32) -> (i32, i32) {
    %c0_i32 = arith.constant 0 : i32
    %c0_i32_0 = arith.constant 0 : i32
    %c0_i32_1 = arith.constant 0 : i32
    return %c0_i32, %c0_i32_0 : i32, i32
  }
  func.func @transform_3(%arg0: i32) -> (i32, i32) {
    %c0_i32 = arith.constant 0 : i32
    %c0_i32_0 = arith.constant 0 : i32
    %c0_i32_1 = arith.constant 0 : i32
    return %c0_i32, %c0_i32_0 : i32, i32
  }
  func.func @transform_4(%arg0: i32) -> (i32, i32, i32) {
    %c0_i32 = arith.constant 0 : i32
    %c0_i32_0 = arith.constant 0 : i32
    %c0_i32_1 = arith.constant 0 : i32
    return %arg0, %c0_i32, %c0_i32_0 : i32, i32, i32
  }
  func.func @transform_5(%arg0: i32) -> (i32, i32) {
    %c0_i32 = arith.constant 0 : i32
    %c0_i32_0 = arith.constant 0 : i32
    return %arg0, %c0_i32 : i32, i32
  }
  func.func @transform_6(%arg0: i32) -> (i32, i32) {
    %c0_i32 = arith.constant 0 : i32
    %c0_i32_0 = arith.constant 0 : i32
    %c0_i32_1 = arith.constant 0 : i32
    return %c0_i32, %c0_i32_0 : i32, i32
  }
  func.func @transform_7(%arg0: i32) -> (i32, i32) {
    %c0_i32 = arith.constant 0 : i32
    %c0_i32_0 = arith.constant 0 : i32
    %c0_i32_1 = arith.constant 0 : i32
    return %c0_i32, %c0_i32_0 : i32, i32
  }
}

module attributes {stable_mosaic.version = 14 : i64} {
  func.func @_t4a_body(%arg0: i32, %arg1: memref<1000x256xf32, #tpu.memory_space<vmem>>, %arg2: memref<8x256xf32, #tpu.memory_space<vmem>>, %arg3: memref<8x256xf32, #tpu.memory_space<vmem>>) attributes {dimension_semantics = [#tpu.dimension_semantics<arbitrary>], iteration_bounds = array<i64: 10>, scalar_prefetch = 0 : i64, scratch_operands = 0 : i64, tpu.core_type = #tpu.core_type<tc>, window_params = [{transform_indices = @transform_0, window_bounds = array<i64: 1000, 256>}, {pipeline_mode = #tpu.pipeline_mode<synchronous>, transform_indices = @transform_1, window_bounds = array<i64: 8, 256>}, {pipeline_mode = #tpu.pipeline_mode<synchronous>, transform_indices = @transform_2, window_bounds = array<i64: 8, 256>}]} {
    %get3A = arith.constant 0 : index
    %get3A_0 = arith.constant 0 : index
    %get3A_1 = vector.load %arg2[%get3A, %get3A_0] : memref<8x256xf32, #tpu.memory_space<vmem>>, vector<1x256xf32>
    %get3A_2 = vector.shape_cast %get3A_1 : vector<1x256xf32> to vector<256xf32>
    %mul3A = arith.constant 9.99999974E-5 : f32
    %mul3A_3 = vector.broadcast %mul3A : f32 to vector<256xf32>
    %mul3A_4 = arith.mulf %get3A_2, %mul3A_3 : vector<256xf32>
    %get3A_5 = arith.constant 0 : index
    %get3A_6 = arith.constant 0 : index
    %get3A_7 = vector.load %arg1[%get3A_5, %get3A_6] : memref<1000x256xf32, #tpu.memory_space<vmem>>, vector<1000x256xf32>
    %broadcast_in_dim3A = vector.shape_cast %mul3A_4 : vector<256xf32> to vector<1x256xf32>
    %sub3A = vector.broadcast %broadcast_in_dim3A : vector<1x256xf32> to vector<1000x256xf32>
    %sub3A_8 = arith.subf %get3A_7, %sub3A : vector<1000x256xf32>
    %eq3A = arith.constant 0 : i32
    %eq3A_9 = arith.cmpi eq, %arg0, %eq3A : i32
    %convert_element_type3A = arith.extui %eq3A_9 : i1 to i32
    %cond3A = arith.constant 0 : i32
    %cond3A_10 = arith.cmpi ne, %convert_element_type3A, %cond3A : i32
    scf.if %cond3A_10 {
      %broadcast_in_dim3A_21 = arith.constant 0.000000e+00 : f32
      %broadcast_in_dim3A_22 = vector.broadcast %broadcast_in_dim3A_21 : f32 to vector<8x256xf32>
      %swap3A_23 = arith.constant 0 : index
      %swap3A_24 = arith.constant 0 : index
      %swap3A_25 = vector.load %arg3[%swap3A_23, %swap3A_24] : memref<8x256xf32, #tpu.memory_space<vmem>>, vector<8x256xf32>
      tpu.vector_store %arg3[%swap3A_23, %swap3A_24], %broadcast_in_dim3A_22 {strides = array<i32>} : memref<8x256xf32, #tpu.memory_space<vmem>>, vector<8x256xf32>,
    } else {
    }
    %get3A_11 = arith.constant 0 : index
    %get3A_12 = arith.constant 0 : index
    %get3A_13 = vector.load %arg3[%get3A_11, %get3A_12] : memref<8x256xf32, #tpu.memory_space<vmem>>, vector<8x256xf32>
    %mul3A_14 = arith.mulf %sub3A_8, %sub3A_8 : vector<1000x256xf32>
    %reduce_sum3A = arith.constant dense<0.000000e+00> : vector<256xf32>
    %reduce_sum3A_15 = vector.multi_reduction <add>, %mul3A_14, %reduce_sum3A [0] : vector<1000x256xf32> to vector<256xf32>
    %broadcast_in_dim3A_16 = vector.shape_cast %reduce_sum3A_15 : vector<256xf32> to vector<1x256xf32>
    %broadcast_in_dim3A_17 = vector.shape_cast %broadcast_in_dim3A_16 : vector<1x256xf32> to vector<1x256xf32>
    %broadcast_in_dim3A_18 = vector.broadcast %broadcast_in_dim3A_17 : vector<1x256xf32> to vector<8x256xf32>
    %add3A = arith.addf %get3A_13, %broadcast_in_dim3A_18 : vector<8x256xf32>
    %swap3A = arith.constant 0 : index
    %swap3A_19 = arith.constant 0 : index
    %swap3A_20 = vector.load %arg3[%swap3A, %swap3A_19] : memref<8x256xf32, #tpu.memory_space<vmem>>, vector<8x256xf32>
    tpu.vector_store %arg3[%swap3A, %swap3A_19], %add3A {strides = array<i32>} : memref<8x256xf32, #tpu.memory_space<vmem>>, vector<8x256xf32>,
    return
  }
  func.func @transform_0(%arg0: i32) -> (i32, i32) {
    %c0_i32 = arith.constant 0 : i32
    %c0_i32_0 = arith.constant 0 : i32
    return %arg0, %c0_i32 : i32, i32
  }
  func.func @transform_1(%arg0: i32) -> (i32, i32) {
    %c0_i32 = arith.constant 0 : i32
    %c0_i32_0 = arith.constant 0 : i32
    %c0_i32_1 = arith.constant 0 : i32
    return %c0_i32, %c0_i32_0 : i32, i32
  }
  func.func @transform_2(%arg0: i32) -> (i32, i32) {
    %c0_i32 = arith.constant 0 : i32
    %c0_i32_0 = arith.constant 0 : i32
    %c0_i32_1 = arith.constant 0 : i32
    return %c0_i32, %c0_i32_0 : i32, i32
  }
}

module attributes {stable_mosaic.version = 14 : i64} {
  func.func @_t4_body(%arg0: i32, %arg1: memref<1000x256xf32, #tpu.memory_space<vmem>>, %arg2: memref<8x256xf32, #tpu.memory_space<vmem>>, %arg3: memref<8x256xf32, #tpu.memory_space<vmem>>, %arg4: memref<1000x256xf32, #tpu.memory_space<vmem>>) attributes {dimension_semantics = [#tpu.dimension_semantics<arbitrary>], iteration_bounds = array<i64: 10>, scalar_prefetch = 0 : i64, scratch_operands = 0 : i64, tpu.core_type = #tpu.core_type<tc>, window_params = [{transform_indices = @transform_0, window_bounds = array<i64: 1000, 256>}, {pipeline_mode = #tpu.pipeline_mode<synchronous>, transform_indices = @transform_1, window_bounds = array<i64: 8, 256>}, {pipeline_mode = #tpu.pipeline_mode<synchronous>, transform_indices = @transform_2, window_bounds = array<i64: 8, 256>}, {transform_indices = @transform_3, window_bounds = array<i64: 1000, 256>}]} {
    %get3A = arith.constant 0 : index
    %get3A_0 = arith.constant 0 : index
    %get3A_1 = vector.load %arg2[%get3A, %get3A_0] : memref<8x256xf32, #tpu.memory_space<vmem>>, vector<1x256xf32>
    %get3A_2 = vector.shape_cast %get3A_1 : vector<1x256xf32> to vector<256xf32>
    %mul3A = arith.constant 9.99999974E-5 : f32
    %mul3A_3 = vector.broadcast %mul3A : f32 to vector<256xf32>
    %mul3A_4 = arith.mulf %get3A_2, %mul3A_3 : vector<256xf32>
    %get3A_5 = arith.constant 0 : index
    %get3A_6 = arith.constant 0 : index
    %get3A_7 = vector.load %arg3[%get3A_5, %get3A_6] : memref<8x256xf32, #tpu.memory_space<vmem>>, vector<1x256xf32>
    %get3A_8 = vector.shape_cast %get3A_7 : vector<1x256xf32> to vector<256xf32>
    %mul3A_9 = arith.constant 9.99999974E-5 : f32
    %mul3A_10 = vector.broadcast %mul3A_9 : f32 to vector<256xf32>
    %mul3A_11 = arith.mulf %get3A_8, %mul3A_10 : vector<256xf32>
    %get3A_12 = arith.constant 0 : index
    %get3A_13 = arith.constant 0 : index
    %get3A_14 = vector.load %arg1[%get3A_12, %get3A_13] : memref<1000x256xf32, #tpu.memory_space<vmem>>, vector<1000x256xf32>
    %broadcast_in_dim3A = vector.shape_cast %mul3A_4 : vector<256xf32> to vector<1x256xf32>
    %sub3A = vector.broadcast %broadcast_in_dim3A : vector<1x256xf32> to vector<1000x256xf32>
    %sub3A_15 = arith.subf %get3A_14, %sub3A : vector<1000x256xf32>
    %add3A = arith.constant 9.99999974E-6 : f32
    %add3A_16 = vector.broadcast %add3A : f32 to vector<256xf32>
    %add3A_17 = arith.addf %mul3A_11, %add3A_16 : vector<256xf32>
    %sqrt3A = math.sqrt %add3A_17 : vector<256xf32>
    %broadcast_in_dim3A_18 = vector.shape_cast %sqrt3A : vector<256xf32> to vector<1x256xf32>
    %div3A = vector.broadcast %broadcast_in_dim3A_18 : vector<1x256xf32> to vector<1000x256xf32>
    %div3A_19 = arith.divf %sub3A_15, %div3A : vector<1000x256xf32>
    %swap3A = arith.constant 0 : index
    %swap3A_20 = arith.constant 0 : index
    %swap3A_21 = vector.load %arg4[%swap3A, %swap3A_20] : memref<1000x256xf32, #tpu.memory_space<vmem>>, vector<1000x256xf32>
    tpu.vector_store %arg4[%swap3A, %swap3A_20], %div3A_19 {strides = array<i32>} : memref<1000x256xf32, #tpu.memory_space<vmem>>, vector<1000x256xf32>,
    return
  }
  func.func @transform_0(%arg0: i32) -> (i32, i32) {
    %c0_i32 = arith.constant 0 : i32
    %c0_i32_0 = arith.constant 0 : i32
    return %arg0, %c0_i32 : i32, i32
  }
  func.func @transform_1(%arg0: i32) -> (i32, i32) {
    %c0_i32 = arith.constant 0 : i32
    %c0_i32_0 = arith.constant 0 : i32
    %c0_i32_1 = arith.constant 0 : i32
    return %c0_i32, %c0_i32_0 : i32, i32
  }
  func.func @transform_2(%arg0: i32) -> (i32, i32) {
    %c0_i32 = arith.constant 0 : i32
    %c0_i32_0 = arith.constant 0 : i32
    %c0_i32_1 = arith.constant 0 : i32
    return %c0_i32, %c0_i32_0 : i32, i32
  }
  func.func @transform_3(%arg0: i32) -> (i32, i32) {
    %c0_i32 = arith.constant 0 : i32
    %c0_i32_0 = arith.constant 0 : i32
    return %arg0, %c0_i32 : i32, i32
  }
}

module attributes {stable_mosaic.version = 14 : i64} {
  func.func @_t5_body(%arg0: memref<32x256x256xf32, #tpu.memory_space<vmem>>, %arg1: memref<272x256xf32, #tpu.memory_space<vmem>>, %arg2: memref<272x16xf32, #tpu.memory_space<vmem>>, %arg3: memref<256x128xf32, #tpu.memory_space<vmem>>, %arg4: memref<1x128xf32, #tpu.memory_space<vmem>>, %arg5: memref<128x64xf32, #tpu.memory_space<vmem>>, %arg6: memref<1x64xf32, #tpu.memory_space<vmem>>, %arg7: memref<64x16xf32, #tpu.memory_space<vmem>>, %arg8: memref<1x16xf32, #tpu.memory_space<vmem>>, %arg9: memref<16x8xf32, #tpu.memory_space<vmem>>, %arg10: memref<1x8xf32, #tpu.memory_space<vmem>>, %arg11: memref<256x8xf32, #tpu.memory_space<vmem>>) attributes {dimension_semantics = [], scalar_prefetch = 0 : i64, scratch_operands = 0 : i64, tpu.core_type = #tpu.core_type<tc>} {
    %get3A = arith.constant 0 : index
    %get3A_0 = arith.constant 0 : index
    %get3A_1 = arith.constant 0 : index
    %get3A_2 = vector.load %arg0[%get3A, %get3A_0, %get3A_1] : memref<32x256x256xf32, #tpu.memory_space<vmem>>, vector<32x256x256xf32>
    %reduce_sum3A = arith.constant dense<0.000000e+00> : vector<256x256xf32>
    %reduce_sum3A_3 = vector.multi_reduction <add>, %get3A_2, %reduce_sum3A [0] : vector<32x256x256xf32> to vector<256x256xf32>
    %transpose3A = tpu.transpose %reduce_sum3A_3, [1, 0] : vector<256x256xf32> -> vector<256x256xf32>
    %iota3A = tpu.iota {dimensions = array<i32: 0>} : vector<256x256xi32>
    %iota3A_4 = tpu.iota {dimensions = array<i32: 1>} : vector<256x256xi32>
    %eq3A = arith.cmpi eq, %iota3A, %iota3A_4 : vector<256x256xi32>
    %gt3A = arith.constant 0.000000e+00 : f32
    %gt3A_5 = vector.broadcast %gt3A : f32 to vector<256x256xf32>
    %gt3A_6 = arith.cmpf ogt, %transpose3A, %gt3A_5 : vector<256x256xf32>
    %jit3A = arith.constant 1.000000e+00 : f32
    %jit3A_7 = arith.constant 0.000000e+00 : f32
    %broadcast_in_dim3A = vector.broadcast %jit3A : f32 to vector<256x256xf32>
    %broadcast_in_dim3A_8 = vector.broadcast %jit3A_7 : f32 to vector<256x256xf32>
    %select_n3A = arith.select %gt3A_6, %broadcast_in_dim3A, %broadcast_in_dim3A_8 : vector<256x256xi1>, vector<256x256xf32>
    %jit3A_9 = arith.constant 1.000000e+00 : f32
    %broadcast_in_dim3A_10 = vector.broadcast %jit3A_9 : f32 to vector<256x256xf32>
    %select_n3A_11 = arith.select %eq3A, %broadcast_in_dim3A_10, %select_n3A : vector<256x256xi1>, vector<256x256xf32>
    %reduce_sum3A_12 = arith.constant dense<0.000000e+00> : vector<256xf32>
    %reduce_sum3A_13 = vector.multi_reduction <add>, %select_n3A_11, %reduce_sum3A_12 [1] : vector<256x256xf32> to vector<256xf32>
    %sqrt3A = math.sqrt %reduce_sum3A_13 : vector<256xf32>
    %div3A = arith.constant 1.000000e+00 : f32
    %div3A_14 = vector.broadcast %div3A : f32 to vector<256xf32>
    %div3A_15 = arith.divf %div3A_14, %sqrt3A : vector<256xf32>
    %broadcast_in_dim3A_16 = vector.shape_cast %div3A_15 : vector<256xf32> to vector<256x1xf32>
    %mul3A = vector.broadcast %broadcast_in_dim3A_16 : vector<256x1xf32> to vector<256x256xf32>
    %mul3A_17 = arith.mulf %mul3A, %select_n3A_11 : vector<256x256xf32>
    %broadcast_in_dim3A_18 = vector.shape_cast %div3A_15 : vector<256xf32> to vector<1x256xf32>
    %mul3A_19 = vector.broadcast %broadcast_in_dim3A_18 : vector<1x256xf32> to vector<256x256xf32>
    %mul3A_20 = arith.mulf %mul3A_17, %mul3A_19 : vector<256x256xf32>
    %get3A_21 = arith.constant 0 : index
    %get3A_22 = arith.constant 0 : index
    %get3A_23 = vector.load %arg1[%get3A_21, %get3A_22] : memref<272x256xf32, #tpu.memory_space<vmem>>, vector<256x256xf32>
    %get3A_24 = arith.constant 0 : index
    %get3A_25 = arith.constant 0 : index
    %get3A_26 = vector.load %arg2[%get3A_24, %get3A_25] : memref<272x16xf32, #tpu.memory_space<vmem>>, vector<256x1xf32>
    %max3A = arith.constant 1.000000e+00 : f32
    %max3A_27 = vector.broadcast %max3A : f32 to vector<256x1xf32>
    %max3A_28 = arith.maximumf %get3A_26, %max3A_27 : vector<256x1xf32>
    %div3A_29 = vector.broadcast %max3A_28 : vector<256x1xf32> to vector<256x256xf32>
    %div3A_30 = arith.divf %get3A_23, %div3A_29 : vector<256x256xf32>
    %get3A_31 = arith.constant 0 : index
    %get3A_32 = arith.constant 0 : index
    %get3A_33 = vector.load %arg3[%get3A_31, %get3A_32] : memref<256x128xf32, #tpu.memory_space<vmem>>, vector<256x128xf32>
    %convert_element_type3A = arith.truncf %div3A_30 : vector<256x256xf32> to vector<256x256xbf16>
    %convert_element_type3A_34 = arith.truncf %get3A_33 : vector<256x128xf32> to vector<256x128xbf16>
    %dot_general3A = arith.constant dense<0.000000e+00> : vector<256x128xf32>
    %dot_general3A_35 = tpu.matmul %convert_element_type3A, %convert_element_type3A_34, %dot_general3A {dimension_numbers = #tpu.dot_dimension_numbers<[1], [0], [0], [1], [0, 0, 1, 1], [], []>, transpose_lhs_hint = false} : vector<256x256xbf16>, vector<256x128xbf16>, vector<256x128xf32> -> vector<256x128xf32>
    %dot_general3A_36 = arith.constant dense<0.000000e+00> : vector<256x128xf32>
    %dot_general3A_37 = tpu.matmul %mul3A_20, %dot_general3A_35, %dot_general3A_36 {dimension_numbers = #tpu.dot_dimension_numbers<[1], [0], [0], [1], [0, 0, 1, 1], [], []>, precision = #tpu.contract_precision<fp32>, transpose_lhs_hint = false} : vector<256x256xf32>, vector<256x128xf32>, vector<256x128xf32> -> vector<256x128xf32>
    %get3A_38 = arith.constant 0 : index
    %get3A_39 = arith.constant 0 : index
    %get3A_40 = vector.load %arg4[%get3A_38, %get3A_39] : memref<1x128xf32, #tpu.memory_space<vmem>>, vector<1x128xf32>
    %add3A = vector.broadcast %get3A_40 : vector<1x128xf32> to vector<256x128xf32>
    %add3A_41 = arith.addf %dot_general3A_37, %add3A : vector<256x128xf32>
    %min3A = arith.constant 0.000000e+00 : f32
    %min3A_42 = vector.broadcast %min3A : f32 to vector<256x128xf32>
    %min3A_43 = arith.minimumf %add3A_41, %min3A_42 : vector<256x128xf32>
    %mul3A_44 = arith.constant 0.00833333377 : f32
    %mul3A_45 = vector.broadcast %mul3A_44 : f32 to vector<256x128xf32>
    %mul3A_46 = arith.mulf %min3A_43, %mul3A_45 : vector<256x128xf32>
    %add3A_47 = arith.constant 0.0416666679 : f32
    %add3A_48 = vector.broadcast %add3A_47 : f32 to vector<256x128xf32>
    %add3A_49 = arith.addf %add3A_48, %mul3A_46 : vector<256x128xf32>
    %mul3A_50 = arith.mulf %min3A_43, %add3A_49 : vector<256x128xf32>
    %add3A_51 = arith.constant 0.166666672 : f32
    %add3A_52 = vector.broadcast %add3A_51 : f32 to vector<256x128xf32>
    %add3A_53 = arith.addf %add3A_52, %mul3A_50 : vector<256x128xf32>
    %mul3A_54 = arith.mulf %min3A_43, %add3A_53 : vector<256x128xf32>
    %add3A_55 = arith.constant 5.000000e-01 : f32
    %add3A_56 = vector.broadcast %add3A_55 : f32 to vector<256x128xf32>
    %add3A_57 = arith.addf %add3A_56, %mul3A_54 : vector<256x128xf32>
    %mul3A_58 = arith.mulf %min3A_43, %add3A_57 : vector<256x128xf32>
    %add3A_59 = arith.constant 1.000000e+00 : f32
    %add3A_60 = vector.broadcast %add3A_59 : f32 to vector<256x128xf32>
    %add3A_61 = arith.addf %add3A_60, %mul3A_58 : vector<256x128xf32>
    %mul3A_62 = arith.mulf %min3A_43, %add3A_61 : vector<256x128xf32>
    %gt3A_63 = arith.constant -1.250000e-01 : f32
    %gt3A_64 = vector.broadcast %gt3A_63 : f32 to vector<256x128xf32>
    %gt3A_65 = arith.cmpf ogt, %min3A_43, %gt3A_64 : vector<256x128xf32>
    %exp3A = math.exp %min3A_43 : vector<256x128xf32>
    %sub3A = arith.constant 1.000000e+00 : f32
    %sub3A_66 = vector.broadcast %sub3A : f32 to vector<256x128xf32>
    %sub3A_67 = arith.subf %exp3A, %sub3A_66 : vector<256x128xf32>
    %select_n3A_68 = arith.select %gt3A_65, %mul3A_62, %sub3A_67 : vector<256x128xi1>, vector<256x128xf32>
    %gt3A_69 = arith.constant 0.000000e+00 : f32
    %gt3A_70 = vector.broadcast %gt3A_69 : f32 to vector<256x128xf32>
    %gt3A_71 = arith.cmpf ogt, %add3A_41, %gt3A_70 : vector<256x128xf32>
    %select_n3A_72 = arith.select %gt3A_71, %add3A_41, %select_n3A_68 : vector<256x128xi1>, vector<256x128xf32>
    %get3A_73 = arith.constant 0 : index
    %get3A_74 = arith.constant 0 : index
    %get3A_75 = vector.load %arg5[%get3A_73, %get3A_74] : memref<128x64xf32, #tpu.memory_space<vmem>>, vector<128x64xf32>
    %convert_element_type3A_76 = arith.truncf %select_n3A_72 : vector<256x128xf32> to vector<256x128xbf16>
    %convert_element_type3A_77 = arith.truncf %get3A_75 : vector<128x64xf32> to vector<128x64xbf16>
    %dot_general3A_78 = arith.constant dense<0.000000e+00> : vector<256x64xf32>
    %dot_general3A_79 = tpu.matmul %convert_element_type3A_76, %convert_element_type3A_77, %dot_general3A_78 {dimension_numbers = #tpu.dot_dimension_numbers<[1], [0], [0], [1], [0, 0, 1, 1], [], []>, transpose_lhs_hint = false} : vector<256x128xbf16>, vector<128x64xbf16>, vector<256x64xf32> -> vector<256x64xf32>
    %dot_general3A_80 = arith.constant dense<0.000000e+00> : vector<256x64xf32>
    %dot_general3A_81 = tpu.matmul %mul3A_20, %dot_general3A_79, %dot_general3A_80 {dimension_numbers = #tpu.dot_dimension_numbers<[1], [0], [0], [1], [0, 0, 1, 1], [], []>, precision = #tpu.contract_precision<fp32>, transpose_lhs_hint = false} : vector<256x256xf32>, vector<256x64xf32>, vector<256x64xf32> -> vector<256x64xf32>
    %get3A_82 = arith.constant 0 : index
    %get3A_83 = arith.constant 0 : index
    %get3A_84 = vector.load %arg6[%get3A_82, %get3A_83] : memref<1x64xf32, #tpu.memory_space<vmem>>, vector<1x64xf32>
    %add3A_85 = vector.broadcast %get3A_84 : vector<1x64xf32> to vector<256x64xf32>
    %add3A_86 = arith.addf %dot_general3A_81, %add3A_85 : vector<256x64xf32>
    %min3A_87 = arith.constant 0.000000e+00 : f32
    %min3A_88 = vector.broadcast %min3A_87 : f32 to vector<256x64xf32>
    %min3A_89 = arith.minimumf %add3A_86, %min3A_88 : vector<256x64xf32>
    %mul3A_90 = arith.constant 0.00833333377 : f32
    %mul3A_91 = vector.broadcast %mul3A_90 : f32 to vector<256x64xf32>
    %mul3A_92 = arith.mulf %min3A_89, %mul3A_91 : vector<256x64xf32>
    %add3A_93 = arith.constant 0.0416666679 : f32
    %add3A_94 = vector.broadcast %add3A_93 : f32 to vector<256x64xf32>
    %add3A_95 = arith.addf %add3A_94, %mul3A_92 : vector<256x64xf32>
    %mul3A_96 = arith.mulf %min3A_89, %add3A_95 : vector<256x64xf32>
    %add3A_97 = arith.constant 0.166666672 : f32
    %add3A_98 = vector.broadcast %add3A_97 : f32 to vector<256x64xf32>
    %add3A_99 = arith.addf %add3A_98, %mul3A_96 : vector<256x64xf32>
    %mul3A_100 = arith.mulf %min3A_89, %add3A_99 : vector<256x64xf32>
    %add3A_101 = arith.constant 5.000000e-01 : f32
    %add3A_102 = vector.broadcast %add3A_101 : f32 to vector<256x64xf32>
    %add3A_103 = arith.addf %add3A_102, %mul3A_100 : vector<256x64xf32>
    %mul3A_104 = arith.mulf %min3A_89, %add3A_103 : vector<256x64xf32>
    %add3A_105 = arith.constant 1.000000e+00 : f32
    %add3A_106 = vector.broadcast %add3A_105 : f32 to vector<256x64xf32>
    %add3A_107 = arith.addf %add3A_106, %mul3A_104 : vector<256x64xf32>
    %mul3A_108 = arith.mulf %min3A_89, %add3A_107 : vector<256x64xf32>
    %gt3A_109 = arith.constant -1.250000e-01 : f32
    %gt3A_110 = vector.broadcast %gt3A_109 : f32 to vector<256x64xf32>
    %gt3A_111 = arith.cmpf ogt, %min3A_89, %gt3A_110 : vector<256x64xf32>
    %exp3A_112 = math.exp %min3A_89 : vector<256x64xf32>
    %sub3A_113 = arith.constant 1.000000e+00 : f32
    %sub3A_114 = vector.broadcast %sub3A_113 : f32 to vector<256x64xf32>
    %sub3A_115 = arith.subf %exp3A_112, %sub3A_114 : vector<256x64xf32>
    %select_n3A_116 = arith.select %gt3A_111, %mul3A_108, %sub3A_115 : vector<256x64xi1>, vector<256x64xf32>
    %gt3A_117 = arith.constant 0.000000e+00 : f32
    %gt3A_118 = vector.broadcast %gt3A_117 : f32 to vector<256x64xf32>
    %gt3A_119 = arith.cmpf ogt, %add3A_86, %gt3A_118 : vector<256x64xf32>
    %select_n3A_120 = arith.select %gt3A_119, %add3A_86, %select_n3A_116 : vector<256x64xi1>, vector<256x64xf32>
    %get3A_121 = arith.constant 0 : index
    %get3A_122 = arith.constant 0 : index
    %get3A_123 = vector.load %arg7[%get3A_121, %get3A_122] : memref<64x16xf32, #tpu.memory_space<vmem>>, vector<64x16xf32>
    %convert_element_type3A_124 = arith.truncf %select_n3A_120 : vector<256x64xf32> to vector<256x64xbf16>
    %convert_element_type3A_125 = arith.truncf %get3A_123 : vector<64x16xf32> to vector<64x16xbf16>
    %dot_general3A_126 = arith.constant dense<0.000000e+00> : vector<256x16xf32>
    %dot_general3A_127 = tpu.matmul %convert_element_type3A_124, %convert_element_type3A_125, %dot_general3A_126 {dimension_numbers = #tpu.dot_dimension_numbers<[1], [0], [0], [1], [0, 0, 1, 1], [], []>, transpose_lhs_hint = false} : vector<256x64xbf16>, vector<64x16xbf16>, vector<256x16xf32> -> vector<256x16xf32>
    %dot_general3A_128 = arith.constant dense<0.000000e+00> : vector<256x16xf32>
    %dot_general3A_129 = tpu.matmul %mul3A_20, %dot_general3A_127, %dot_general3A_128 {dimension_numbers = #tpu.dot_dimension_numbers<[1], [0], [0], [1], [0, 0, 1, 1], [], []>, precision = #tpu.contract_precision<fp32>, transpose_lhs_hint = false} : vector<256x256xf32>, vector<256x16xf32>, vector<256x16xf32> -> vector<256x16xf32>
    %get3A_130 = arith.constant 0 : index
    %get3A_131 = arith.constant 0 : index
    %get3A_132 = vector.load %arg8[%get3A_130, %get3A_131] : memref<1x16xf32, #tpu.memory_space<vmem>>, vector<1x16xf32>
    %add3A_133 = vector.broadcast %get3A_132 : vector<1x16xf32> to vector<256x16xf32>
    %add3A_134 = arith.addf %dot_general3A_129, %add3A_133 : vector<256x16xf32>
    %min3A_135 = arith.constant 0.000000e+00 : f32
    %min3A_136 = vector.broadcast %min3A_135 : f32 to vector<256x16xf32>
    %min3A_137 = arith.minimumf %add3A_134, %min3A_136 : vector<256x16xf32>
    %mul3A_138 = arith.constant 0.00833333377 : f32
    %mul3A_139 = vector.broadcast %mul3A_138 : f32 to vector<256x16xf32>
    %mul3A_140 = arith.mulf %min3A_137, %mul3A_139 : vector<256x16xf32>
    %add3A_141 = arith.constant 0.0416666679 : f32
    %add3A_142 = vector.broadcast %add3A_141 : f32 to vector<256x16xf32>
    %add3A_143 = arith.addf %add3A_142, %mul3A_140 : vector<256x16xf32>
    %mul3A_144 = arith.mulf %min3A_137, %add3A_143 : vector<256x16xf32>
    %add3A_145 = arith.constant 0.166666672 : f32
    %add3A_146 = vector.broadcast %add3A_145 : f32 to vector<256x16xf32>
    %add3A_147 = arith.addf %add3A_146, %mul3A_144 : vector<256x16xf32>
    %mul3A_148 = arith.mulf %min3A_137, %add3A_147 : vector<256x16xf32>
    %add3A_149 = arith.constant 5.000000e-01 : f32
    %add3A_150 = vector.broadcast %add3A_149 : f32 to vector<256x16xf32>
    %add3A_151 = arith.addf %add3A_150, %mul3A_148 : vector<256x16xf32>
    %mul3A_152 = arith.mulf %min3A_137, %add3A_151 : vector<256x16xf32>
    %add3A_153 = arith.constant 1.000000e+00 : f32
    %add3A_154 = vector.broadcast %add3A_153 : f32 to vector<256x16xf32>
    %add3A_155 = arith.addf %add3A_154, %mul3A_152 : vector<256x16xf32>
    %mul3A_156 = arith.mulf %min3A_137, %add3A_155 : vector<256x16xf32>
    %gt3A_157 = arith.constant -1.250000e-01 : f32
    %gt3A_158 = vector.broadcast %gt3A_157 : f32 to vector<256x16xf32>
    %gt3A_159 = arith.cmpf ogt, %min3A_137, %gt3A_158 : vector<256x16xf32>
    %exp3A_160 = math.exp %min3A_137 : vector<256x16xf32>
    %sub3A_161 = arith.constant 1.000000e+00 : f32
    %sub3A_162 = vector.broadcast %sub3A_161 : f32 to vector<256x16xf32>
    %sub3A_163 = arith.subf %exp3A_160, %sub3A_162 : vector<256x16xf32>
    %select_n3A_164 = arith.select %gt3A_159, %mul3A_156, %sub3A_163 : vector<256x16xi1>, vector<256x16xf32>
    %gt3A_165 = arith.constant 0.000000e+00 : f32
    %gt3A_166 = vector.broadcast %gt3A_165 : f32 to vector<256x16xf32>
    %gt3A_167 = arith.cmpf ogt, %add3A_134, %gt3A_166 : vector<256x16xf32>
    %select_n3A_168 = arith.select %gt3A_167, %add3A_134, %select_n3A_164 : vector<256x16xi1>, vector<256x16xf32>
    %get3A_169 = arith.constant 0 : index
    %get3A_170 = arith.constant 0 : index
    %get3A_171 = vector.load %arg9[%get3A_169, %get3A_170] : memref<16x8xf32, #tpu.memory_space<vmem>>, vector<16x8xf32>
    %convert_element_type3A_172 = arith.truncf %select_n3A_168 : vector<256x16xf32> to vector<256x16xbf16>
    %convert_element_type3A_173 = arith.truncf %get3A_171 : vector<16x8xf32> to vector<16x8xbf16>
    %dot_general3A_174 = arith.constant dense<0.000000e+00> : vector<256x8xf32>
    %dot_general3A_175 = tpu.matmul %convert_element_type3A_172, %convert_element_type3A_173, %dot_general3A_174 {dimension_numbers = #tpu.dot_dimension_numbers<[1], [0], [0], [1], [0, 0, 1, 1], [], []>, transpose_lhs_hint = false} : vector<256x16xbf16>, vector<16x8xbf16>, vector<256x8xf32> -> vector<256x8xf32>
    %dot_general3A_176 = arith.constant dense<0.000000e+00> : vector<256x8xf32>
    %dot_general3A_177 = tpu.matmul %mul3A_20, %dot_general3A_175, %dot_general3A_176 {dimension_numbers = #tpu.dot_dimension_numbers<[1], [0], [0], [1], [0, 0, 1, 1], [], []>, precision = #tpu.contract_precision<fp32>, transpose_lhs_hint = false} : vector<256x256xf32>, vector<256x8xf32>, vector<256x8xf32> -> vector<256x8xf32>
    %get3A_178 = arith.constant 0 : index
    %get3A_179 = arith.constant 0 : index
    %get3A_180 = vector.load %arg10[%get3A_178, %get3A_179] : memref<1x8xf32, #tpu.memory_space<vmem>>, vector<1x8xf32>
    %add3A_181 = vector.broadcast %get3A_180 : vector<1x8xf32> to vector<256x8xf32>
    %add3A_182 = arith.addf %dot_general3A_177, %add3A_181 : vector<256x8xf32>
    %swap3A = arith.constant 0 : index
    %swap3A_183 = arith.constant 0 : index
    %swap3A_184 = vector.load %arg11[%swap3A, %swap3A_183] : memref<256x8xf32, #tpu.memory_space<vmem>>, vector<256x8xf32>
    tpu.vector_store %arg11[%swap3A, %swap3A_183], %add3A_182 {strides = array<i32>} : memref<256x8xf32, #tpu.memory_space<vmem>>, vector<256x8xf32>,
    return
  }
}

module attributes {stable_mosaic.version = 14 : i64} {
  func.func @_t6_body(%arg0: i32, %arg1: memref<1000x1280xf32, #tpu.memory_space<vmem>>, %arg2: memref<1280x1xf32, #tpu.memory_space<vmem>>, %arg3: memref<1000x1xf32, #tpu.memory_space<vmem>>) attributes {dimension_semantics = [#tpu.dimension_semantics<arbitrary>], iteration_bounds = array<i64: 30>, scalar_prefetch = 0 : i64, scratch_operands = 0 : i64, tpu.core_type = #tpu.core_type<tc>, window_params = [{transform_indices = @transform_0, window_bounds = array<i64: 1000, 1280>}, {pipeline_mode = #tpu.pipeline_mode<synchronous>, transform_indices = @transform_1, window_bounds = array<i64: 1280, 1>}, {transform_indices = @transform_2, window_bounds = array<i64: 1000, 1>}]} {
    %get3A = arith.constant 0 : index
    %get3A_0 = arith.constant 0 : index
    %get3A_1 = vector.load %arg1[%get3A, %get3A_0] : memref<1000x1280xf32, #tpu.memory_space<vmem>>, vector<1000x1280xf32>
    %get3A_2 = arith.constant 0 : index
    %get3A_3 = arith.constant 0 : index
    %get3A_4 = vector.load %arg2[%get3A_2, %get3A_3] : memref<1280x1xf32, #tpu.memory_space<vmem>>, vector<1280x1xf32>
    %convert_element_type3A = arith.truncf %get3A_1 : vector<1000x1280xf32> to vector<1000x1280xbf16>
    %convert_element_type3A_5 = arith.truncf %get3A_4 : vector<1280x1xf32> to vector<1280x1xbf16>
    %dot_general3A = arith.constant dense<0.000000e+00> : vector<1000x1xf32>
    %dot_general3A_6 = tpu.matmul %convert_element_type3A, %convert_element_type3A_5, %dot_general3A {dimension_numbers = #tpu.dot_dimension_numbers<[1], [0], [0], [1], [0, 0, 1, 1], [], []>, transpose_lhs_hint = false} : vector<1000x1280xbf16>, vector<1280x1xbf16>, vector<1000x1xf32> -> vector<1000x1xf32>
    %swap3A = arith.constant 0 : index
    %swap3A_7 = arith.constant 0 : index
    %swap3A_8 = vector.load %arg3[%swap3A, %swap3A_7] : memref<1000x1xf32, #tpu.memory_space<vmem>>, vector<1000x1xf32>
    tpu.vector_store %arg3[%swap3A, %swap3A_7], %dot_general3A_6 {strides = array<i32>} : memref<1000x1xf32, #tpu.memory_space<vmem>>, vector<1000x1xf32>,
    return
  }
  func.func @transform_0(%arg0: i32) -> (i32, i32) {
    %c0_i32 = arith.constant 0 : i32
    %c0_i32_0 = arith.constant 0 : i32
    return %arg0, %c0_i32 : i32, i32
  }
  func.func @transform_1(%arg0: i32) -> (i32, i32) {
    %c0_i32 = arith.constant 0 : i32
    %c0_i32_0 = arith.constant 0 : i32
    %c0_i32_1 = arith.constant 0 : i32
    return %c0_i32, %c0_i32_0 : i32, i32
  }
  func.func @transform_2(%arg0: i32) -> (i32, i32) {
    %c0_i32 = arith.constant 0 : i32
    %c0_i32_0 = arith.constant 0 : i32
    return %arg0, %c0_i32 : i32, i32
  }
}

</mosaic_0001>

<sc_bundles>
// kernel: kernel.13.cloned.1.call-start
scs
__scs_entry_jumppad:
0x0: {  	(pc) =	sbr.rel $0x88, $3  }
0x1: {  	(tag) =	ssettag $0x0;
	lr =	simm.s32 $0x1  }
0x2: {  	[smem:$0x3F91] =	sst lr;
	_ =	strace $0xD0000000  }
0x3: {  	_ = 	snop  }
0x4: {  	_ = 	snop  }
0x5: {  	_ = 	snop  }
0x6: {  	_ = 	snop  }
0x7: {  	_ = 	snop  }
__scs_overlays_trampoline_lowered:
0x8: {  	[smem:$0x3FA0] =	sst s0  }
0x9: {  	[smem:$0x3FA1] =	sst s1  }
0xa: {  	[smem:$0x3FA2] =	sst s2  }
0xb: {  	[smem:$0x3FA3] =	sst s3  }
0xc: {  	[smem:$0x3FA4] =	sst s4  }
0xd: {  	[smem:$0x3FA5] =	sst s5  }
0xe: {  	[smem:$0x3FA6] =	sst s6  }
0xf: {  	[smem:$0x3FA7] =	sst s7  }
0x10: {  	[smem:$0x3FA8] =	sst s8  }
0x11: {  	[smem:$0x3FA9] =	sst s9;
	s0 =	simm.s32 @!p0 $0x0  }
0x12: {  	s1 =	sld [smem:$0x3F8F];
	s0 =	simm.s32 @p0 $0x1  }
0x13: {  	[smem:$0x3FAA] =	sst s0;
	s0 =	simm.s32 @!p1 $0x0  }
0x14: {  	s2 =	sld [smem:$0x3F8E];
	s0 =	simm.s32 @p1 $0x1  }
0x15: {  	[smem:$0x3FAB] =	sst s0;
	s0 =	simm.s32 @!p2 $0x0  }
0x16: {  	s3 =	sld [smem:$0x3FDB];
	s0 =	simm.s32 @p2 $0x1  }
0x17: {  	s4 =	simm.s32 $0x1BF5;
	[smem:$0x3FAD] =	sst s0  }
0x18: {  	s0 =	sld [smem:$0x3F90];
	_ =	swait.ge [sflag:s4], $0x0  }
0x19: {  	s7 =	sld [smem:$0x3F91]  }
0x1a: {  	s8 =	sadd.s32 $0xFFFFE003, lr  }
0x1b: {  	s9 =	sadd.s32 $0xFFFFFEF7, lr;
	s5 =	simm.s32 $0xFFFFFFFF;
	p2 =	slt.u32 s8, $0xFFFFF086  }
0x1c: {  	p1 =	slt.u32 s9, $0xF7A;
	s5 =	simm.s32 @!p2 $0x0  }
0x1d: {  	s5 =	simm.s32 @p1 $0x1;
	p0 =	seq.s32 s7, s2  }
0x1e: {  	s7 =	smul.u32 @!p0 $0xF7A, s2;
	p2 =	seq.s32 @!p0 s5, $0x0  }
0x1f: {  	s9 =	smul.u32 $0xF7A, s1;
	s8 =	simm.s32 @!p0 $0x1BF5;
	p2 =	por !p2, p0  }
0x20: {  	[sflag:s8] =	ssyncset.s32 @!p0 $0xFFFFF086;
	s6 =	sadd.s32 @!p0 s3, s7;
	s7 =	simm.s32 @!p0 $0x108  }
0x21: {  	s3 =	sadd.s32 s3, s9;
	s6 =	sadd.s32 @!p0 $0x88, s6;
	s7 =	simm.s32 @p2 $0x1082  }
0x22: {  	[simem:s7], [sflag:s8] =	dma.local @!p0 [hbm:s6], $0xF7A  }
0x23: {  	s9 =	sor.u32 $0xD0000000, s2;
	s6 =	simm.s32 $0x108;
	_ =	swait.ge @!p0 [sflag:s8], $0x0  }
0x24: {  	s3 =	sadd.s32 $0x88, s3;
	s6 =	simm.s32 @!p1 $0x1082;
	[sflag:s4] =	ssyncset.s32 $0xFFFFF086  }
0x25: {  	[simem:s6], [sflag:s4] =	dma.local [hbm:s3], $0xF7A  }
0x26: {  	[smem:$0x3F91] =	sst s1;
	(tag) =	ssettag s2;
	_ =	strace s9  }
0x27: {  	s1 =	sld [smem:$0x3FA1]  }
0x28: {  	s2 =	sld [smem:$0x3FA2]  }
0x29: {  	s4 =	sld [smem:$0x3FA4]  }
0x2a: {  	p0 =	seq.s32 s5, $0x0;
	s5 =	sld [smem:$0x3FA5]  }
0x2b: {  	s6 =	sld [smem:$0x3FA6]  }
0x2c: {  	s7 =	sld [smem:$0x3FA7]  }
0x2d: {  	s3 =	simm.s32 $0x108;
	s8 =	sld [smem:$0x3FA8]  }
0x2e: {  	s3 =	simm.s32 @!p0 $0x1082;
	s9 =	sld [smem:$0x3FA9]  }
0x2f: {  	lr =	sadd.s32 s0, s3;
	s0 =	sld [smem:$0x3FA0]  }
0x30: {  	s3 =	sld [smem:$0x3FA3]  }
0x31: {  	[smem:$0x3FAC] =	sst s10  }
0x32: {  	s10 =	sld [smem:$0x3FAA];
	_ =	sdelay $0x3  }
0x33: {  	p0 =	seq.s32 s10, $0x1;
	s10 =	sld [smem:$0x3FAC];
	_ =	sdelay $0x3  }
0x34: {  	[smem:$0x3FAC] =	sst s10  }
0x35: {  	s10 =	sld [smem:$0x3FAB];
	_ =	sdelay $0x3  }
0x36: {  	p1 =	seq.s32 s10, $0x1;
	s10 =	sld [smem:$0x3FAC];
	_ =	sdelay $0x3  }
0x37: {  	[smem:$0x3FAC] =	sst s10  }
0x38: {  	s10 =	sld [smem:$0x3FAD]  }
0x39: {  	_ = 	snop;
	(pc) =	sbr.ind lr, $3  }
0x3a: {  	_ = 	snop  }
0x3b: {  	_ = 	snop  }
0x3c: {  	p2 =	seq.s32 s10, $0x1;
	s10 =	sld [smem:$0x3FAC]  }
0x3d: {  	_ =	shalt  }
0x3e: {  	_ =	shalt  }
0x3f: {  	_ =	shalt  }
0x40: {  	_ =	shalt  }
0x41: {  	_ =	shalt  }
0x42: {  	_ =	shalt  }
0x43: {  	_ =	shalt  }
0x44: {  	_ =	shalt  }
0x45: {  	_ =	shalt  }
0x46: {  	_ =	shalt  }
0x47: {  	_ =	shalt  }
0x48: {  	_ =	shalt  }
0x49: {  	_ =	shalt  }
0x4a: {  	_ =	shalt  }
0x4b: {  	_ =	shalt  }
0x4c: {  	_ =	shalt  }
0x4d: {  	_ =	shalt  }
0x4e: {  	_ =	shalt  }
0x4f: {  	_ =	shalt  }
0x50: {  	_ =	shalt  }
0x51: {  	_ =	shalt  }
0x52: {  	_ =	shalt  }
0x53: {  	_ =	shalt  }
0x54: {  	_ =	shalt  }
0x55: {  	_ =	shalt  }
0x56: {  	_ =	shalt  }
0x57: {  	_ =	shalt  }
0x58: {  	_ =	shalt  }
0x59: {  	_ =	shalt  }
0x5a: {  	_ =	shalt  }
0x5b: {  	_ =	shalt  }
0x5c: {  	_ =	shalt  }
0x5d: {  	_ =	shalt  }
0x5e: {  	_ =	shalt  }
0x5f: {  	_ =	shalt  }
0x60: {  	_ =	shalt  }
0x61: {  	_ =	shalt  }
0x62: {  	_ =	shalt  }
0x63: {  	_ =	shalt  }
0x64: {  	_ =	shalt  }
0x65: {  	_ =	shalt  }
0x66: {  	_ =	shalt  }
0x67: {  	_ =	shalt  }
0x68: {  	_ =	shalt  }
0x69: {  	_ =	shalt  }
0x6a: {  	_ =	shalt  }
0x6b: {  	_ =	shalt  }
0x6c: {  	_ =	shalt  }
0x6d: {  	_ =	shalt  }
0x6e: {  	_ =	shalt  }
0x6f: {  	_ =	shalt  }
0x70: {  	_ =	shalt  }
0x71: {  	_ =	shalt  }
0x72: {  	_ =	shalt  }
0x73: {  	_ =	shalt  }
0x74: {  	_ =	shalt  }
0x75: {  	_ =	shalt  }
0x76: {  	_ =	shalt  }
0x77: {  	_ =	shalt  }
0x78: {  	_ =	shalt  }
0x79: {  	_ =	shalt  }
0x7a: {  	_ =	shalt  }
0x7b: {  	_ =	shalt  }
0x7c: {  	_ =	shalt  }
0x7d: {  	_ =	shalt  }
0x7e: {  	_ =	shalt  }
0x7f: {  	_ =	shalt  }
0x80: {  	_ =	shalt  }
0x81: {  	_ =	shalt  }
0x82: {  	_ =	shalt  }
0x83: {  	_ =	shalt  }
0x84: {  	_ =	shalt  }
0x85: {  	_ =	shalt  }
0x86: {  	_ =	shalt  }
0x87: {  	_ =	shalt  }
.Lfunc_end0:
.L_simem_size_0:
called_computation_lowered:
.L_overlay_start_0:
0x88: {  	s2 =	sld [smem:$0x3FD9]  }
0x89: {  	s3 =	sld [smem:$0x3FFE];
	_ =	sdelay $0x1  }
0x8a: {  	s1 =	srdreg.scid  }
0x8b: {  	s0 =	sand.u32 $0x1, s1  }
0x8c: {  	s14 =	sshll.u32 s0, $0xA;
	s2 =	sadd.s32 s3, s2  }
0x8d: {  	s2 =	sadd.s32 s2, s14  }
0x8e: {  	[smem:$0x3FB8] =	sst s2  }
0x8f: {  	_ = 	snop  }
0x90: {  	s2 =	sld [smem:$0x3FD0];
	_ =	sdelay $0x2  }
0x91: {  	s4 =	simm.s32 $0xA;
	s5 =	simm.s32 $0x10;
	s15 =	sld [smem:$0x3FC7]  }
0x92: {  	[smem:s5], [sflag:s4] =	dma.local [hbm:s2], $0x1  }
0x93: {  	_ =	swait.eq [sflag:s4], $0x1  }
0x94: {  	[sflag:s4] =	ssyncset.done $0x0  }
0x95: {  	[sflag:s4] =	ssyncadd.s32 $0xFFFFFFFF  }
0x96: {  	s16 =	sld [smem:$0x11];
	(tm) =	ssettm $0x1  }
0x97: {  	s17 =	sld [smem:$0x3FFB];
	_ =	sdelay $0x3  }
0x98: {  	_ =	strace s17  }
0x99: {  	s4 =	sld [smem:$0x3FFC];
	_ =	sdelay $0x3  }
0x9a: {  	_ =	strace s4  }
0x9b: {  	s4 =	sld [smem:$0x3FFD];
	_ =	sdelay $0x3  }
0x9c: {  	_ =	strace s4  }
0x9d: {  	_ =	strace $0x8FFFFFFF  }
0x9e: {  	s18 =	sld [smem:$0x3FDB];
	_ =	sdelay $0x1  }
0x9f: {  	s19 =	simm.s32 $_scs_section_size  }
0xa0: {  	s6 =	simm.s32 $_size__tile_overlayer_lowered;
	s7 =	simm.s32 $_tile_overlayer_lowered  }
0xa1: {  	s22 =	simm.s32 $0x1BFF;
	s21 =	sshll.u32 s7, $0x1;
	s4 =	sadd.s32 s19, s18  }
0xa2: {  	s8 =	simm.s32 $0x0;
	s20 =	sshll.u32 s6, $0x1;
	s6 =	sadd.s32 s21, s4  }
0xa3: {  	[timem:s8], [sflag:s22] =	dma.local [hbm:s6], s20  }
0xa4: {  	_ =	swait.ge [sflag:s22], s20  }
0xa5: {  	s5 =	ssub.s32 $0x0, s20;
	[sflag:s22] =	ssyncset.done $0x0  }
0xa6: {  	[sflag:s22] =	ssyncadd.s32 s5;
	_ =	sdelay $0x1  }
0xa7: {  	s23 =	simm.s32 $0x1B8B  }
0xa8: {  	_ =	swait.ge [sflag:s23], $0x1  }
0xa9: {  	[sflag:s23] =	ssyncset.done $0x0  }
0xaa: {  	s25 =	simm.s32 $0x1B8E;
	s24 =	sld [smem:$0x3FFE];
	[sflag:s23] =	ssyncadd.s32 $0xFFFFFFFF  }
0xab: {  	s26 =	simm.s32 $execute0_lowered;
	[smem:$0x3FD2] =	sst s25  }
0xac: {  	s6 =	sshll.u32 s26, $0x1;
	_ =	strace $0x80000046;
	[dreg:$0x1] =	wrdreg $0xFFFFFFFF  }
0xad: {  	s28 =	simm.s32 $_size_execute0_lowered;
	s4 =	sadd.s32 s4, s6;
	[dreg:$0x0] =	wrdreg $0x0  }
0xae: {  	s6 =	sshll.u32 s28, $0x1;
	[dreg:$0x2] =	wrdreg s4  }
0xaf: {  	[dreg:$0x3] =	wrdreg s6  }
0xb0: {  	[dreg:$0x4] =	wrdreg $0xC0  }
0xb1: {  	_ =	task [dreg:s8], $0x5FFFF  }
0xb2: {  	[dreg:$0x1] =	wrdreg $0xFFFFFFFF  }
0xb3: {  	[dreg:$0x0] =	wrdreg $0x60  }
0xb4: {  	[dreg:$0x2] =	wrdreg s24  }
0xb5: {  	[dreg:$0x3] =	wrdreg s15  }
0xb6: {  	[dreg:$0x4] =	wrdreg s16  }
0xb7: {  	[dreg:$0x5] =	wrdreg $0x9  }
0xb8: {  	_ =	task.clear_ibuf [dreg:s8], $0x6FFFF;
	_ =	strace $0x90000046  }
0xb9: {  	s29 =	simm.s32 $0x9;
	_ =	strace $0x80000048  }
0xba: {  	_ =	swait.ge [sflag:s29], $0x1  }
0xbb: {  	[sflag:s29] =	ssyncadd.s32 $0xFFFFFFFF  }
0xbc: {  	_ =	strace $0x90000048  }
0xbd: {  	_ =	sfence  }
0xbe: {  	s30 =	sld [smem:$0x0];
	_ =	sdelay $0x2  }
0xbf: {  	s31 =	sshll.u32 s1, $0xD;
	s1 =	sshrl.u32 s1, $0x2  }
0xc0: {  	s3 =	sand.u32 $0x4000, s31;
	s1 =	sadd.s32 s1, s30  }
0xc1: {  	s0 =	sor.u32 s3, s0;
	s1 =	sshll.u32 s1, $0x11  }
0xc2: {  	s0 =	sor.u32 s1, s0  }
0xc3: {  	s0 =	sadd.s32 $0x8F2B, s0  }
0xc4: {  	[sflag:s0] =	ssyncadd.remote.s32 $0x1  }
0xc5: {  	_ =	sfence.sel $0xFFFF  }
0xc6: {  	[dreg:$0x0] =	wrdreg $0xFFFFFFFF;
	(pc) =	sbr.abs _section_cstart, $3  }
0xc7: {  	[dreg:$0x1] =	wrdreg $0xFFFFFFFF  }
0xc8: {  	_ =	task.clear_ibuf [dreg:s8], $0x2FFFF;
	_ =	strace $0x9FFFFFFF  }
0xc9: {  	(tm) =	ssettm $0x7FFFFFFF  }
tec
execute0_lowered:
.L_overlay_start_1:
0x0: {  	(tag) =	ssettag $0x1  }
0x1: {  	s0 =	rddreg [dreg:$0x0];
	s1 =	srdreg.scid  }
0x2: {  	s2 =	stileid.u32;
	s4 =	simm.s32 $0x0;
	s20 =	simm.s32 $0x1  }
0x3: {  	s23 =	simm.s32 $0x7530;
	s24 =	simm.s32 $0x9C40;
	s25 =	simm.s32 $0x7918  }
0x4: {  	s28 =	simm.s32 $0x80E8;
	s29 =	simm.s32 $0x84D0;
	s30 =	simm.s32 $0x88B8  }
0x5: {  	s31 =	simm.s32 $0x8CA0;
	s1 =	sand.u32 $0x1, s1;
	s2 =	sshll.u32 s2, $0x1  }
0x6: {  	[smem:$0x7FF] =	sst s4;
	s5 =	sadd.s32 $0x17200, s0;
	s2 =	sor.u32 s1, s2  }
0x7: {  	_ =	strace $0x80000047;
	s1 =	ssub.s32 $0x2, s1;
	s3 =	smul.u32 $0x4E2, s2  }
0x8: {  	s6 =	smul.u32 $0x3E8, s2;
	s2 =	sshll.u32 s2, $0xD;
	s26 =	sshrl.u32 s1, $0x1  }
0x9: {  	s1 =	ssub.s32 s1, s26;
	s26 =	simm.s32 $0x7D00;
	s3 =	sadd.s32 s3, s0  }
0xa: {  	s6 =	sshrl.u32 s6, $0x3;
	s19 =	smax.u32 s1, $0x1;
	s1 =	simm.s32 $0x9088  }
0xb: {  	s17 =	sadd.s32 s6, s0;
	s0 =	sadd.s32 s2, s0;
	s6 =	sadd.s32 $0xD400, s3  }
0xc: {  	s7 =	sadd.s32 $0x3600, s3;
	s2 =	simm.s32 $0x9858;
	s3 =	simm.s32 $0x0  }
0xd: {  	s8 =	sadd.s32 $0x19200, s17;
	s9 =	sadd.s32 $0x1A1A0, s17;
	s10 =	sadd.s32 $0x1B140, s17  }
0xe: {  	s11 =	sadd.s32 $0x1C0E0, s17;
	s12 =	sadd.s32 $0x1D080, s17;
	s13 =	sadd.s32 $0x1E020, s17  }
0xf: {  	s14 =	sadd.s32 $0x1EFC0, s17;
	s15 =	sadd.s32 $0x1FF60, s17;
	s16 =	sadd.s32 $0x20F00, s17  }
0x10: {  	v0 =	vimm.f32 $1.000000000e+00;
	s17 =	sadd.s32 $0x21EA0, s17;
	s18 =	sadd.s32 $0x23000, s0;
	s0 =	simm.s32 $0x9470  }
.LBB2_1:
0x11: {  	s21 =	rddreg [dreg:$0x1]  }
0x12: {  	[tilespmem:s4], [sflag:$0x1] =	stream.linear.gather [hbm4b:s21+s4], $0x2710, $0x38;
	[tilespmem:$0x19C40] =	vst v63  }
0x13: {  	_ =	swait.ge [sflag:s20], $0x2710  }
0x14: {  	[sflag:s20] =	ssyncset.done $0x0  }
0x15: {  	s22 =	simm.s32 $0x2710;
	[sflag:s20] =	ssyncadd.s32 $0xFFFFD8F0  }
0x16: {  	[tilespmem:s22], [sflag:$0x1] =	stream.linear.gather [hbm4b:s6+s4], $0x2710, $0x38;
	[tilespmem:$0x19C40] =	vst v63  }
0x17: {  	_ =	swait.ge [sflag:s20], $0x2710  }
0x18: {  	[sflag:s20] =	ssyncset.done $0x0  }
0x19: {  	s22 =	simm.s32 $0x4E20;
	[sflag:s20] =	ssyncadd.s32 $0xFFFFD8F0  }
0x1a: {  	[tilespmem:s22], [sflag:$0x1] =	stream.linear.gather [hbm4b:s7+s4], $0x2710, $0x38;
	[tilespmem:$0x19C40] =	vst v63  }
0x1b: {  	_ =	swait.ge [sflag:s20], $0x2710  }
0x1c: {  	[sflag:s20] =	ssyncset.done $0x0  }
0x1d: {  	[sflag:s20] =	ssyncadd.s32 $0xFFFFD8F0  }
0x1e: {  	s22 =	rddreg [dreg:$0x2]  }
0x1f: {  	[tilespmem:s23], [sflag:$0x1] =	stream.linear.gather [hbm4b:s22+s4], $0x2710, $0x38;
	[tilespmem:$0x19C40] =	vst v63  }
0x20: {  	_ =	swait.ge [sflag:s20], $0x2710  }
0x21: {  	[sflag:s20] =	ssyncset.done $0x0  }
0x22: {  	[sflag:s20] =	ssyncadd.s32 $0xFFFFD8F0  }
0x23: {  	[tilespmem:s24], [sflag:$0x1] =	stream.linear.gather [hbm4b:s5+s4], $0x10000, $0x38;
	[tilespmem:$0x19C40] =	vst v63  }
0x24: {  	_ =	swait.ge [sflag:s20], $0x10000  }
0x25: {  	[sflag:s20] =	ssyncset.done $0x0  }
0x26: {  	s21 =	simm.s32 $0x0;
	[sflag:s20] =	ssyncadd.s32 $0xFFFF0000  }
.LBB2_2:
0x27: {  	s22 =	sshra.s32 s21, $0x2  }
0x28: {  	v1 =	vld [tilespmem:s22+$0x4E20]  }
0x29: {  	v2 =	vld [tilespmem:s22+$0x2710];
	_ =	sdelay $0x6  }
0x2a: {  	[tilespmem:v1+s23+$0x0] =	vst.idx.add.f32.msk $0xffff, v0  }
0x2b: {  	v2 =	vld.idx.msk [tilespmem:v2+s4+$0x0], $0xffff  }
0x2c: {  	v1 =	vld.idx.msk [tilespmem:v1+s4+$0x0], $0xffff;
	_ =	sdelay $0x4  }
0x2d: {  	v3 =	vand.u32 $0xFFFFFFF8, v1;
	v2 =	vshll.u32 v2, $0x8  }
0x2e: {  	v1 =	vand.u32 $0x7, v1;
	v2 =	vadd.s32 v2, v3  }
0x2f: {  	p0 =	sne.s32 s21, $0x9C00;
	v1 =	vor.u32 v1, v2  }
.Ltmp0:
0x30: {  	_ = 	snop;
	(pc) =	sbr.rel @p0 .LBB2_2-.Ltmp0, $2  }
0x31: {  	_ =	sdelay $0x2  }
0x32: {  	s21 =	sadd.s32 $0x40, s21;
	[tilespmem:v1+s24+$0x0] =	vst.idx.add.f32.msk $0xffff, v0  }
0x33: {  	[hbm4b:s8+s4] =	stream.linear.scatter [tilespmem:s23], [sflag:$0x1], $0x3E8, $0x38;
	[tilespmem:$0x19C40] =	vst v63  }
0x34: {  	_ =	swait.ge [sflag:s20], $0x3E8  }
0x35: {  	[sflag:s20] =	ssyncset.done $0x0  }
0x36: {  	[sflag:s20] =	ssyncadd.s32 $0xFFFFFC18  }
0x37: {  	[hbm4b:s9+s4] =	stream.linear.scatter [tilespmem:s25], [sflag:$0x1], $0x3E8, $0x38;
	[tilespmem:$0x19C40] =	vst v63  }
0x38: {  	_ =	swait.ge [sflag:s20], $0x3E8  }
0x39: {  	[sflag:s20] =	ssyncset.done $0x0  }
0x3a: {  	[sflag:s20] =	ssyncadd.s32 $0xFFFFFC18  }
0x3b: {  	[hbm4b:s10+s4] =	stream.linear.scatter [tilespmem:s26], [sflag:$0x1], $0x3E8, $0x38;
	[tilespmem:$0x19C40] =	vst v63  }
0x3c: {  	_ =	swait.ge [sflag:s20], $0x3E8  }
0x3d: {  	[sflag:s20] =	ssyncset.done $0x0  }
0x3e: {  	[sflag:s20] =	ssyncadd.s32 $0xFFFFFC18  }
0x3f: {  	[hbm4b:s11+s4] =	stream.linear.scatter [tilespmem:s28], [sflag:$0x1], $0x3E8, $0x38;
	[tilespmem:$0x19C40] =	vst v63  }
0x40: {  	_ =	swait.ge [sflag:s20], $0x3E8  }
0x41: {  	[sflag:s20] =	ssyncset.done $0x0  }
0x42: {  	[sflag:s20] =	ssyncadd.s32 $0xFFFFFC18  }
0x43: {  	[hbm4b:s12+s4] =	stream.linear.scatter [tilespmem:s29], [sflag:$0x1], $0x3E8, $0x38;
	[tilespmem:$0x19C40] =	vst v63  }
0x44: {  	_ =	swait.ge [sflag:s20], $0x3E8  }
0x45: {  	[sflag:s20] =	ssyncset.done $0x0  }
0x46: {  	[sflag:s20] =	ssyncadd.s32 $0xFFFFFC18  }
0x47: {  	[hbm4b:s13+s4] =	stream.linear.scatter [tilespmem:s30], [sflag:$0x1], $0x3E8, $0x38;
	[tilespmem:$0x19C40] =	vst v63  }
0x48: {  	_ =	swait.ge [sflag:s20], $0x3E8  }
0x49: {  	[sflag:s20] =	ssyncset.done $0x0  }
0x4a: {  	[sflag:s20] =	ssyncadd.s32 $0xFFFFFC18  }
0x4b: {  	[hbm4b:s14+s4] =	stream.linear.scatter [tilespmem:s31], [sflag:$0x1], $0x3E8, $0x38;
	[tilespmem:$0x19C40] =	vst v63  }
0x4c: {  	_ =	swait.ge [sflag:s20], $0x3E8  }
0x4d: {  	[sflag:s20] =	ssyncset.done $0x0  }
0x4e: {  	[sflag:s20] =	ssyncadd.s32 $0xFFFFFC18  }
0x4f: {  	[hbm4b:s15+s4] =	stream.linear.scatter [tilespmem:s1], [sflag:$0x1], $0x3E8, $0x38;
	[tilespmem:$0x19C40] =	vst v63  }
0x50: {  	_ =	swait.ge [sflag:s20], $0x3E8  }
0x51: {  	[sflag:s20] =	ssyncset.done $0x0  }
0x52: {  	[sflag:s20] =	ssyncadd.s32 $0xFFFFFC18  }
0x53: {  	[hbm4b:s16+s4] =	stream.linear.scatter [tilespmem:s0], [sflag:$0x1], $0x3E8, $0x38;
	[tilespmem:$0x19C40] =	vst v63  }
0x54: {  	_ =	swait.ge [sflag:s20], $0x3E8  }
0x55: {  	[sflag:s20] =	ssyncset.done $0x0  }
0x56: {  	[sflag:s20] =	ssyncadd.s32 $0xFFFFFC18  }
0x57: {  	[hbm4b:s17+s4] =	stream.linear.scatter [tilespmem:s2], [sflag:$0x1], $0x3E8, $0x38;
	[tilespmem:$0x19C40] =	vst v63  }
0x58: {  	s3 =	sadd.s32 $0x1, s3;
	_ =	swait.ge [sflag:s20], $0x3E8  }
0x59: {  	p0 =	sne.s32 s3, s19;
	[sflag:s20] =	ssyncset.done $0x0  }
.Ltmp1:
0x5a: {  	[sflag:s20] =	ssyncadd.s32 $0xFFFFFC18;
	(pc) =	sbr.rel @p0 .LBB2_1-.Ltmp1, $4  }
0x5b: {  	[hbm4b:s18+s4] =	stream.linear.scatter [tilespmem:s24], [sflag:$0x1], $0x10000, $0x38;
	[tilespmem:$0x19C40] =	vst v63  }
0x5c: {  	_ =	swait.ge [sflag:s20], $0x10000  }
0x5d: {  	[sflag:s20] =	ssyncset.done $0x0  }
0x5e: {  	[sflag:s20] =	ssyncadd.s32 $0xFFFF0000  }
0x5f: {  	_ =	sfence.sel $0x180000  }
0x60: {  	[bflag:$0x0] =	sbarrier.arrive $0xFFFF  }
0x61: {  	_ =	strace $0x90000047  }
0x62: {  	s0 =	stileid.u32;
	[bflag:$0x2] =	sbarrier.arrive $0xFFFF  }
0x63: {  	p0 =	sne.s32 s0, $0x0;
	s0 =	rddreg [dreg:$0x3]  }
0x64: {  	s0 =	sadd.s32 @!p0 $0x100000, s0  }
0x65: {  	[sflag:s0] =	ssyncadd.tile.s32 @!p0 $0x1;
	_ =	shalt  }
.Lfunc_end2:
_tile_overlayer_lowered:
.L_overlay_start_2:
0x66: {  	(tag) =	ssettag $0x2  }
0x67: {  	s0 =	rddreg [dreg:$0x0];
	s2 =	stileid.u32  }
0x68: {  	s1 =	rddreg [dreg:$0x1];
	p0 =	sne.s32 s2, $0x0  }
0x69: {  	s3 =	rddreg [dreg:$0x2];
	[bflag:$0x3] =	sbarrier.arrive $0xFFFF;
	s2 =	simm.s32 @!p0 $0x1C01  }
0x6a: {  	[timem:s3], [sflag:s2] =	dma.local @!p0 [hbm:s0], s1  }
0x6b: {  	s0 =	simm.s32 @!p0 $0x1  }
0x6c: {  	_ =	swait.ge @!p0 [sflag:s0], s1  }
0x6d: {  	s1 =	ssub.s32 @!p0 $0x0, s1;
	[sflag:s0] =	ssyncset.done @!p0 $0x0  }
0x6e: {  	[sflag:s0] =	ssyncadd.s32 @!p0 s1  }
0x6f: {  	[bflag:$0x3] =	sbarrier.arrive $0xFFFF  }
0x70: {  	_ =	shalt  }

// kernel: kernel.16.cloned.1.call-start
scs
__scs_entry_jumppad:
0x0: {  	(pc) =	sbr.rel $0x88, $3  }
0x1: {  	(tag) =	ssettag $0x0;
	lr =	simm.s32 $0x1  }
0x2: {  	[smem:$0x3F91] =	sst lr;
	_ =	strace $0xD0000000  }
0x3: {  	_ = 	snop  }
0x4: {  	_ = 	snop  }
0x5: {  	_ = 	snop  }
0x6: {  	_ = 	snop  }
0x7: {  	_ = 	snop  }
__scs_overlays_trampoline_lowered:
0x8: {  	[smem:$0x3FA0] =	sst s0  }
0x9: {  	[smem:$0x3FA1] =	sst s1  }
0xa: {  	[smem:$0x3FA2] =	sst s2  }
0xb: {  	[smem:$0x3FA3] =	sst s3  }
0xc: {  	[smem:$0x3FA4] =	sst s4  }
0xd: {  	[smem:$0x3FA5] =	sst s5  }
0xe: {  	[smem:$0x3FA6] =	sst s6  }
0xf: {  	[smem:$0x3FA7] =	sst s7  }
0x10: {  	[smem:$0x3FA8] =	sst s8  }
0x11: {  	[smem:$0x3FA9] =	sst s9;
	s0 =	simm.s32 @!p0 $0x0  }
0x12: {  	s1 =	sld [smem:$0x3F8F];
	s0 =	simm.s32 @p0 $0x1  }
0x13: {  	[smem:$0x3FAA] =	sst s0;
	s0 =	simm.s32 @!p1 $0x0  }
0x14: {  	s2 =	sld [smem:$0x3F8E];
	s0 =	simm.s32 @p1 $0x1  }
0x15: {  	[smem:$0x3FAB] =	sst s0;
	s0 =	simm.s32 @!p2 $0x0  }
0x16: {  	s3 =	sld [smem:$0x3FDB];
	s0 =	simm.s32 @p2 $0x1  }
0x17: {  	s4 =	simm.s32 $0x1BF5;
	[smem:$0x3FAD] =	sst s0  }
0x18: {  	s0 =	sld [smem:$0x3F90];
	_ =	swait.ge [sflag:s4], $0x0  }
0x19: {  	s7 =	sld [smem:$0x3F91]  }
0x1a: {  	s8 =	sadd.s32 $0xFFFFE003, lr  }
0x1b: {  	s9 =	sadd.s32 $0xFFFFFEF7, lr;
	s5 =	simm.s32 $0xFFFFFFFF;
	p2 =	slt.u32 s8, $0xFFFFF086  }
0x1c: {  	p1 =	slt.u32 s9, $0xF7A;
	s5 =	simm.s32 @!p2 $0x0  }
0x1d: {  	s5 =	simm.s32 @p1 $0x1;
	p0 =	seq.s32 s7, s2  }
0x1e: {  	s7 =	smul.u32 @!p0 $0xF7A, s2;
	p2 =	seq.s32 @!p0 s5, $0x0  }
0x1f: {  	s9 =	smul.u32 $0xF7A, s1;
	s8 =	simm.s32 @!p0 $0x1BF5;
	p2 =	por !p2, p0  }
0x20: {  	[sflag:s8] =	ssyncset.s32 @!p0 $0xFFFFF086;
	s6 =	sadd.s32 @!p0 s3, s7;
	s7 =	simm.s32 @!p0 $0x108  }
0x21: {  	s3 =	sadd.s32 s3, s9;
	s6 =	sadd.s32 @!p0 $0x88, s6;
	s7 =	simm.s32 @p2 $0x1082  }
0x22: {  	[simem:s7], [sflag:s8] =	dma.local @!p0 [hbm:s6], $0xF7A  }
0x23: {  	s9 =	sor.u32 $0xD0000000, s2;
	s6 =	simm.s32 $0x108;
	_ =	swait.ge @!p0 [sflag:s8], $0x0  }
0x24: {  	s3 =	sadd.s32 $0x88, s3;
	s6 =	simm.s32 @!p1 $0x1082;
	[sflag:s4] =	ssyncset.s32 $0xFFFFF086  }
0x25: {  	[simem:s6], [sflag:s4] =	dma.local [hbm:s3], $0xF7A  }
0x26: {  	[smem:$0x3F91] =	sst s1;
	(tag) =	ssettag s2;
	_ =	strace s9  }
0x27: {  	s1 =	sld [smem:$0x3FA1]  }
0x28: {  	s2 =	sld [smem:$0x3FA2]  }
0x29: {  	s4 =	sld [smem:$0x3FA4]  }
0x2a: {  	p0 =	seq.s32 s5, $0x0;
	s5 =	sld [smem:$0x3FA5]  }
0x2b: {  	s6 =	sld [smem:$0x3FA6]  }
0x2c: {  	s7 =	sld [smem:$0x3FA7]  }
0x2d: {  	s3 =	simm.s32 $0x108;
	s8 =	sld [smem:$0x3FA8]  }
0x2e: {  	s3 =	simm.s32 @!p0 $0x1082;
	s9 =	sld [smem:$0x3FA9]  }
0x2f: {  	lr =	sadd.s32 s0, s3;
	s0 =	sld [smem:$0x3FA0]  }
0x30: {  	s3 =	sld [smem:$0x3FA3]  }
0x31: {  	[smem:$0x3FAC] =	sst s10  }
0x32: {  	s10 =	sld [smem:$0x3FAA];
	_ =	sdelay $0x3  }
0x33: {  	p0 =	seq.s32 s10, $0x1;
	s10 =	sld [smem:$0x3FAC];
	_ =	sdelay $0x3  }
0x34: {  	[smem:$0x3FAC] =	sst s10  }
0x35: {  	s10 =	sld [smem:$0x3FAB];
	_ =	sdelay $0x3  }
0x36: {  	p1 =	seq.s32 s10, $0x1;
	s10 =	sld [smem:$0x3FAC];
	_ =	sdelay $0x3  }
0x37: {  	[smem:$0x3FAC] =	sst s10  }
0x38: {  	s10 =	sld [smem:$0x3FAD]  }
0x39: {  	_ = 	snop;
	(pc) =	sbr.ind lr, $3  }
0x3a: {  	_ = 	snop  }
0x3b: {  	_ = 	snop  }
0x3c: {  	p2 =	seq.s32 s10, $0x1;
	s10 =	sld [smem:$0x3FAC]  }
0x3d: {  	_ =	shalt  }
0x3e: {  	_ =	shalt  }
0x3f: {  	_ =	shalt  }
0x40: {  	_ =	shalt  }
0x41: {  	_ =	shalt  }
0x42: {  	_ =	shalt  }
0x43: {  	_ =	shalt  }
0x44: {  	_ =	shalt  }
0x45: {  	_ =	shalt  }
0x46: {  	_ =	shalt  }
0x47: {  	_ =	shalt  }
0x48: {  	_ =	shalt  }
0x49: {  	_ =	shalt  }
0x4a: {  	_ =	shalt  }
0x4b: {  	_ =	shalt  }
0x4c: {  	_ =	shalt  }
0x4d: {  	_ =	shalt  }
0x4e: {  	_ =	shalt  }
0x4f: {  	_ =	shalt  }
0x50: {  	_ =	shalt  }
0x51: {  	_ =	shalt  }
0x52: {  	_ =	shalt  }
0x53: {  	_ =	shalt  }
0x54: {  	_ =	shalt  }
0x55: {  	_ =	shalt  }
0x56: {  	_ =	shalt  }
0x57: {  	_ =	shalt  }
0x58: {  	_ =	shalt  }
0x59: {  	_ =	shalt  }
0x5a: {  	_ =	shalt  }
0x5b: {  	_ =	shalt  }
0x5c: {  	_ =	shalt  }
0x5d: {  	_ =	shalt  }
0x5e: {  	_ =	shalt  }
0x5f: {  	_ =	shalt  }
0x60: {  	_ =	shalt  }
0x61: {  	_ =	shalt  }
0x62: {  	_ =	shalt  }
0x63: {  	_ =	shalt  }
0x64: {  	_ =	shalt  }
0x65: {  	_ =	shalt  }
0x66: {  	_ =	shalt  }
0x67: {  	_ =	shalt  }
0x68: {  	_ =	shalt  }
0x69: {  	_ =	shalt  }
0x6a: {  	_ =	shalt  }
0x6b: {  	_ =	shalt  }
0x6c: {  	_ =	shalt  }
0x6d: {  	_ =	shalt  }
0x6e: {  	_ =	shalt  }
0x6f: {  	_ =	shalt  }
0x70: {  	_ =	shalt  }
0x71: {  	_ =	shalt  }
0x72: {  	_ =	shalt  }
0x73: {  	_ =	shalt  }
0x74: {  	_ =	shalt  }
0x75: {  	_ =	shalt  }
0x76: {  	_ =	shalt  }
0x77: {  	_ =	shalt  }
0x78: {  	_ =	shalt  }
0x79: {  	_ =	shalt  }
0x7a: {  	_ =	shalt  }
0x7b: {  	_ =	shalt  }
0x7c: {  	_ =	shalt  }
0x7d: {  	_ =	shalt  }
0x7e: {  	_ =	shalt  }
0x7f: {  	_ =	shalt  }
0x80: {  	_ =	shalt  }
0x81: {  	_ =	shalt  }
0x82: {  	_ =	shalt  }
0x83: {  	_ =	shalt  }
0x84: {  	_ =	shalt  }
0x85: {  	_ =	shalt  }
0x86: {  	_ =	shalt  }
0x87: {  	_ =	shalt  }
.Lfunc_end0:
.L_simem_size_0:
called_computation.1_lowered:
.L_overlay_start_0:
0x88: {  	s2 =	sld [smem:$0x3FD9]  }
0x89: {  	s3 =	sld [smem:$0x3FFE];
	_ =	sdelay $0x1  }
0x8a: {  	s1 =	srdreg.scid  }
0x8b: {  	s0 =	sand.u32 $0x1, s1  }
0x8c: {  	s16 =	sshll.u32 s0, $0xA;
	s2 =	sadd.s32 s3, s2  }
0x8d: {  	s2 =	sadd.s32 s2, s16  }
0x8e: {  	[smem:$0x3FB8] =	sst s2  }
0x8f: {  	_ = 	snop  }
0x90: {  	(tm) =	ssettm $0x1  }
0x91: {  	s17 =	sld [smem:$0x3FFB];
	_ =	sdelay $0x3  }
0x92: {  	_ =	strace s17  }
0x93: {  	s2 =	sld [smem:$0x3FFC];
	_ =	sdelay $0x3  }
0x94: {  	_ =	strace s2  }
0x95: {  	s2 =	sld [smem:$0x3FFD];
	_ =	sdelay $0x3  }
0x96: {  	_ =	strace s2  }
0x97: {  	_ =	strace $0x8FFFFFFF  }
0x98: {  	s18 =	sld [smem:$0x3FDB];
	_ =	sdelay $0x1  }
0x99: {  	s19 =	simm.s32 $_scs_section_size  }
0x9a: {  	s4 =	simm.s32 $_size__tile_overlayer_lowered;
	s5 =	simm.s32 $_tile_overlayer_lowered  }
0x9b: {  	s22 =	simm.s32 $0x1BFF;
	s21 =	sshll.u32 s5, $0x1;
	s2 =	sadd.s32 s19, s18  }
0x9c: {  	s6 =	simm.s32 $0x0;
	s20 =	sshll.u32 s4, $0x1;
	s4 =	sadd.s32 s21, s2  }
0x9d: {  	[timem:s6], [sflag:s22] =	dma.local [hbm:s4], s20  }
0x9e: {  	_ =	swait.ge [sflag:s22], s20  }
0x9f: {  	s3 =	ssub.s32 $0x0, s20;
	[sflag:s22] =	ssyncset.done $0x0  }
0xa0: {  	[sflag:s22] =	ssyncadd.s32 s3;
	_ =	sdelay $0x1  }
0xa1: {  	s23 =	simm.s32 $0x1B8B  }
0xa2: {  	_ =	swait.ge [sflag:s23], $0x1  }
0xa3: {  	[sflag:s23] =	ssyncset.done $0x0  }
0xa4: {  	s25 =	simm.s32 $0x1B8E;
	s24 =	sld [smem:$0x3FFE];
	[sflag:s23] =	ssyncadd.s32 $0xFFFFFFFF  }
0xa5: {  	s26 =	simm.s32 $execute0_lowered;
	[smem:$0x3FD2] =	sst s25  }
0xa6: {  	s4 =	sshll.u32 s26, $0x1;
	_ =	strace $0x80000049;
	[dreg:$0x1] =	wrdreg $0xFFFFFFFF  }
0xa7: {  	s28 =	simm.s32 $_size_execute0_lowered;
	s2 =	sadd.s32 s2, s4;
	[dreg:$0x0] =	wrdreg $0x0  }
0xa8: {  	s4 =	sshll.u32 s28, $0x1;
	[dreg:$0x2] =	wrdreg s2  }
0xa9: {  	[dreg:$0x3] =	wrdreg s4  }
0xaa: {  	[dreg:$0x4] =	wrdreg $0xC0  }
0xab: {  	_ =	task [dreg:s6], $0x5FFFF  }
0xac: {  	[dreg:$0x1] =	wrdreg $0xFFFFFFFF  }
0xad: {  	[dreg:$0x0] =	wrdreg $0x60  }
0xae: {  	[dreg:$0x2] =	wrdreg s24  }
0xaf: {  	[dreg:$0x3] =	wrdreg $0x8E800  }
0xb0: {  	[dreg:$0x4] =	wrdreg $0x9  }
0xb1: {  	_ =	task.clear_ibuf [dreg:s6], $0x5FFFF;
	_ =	strace $0x90000049  }
0xb2: {  	s29 =	simm.s32 $0x9;
	_ =	strace $0x8000004B  }
0xb3: {  	_ =	swait.ge [sflag:s29], $0x1  }
0xb4: {  	[sflag:s29] =	ssyncadd.s32 $0xFFFFFFFF  }
0xb5: {  	_ =	strace $0x9000004B  }
0xb6: {  	_ =	sfence  }
0xb7: {  	s30 =	sld [smem:$0x0];
	_ =	sdelay $0x2  }
0xb8: {  	s31 =	sshll.u32 s1, $0xD;
	s1 =	sshrl.u32 s1, $0x2  }
0xb9: {  	s3 =	sand.u32 $0x4000, s31;
	s1 =	sadd.s32 s1, s30  }
0xba: {  	s0 =	sor.u32 s3, s0;
	s1 =	sshll.u32 s1, $0x11  }
0xbb: {  	s0 =	sor.u32 s1, s0  }
0xbc: {  	s0 =	sadd.s32 $0x8F2B, s0  }
0xbd: {  	[sflag:s0] =	ssyncadd.remote.s32 $0x1  }
0xbe: {  	_ =	sfence.sel $0xFFFF  }
0xbf: {  	[dreg:$0x0] =	wrdreg $0xFFFFFFFF;
	(pc) =	sbr.abs _section_cstart, $3  }
0xc0: {  	[dreg:$0x1] =	wrdreg $0xFFFFFFFF  }
0xc1: {  	_ =	task.clear_ibuf [dreg:s6], $0x2FFFF;
	_ =	strace $0x9FFFFFFF  }
0xc2: {  	(tm) =	ssettm $0x7FFFFFFF  }
0xc3: {  	_ =	shalt  }
tec
execute0_lowered:
.L_overlay_start_1:
0x0: {  	(tag) =	ssettag $0x1  }
0x1: {  	s1 =	srdreg.scid  }
0x2: {  	s0 =	stileid.u32;
	s6 =	rddreg [dreg:$0x0]  }
0x3: {  	s2 =	rddreg [dreg:$0x1];
	s3 =	simm.s32 $0x0;
	s14 =	simm.s32 $0x7D  }
0x4: {  	s15 =	simm.s32 $0x5000;
	s16 =	simm.s32 $0x6F40;
	s17 =	simm.s32 $0x1  }
0x5: {  	s18 =	simm.s32 $0x2;
	s19 =	simm.s32 $0x2780;
	s20 =	simm.s32 $0x4F00  }
0x6: {  	s21 =	simm.s32 $0x4F80;
	s22 =	simm.s32 $0x0;
	s5 =	sand.u32 $0x1, s1  }
0x7: {  	s31 =	sshll.u32 s0, $0x1;
	s8 =	smul.u32 $0xA000, s0;
	[smem:$0x7FF] =	sst s3  }
0x8: {  	s4 =	sadd.s32 $0x3600, s6;
	s12 =	sshll.u32 s0, $0x6;
	s1 =	sor.u32 s5, s31  }
0x9: {  	s9 =	smul.u32 $0xA0000, s5;
	s10 =	ssub.s32 $0x2, s5;
	s5 =	sadd.s32 $0x17000, s6  }
0xa: {  	s12 =	sor.u32 $0x1C03, s12;
	s7 =	smul.u32 $0x500, s1;
	s1 =	rddreg [dreg:$0x2]  }
0xb: {  	_ =	strace $0x8000004A;
	s11 =	sshrl.u32 s10, $0x1;
	s13 =	sadd.s32 s8, s2  }
0xc: {  	s9 =	sadd.s32 s8, s9;
	s10 =	ssub.s32 s10, s11;
	s11 =	simm.s32 $0x2800  }
0xd: {  	s13 =	sshrl.u32 s13, $0x3;
	s7 =	sadd.s32 s7, s6;
	s9 =	sshrl.u32 s9, $0x3  }
0xe: {  	s9 =	sadd.s32 s9, s6;
	s6 =	sadd.s32 $0x63000, s7;
	s7 =	sadd.s32 $0x6D000, s7  }
0xf: {  	s8 =	sadd.s32 $0x77000, s9;
	s9 =	smax.u32 s10, $0x1;
	s10 =	simm.s32 $0x3  }
.LBB2_1:
0x10: {  	[tilespmem:s3], [sflag:$0x3] =	stream.linear.gather [hbm4b:s6+s3], $0x2800, $0x38;
	[tilespmem:$0x12E80] =	vst v63  }
0x11: {  	_ =	swait.ge [sflag:s10], $0x2800  }
0x12: {  	[sflag:s10] =	ssyncset.done $0x0  }
0x13: {  	[sflag:s10] =	ssyncadd.s32 $0xFFFFD800  }
0x14: {  	[tilespmem:s11], [sflag:$0x3] =	stream.linear.gather [hbm4b:s7+s3], $0x2800, $0x38;
	[tilespmem:$0x12E80] =	vst v63  }
0x15: {  	_ =	swait.ge [sflag:s10], $0x2800  }
0x16: {  	[sflag:s10] =	ssyncset.done $0x0  }
0x17: {  	[sflag:s10] =	ssyncadd.s32 $0xFFFFD800  }
0x18: {  	[spmem:s13], [sflag:s12] =	dma.local [hbm:s5], $0x1400  }
0x19: {  	_ =	swait.ge [sflag:s10], $0x1400  }
0x1a: {  	[sflag:s10] =	ssyncset.done $0x0  }
0x1b: {  	[sflag:s10] =	ssyncadd.s32 $0xFFFFEC00  }
0x1c: {  	[bflag:$0x0] =	sbarrier.arrive $0xFFFF  }
0x1d: {  	[tilespmem:s15], [sflag:$0x1] =	stream.indirect.gather [hbm4b:s4+s14], $0x40, s3, s14, $0xb8;
	[tilespmem:$0x12E80] =	vst v63  }
0x1e: {  	s23 =	simm.s32 $0x80  }
0x1f: {  	[tilespmem:s16], [sflag:$0x2] =	stream.indirect.gather [hbm4b:s4+s14], $0x40, s23, s14, $0xb8;
	[tilespmem:$0x12E80] =	vst v63  }
0x20: {  	_ =	swait.ge [sflag:s17], $0x1F40  }
0x21: {  	[sflag:s17] =	ssyncset.done $0x0  }
0x22: {  	s29 =	simm.s32 $0x2800;
	[sflag:s17] =	ssyncadd.s32 $0xFFFFE0C0  }
0x23: {  	[spmem:s2] =	stream.indirect.scatter.add.f32 [tilespmem:s15], [sflag:$0x3], $0x40, s29, s14, $0xb8;
	[tilespmem:$0x12E80] =	vst v63  }
0x24: {  	_ =	swait.ge [sflag:s10], $0x1F40  }
0x25: {  	[sflag:s10] =	ssyncset.done $0x0  }
0x26: {  	s30 =	simm.s32 $0x100;
	[sflag:s10] =	ssyncadd.s32 $0xFFFFE0C0  }
0x27: {  	[tilespmem:s15], [sflag:$0x1] =	stream.indirect.gather [hbm4b:s4+s14], $0x40, s30, s14, $0xb8;
	[tilespmem:$0x12E80] =	vst v63  }
0x28: {  	_ =	swait.ge [sflag:s18], $0x1F40  }
0x29: {  	[sflag:s18] =	ssyncset.done $0x0  }
0x2a: {  	s31 =	simm.s32 $0x2880;
	[sflag:s18] =	ssyncadd.s32 $0xFFFFE0C0  }
0x2b: {  	[spmem:s2] =	stream.indirect.scatter.add.f32 [tilespmem:s16], [sflag:$0x3], $0x40, s31, s14, $0xb8;
	[tilespmem:$0x12E80] =	vst v63  }
0x2c: {  	_ =	swait.ge [sflag:s10], $0x1F40  }
0x2d: {  	s24 =	simm.s32 $0x800;
	s23 =	simm.s32 $0x100;
	[sflag:s10] =	ssyncset.done $0x0  }
.LBB2_2:
0x2e: {  	s25 =	sadd.s32 $0x80, s23  }
0x2f: {  	[sflag:s10] =	ssyncadd.s32 $0xFFFFE0C0;
	s26 =	smov.u32 s24;
	s28 =	sadd.s32 $0x400, s24  }
0x30: {  	[tilespmem:s16], [sflag:$0x2] =	stream.indirect.gather [hbm4b:s4+s14], $0x40, s25, s14, $0xb8;
	[tilespmem:$0x12E80] =	vst v63  }
0x31: {  	p0 =	sne.s32 s24, $0x9800;
	_ =	swait.ge [sflag:s17], $0x1F40  }
0x32: {  	[sflag:s17] =	ssyncset.done $0x0  }
0x33: {  	s24 =	sadd.s32 $0x2800, s23;
	[sflag:s17] =	ssyncadd.s32 $0xFFFFE0C0  }
0x34: {  	[spmem:s2] =	stream.indirect.scatter.add.f32 [tilespmem:s15], [sflag:$0x3], $0x40, s24, s14, $0xb8;
	[tilespmem:$0x12E80] =	vst v63  }
0x35: {  	_ =	swait.ge [sflag:s10], $0x1F40  }
0x36: {  	[sflag:s10] =	ssyncset.done $0x0  }
0x37: {  	s24 =	sadd.s32 $0x100, s23;
	[sflag:s10] =	ssyncadd.s32 $0xFFFFE0C0  }
0x38: {  	[tilespmem:s15], [sflag:$0x1] =	stream.indirect.gather [hbm4b:s4+s14], $0x40, s24, s14, $0xb8;
	[tilespmem:$0x12E80] =	vst v63  }
0x39: {  	_ =	swait.ge [sflag:s18], $0x1F40  }
.Ltmp0:
0x3a: {  	[sflag:s18] =	ssyncset.done $0x0;
	(pc) =	sbr.rel @p0 .LBB2_2-.Ltmp0, $4  }
0x3b: {  	s23 =	sadd.s32 $0x2880, s23;
	[sflag:s18] =	ssyncadd.s32 $0xFFFFE0C0  }
0x3c: {  	[spmem:s2] =	stream.indirect.scatter.add.f32 [tilespmem:s16], [sflag:$0x3], $0x40, s23, s14, $0xb8;
	[tilespmem:$0x12E80] =	vst v63  }
0x3d: {  	_ =	swait.ge [sflag:s10], $0x1F40  }
0x3e: {  	s24 =	smov.u32 s28;
	s23 =	sshra.s32 s26, $0x2;
	[sflag:s10] =	ssyncset.done $0x0  }
0x3f: {  	s24 =	sadd.s32 $0x80, s23;
	[sflag:s10] =	ssyncadd.s32 $0xFFFFE0C0  }
0x40: {  	[tilespmem:s16], [sflag:$0x2] =	stream.indirect.gather [hbm4b:s4+s14], $0x40, s24, s14, $0xb8;
	[tilespmem:$0x12E80] =	vst v63  }
0x41: {  	_ =	swait.ge [sflag:s17], $0x1F40  }
0x42: {  	[sflag:s17] =	ssyncset.done $0x0  }
0x43: {  	s29 =	sadd.s32 $0x2800, s23;
	[sflag:s17] =	ssyncadd.s32 $0xFFFFE0C0  }
0x44: {  	[spmem:s2] =	stream.indirect.scatter.add.f32 [tilespmem:s15], [sflag:$0x3], $0x40, s29, s14, $0xb8;
	[tilespmem:$0x12E80] =	vst v63  }
0x45: {  	_ =	swait.ge [sflag:s10], $0x1F40  }
0x46: {  	[sflag:s10] =	ssyncset.done $0x0  }
0x47: {  	s30 =	sadd.s32 $0x100, s23;
	[sflag:s10] =	ssyncadd.s32 $0xFFFFE0C0  }
0x48: {  	[tilespmem:s15], [sflag:$0x1] =	stream.indirect.gather [hbm4b:s4+s14], $0x40, s30, s14, $0xb8;
	[tilespmem:$0x12E80] =	vst v63  }
0x49: {  	_ =	swait.ge [sflag:s18], $0x1F40  }
0x4a: {  	[sflag:s18] =	ssyncset.done $0x0  }
0x4b: {  	s31 =	sadd.s32 $0x2880, s23;
	[sflag:s18] =	ssyncadd.s32 $0xFFFFE0C0  }
0x4c: {  	[spmem:s2] =	stream.indirect.scatter.add.f32 [tilespmem:s16], [sflag:$0x3], $0x40, s31, s14, $0xb8;
	[tilespmem:$0x12E80] =	vst v63  }
0x4d: {  	_ =	swait.ge [sflag:s10], $0x1F40  }
0x4e: {  	[sflag:s10] =	ssyncset.done $0x0  }
0x4f: {  	[sflag:s10] =	ssyncadd.s32 $0xFFFFE0C0  }
0x50: {  	[tilespmem:s16], [sflag:$0x2] =	stream.indirect.gather [hbm4b:s4+s14], $0x40, s19, s14, $0xb8;
	[tilespmem:$0x12E80] =	vst v63  }
0x51: {  	_ =	swait.ge [sflag:s17], $0x1F40  }
0x52: {  	[sflag:s17] =	ssyncset.done $0x0  }
0x53: {  	[sflag:s17] =	ssyncadd.s32 $0xFFFFE0C0  }
0x54: {  	[spmem:s2] =	stream.indirect.scatter.add.f32 [tilespmem:s15], [sflag:$0x3], $0x40, s20, s14, $0xb8;
	[tilespmem:$0x12E80] =	vst v63  }
0x55: {  	_ =	swait.ge [sflag:s10], $0x1F40  }
0x56: {  	[sflag:s10] =	ssyncset.done $0x0  }
0x57: {  	[sflag:s10] =	ssyncadd.s32 $0xFFFFE0C0  }
0x58: {  	_ =	swait.ge [sflag:s18], $0x1F40  }
0x59: {  	[sflag:s18] =	ssyncset.done $0x0  }
0x5a: {  	[sflag:s18] =	ssyncadd.s32 $0xFFFFE0C0  }
0x5b: {  	[spmem:s2] =	stream.indirect.scatter.add.f32 [tilespmem:s16], [sflag:$0x3], $0x40, s21, s14, $0xb8;
	[tilespmem:$0x12E80] =	vst v63  }
0x5c: {  	_ =	swait.ge [sflag:s10], $0x1F40  }
0x5d: {  	s22 =	sadd.s32 $0x1, s22;
	[sflag:s10] =	ssyncset.done $0x0  }
0x5e: {  	p0 =	sne.s32 s22, s9;
	[sflag:s10] =	ssyncadd.s32 $0xFFFFE0C0  }
.Ltmp1:
0x5f: {  	[bflag:$0x0] =	sbarrier.arrive $0xFFFF;
	(pc) =	sbr.rel @p0 .LBB2_1-.Ltmp1, $4  }
0x60: {  	[hbm:s8], [sflag:s12] =	dma.local [spmem:s13], $0x1400  }
0x61: {  	_ =	swait.ge [sflag:s10], $0x1400  }
0x62: {  	[sflag:s10] =	ssyncset.done $0x0  }
0x63: {  	[sflag:s10] =	ssyncadd.s32 $0xFFFFEC00  }
0x64: {  	_ =	sfence.sel $0x180000  }
0x65: {  	[bflag:$0x0] =	sbarrier.arrive $0xFFFF  }
0x66: {  	p0 =	sne.s32 s0, $0x0;
	_ =	strace $0x9000004A  }
0x67: {  	s0 =	sadd.s32 @!p0 $0x100000, s1;
	[bflag:$0x2] =	sbarrier.arrive $0xFFFF  }
0x68: {  	[sflag:s0] =	ssyncadd.tile.s32 @!p0 $0x1;
	_ =	shalt  }
.Lfunc_end2:
_tile_overlayer_lowered:
.L_overlay_start_2:
0x69: {  	(tag) =	ssettag $0x2  }
0x6a: {  	s0 =	rddreg [dreg:$0x0];
	s2 =	stileid.u32  }
0x6b: {  	s1 =	rddreg [dreg:$0x1];
	p0 =	sne.s32 s2, $0x0  }
0x6c: {  	s3 =	rddreg [dreg:$0x2];
	[bflag:$0x3] =	sbarrier.arrive $0xFFFF;
	s2 =	simm.s32 @!p0 $0x1C03  }
0x6d: {  	[timem:s3], [sflag:s2] =	dma.local @!p0 [hbm:s0], s1  }
0x6e: {  	s0 =	simm.s32 @!p0 $0x3  }
0x6f: {  	_ =	swait.ge @!p0 [sflag:s0], s1  }
0x70: {  	s1 =	ssub.s32 @!p0 $0x0, s1;
	[sflag:s0] =	ssyncset.done @!p0 $0x0  }
0x71: {  	[sflag:s0] =	ssyncadd.s32 @!p0 s1  }
0x72: {  	[bflag:$0x3] =	sbarrier.arrive $0xFFFF  }
0x73: {  	_ =	shalt  }

// kernel: kernel.19.cloned.1.call-start
scs
__scs_entry_jumppad:
0x0: {  	(pc) =	sbr.rel $0x88, $3  }
0x1: {  	(tag) =	ssettag $0x0;
	lr =	simm.s32 $0x1  }
0x2: {  	[smem:$0x3F91] =	sst lr;
	_ =	strace $0xD0000000  }
0x3: {  	_ = 	snop  }
0x4: {  	_ = 	snop  }
0x5: {  	_ = 	snop  }
0x6: {  	_ = 	snop  }
0x7: {  	_ = 	snop  }
__scs_overlays_trampoline_lowered:
0x8: {  	[smem:$0x3FA0] =	sst s0  }
0x9: {  	[smem:$0x3FA1] =	sst s1  }
0xa: {  	[smem:$0x3FA2] =	sst s2  }
0xb: {  	[smem:$0x3FA3] =	sst s3  }
0xc: {  	[smem:$0x3FA4] =	sst s4  }
0xd: {  	[smem:$0x3FA5] =	sst s5  }
0xe: {  	[smem:$0x3FA6] =	sst s6  }
0xf: {  	[smem:$0x3FA7] =	sst s7  }
0x10: {  	[smem:$0x3FA8] =	sst s8  }
0x11: {  	[smem:$0x3FA9] =	sst s9;
	s0 =	simm.s32 @!p0 $0x0  }
0x12: {  	s1 =	sld [smem:$0x3F8F];
	s0 =	simm.s32 @p0 $0x1  }
0x13: {  	[smem:$0x3FAA] =	sst s0;
	s0 =	simm.s32 @!p1 $0x0  }
0x14: {  	s2 =	sld [smem:$0x3F8E];
	s0 =	simm.s32 @p1 $0x1  }
0x15: {  	[smem:$0x3FAB] =	sst s0;
	s0 =	simm.s32 @!p2 $0x0  }
0x16: {  	s3 =	sld [smem:$0x3FDB];
	s0 =	simm.s32 @p2 $0x1  }
0x17: {  	s4 =	simm.s32 $0x1BF5;
	[smem:$0x3FAD] =	sst s0  }
0x18: {  	s0 =	sld [smem:$0x3F90];
	_ =	swait.ge [sflag:s4], $0x0  }
0x19: {  	s7 =	sld [smem:$0x3F91]  }
0x1a: {  	s8 =	sadd.s32 $0xFFFFE003, lr  }
0x1b: {  	s9 =	sadd.s32 $0xFFFFFEF7, lr;
	s5 =	simm.s32 $0xFFFFFFFF;
	p2 =	slt.u32 s8, $0xFFFFF086  }
0x1c: {  	p1 =	slt.u32 s9, $0xF7A;
	s5 =	simm.s32 @!p2 $0x0  }
0x1d: {  	s5 =	simm.s32 @p1 $0x1;
	p0 =	seq.s32 s7, s2  }
0x1e: {  	s7 =	smul.u32 @!p0 $0xF7A, s2;
	p2 =	seq.s32 @!p0 s5, $0x0  }
0x1f: {  	s9 =	smul.u32 $0xF7A, s1;
	s8 =	simm.s32 @!p0 $0x1BF5;
	p2 =	por !p2, p0  }
0x20: {  	[sflag:s8] =	ssyncset.s32 @!p0 $0xFFFFF086;
	s6 =	sadd.s32 @!p0 s3, s7;
	s7 =	simm.s32 @!p0 $0x108  }
0x21: {  	s3 =	sadd.s32 s3, s9;
	s6 =	sadd.s32 @!p0 $0x88, s6;
	s7 =	simm.s32 @p2 $0x1082  }
0x22: {  	[simem:s7], [sflag:s8] =	dma.local @!p0 [hbm:s6], $0xF7A  }
0x23: {  	s9 =	sor.u32 $0xD0000000, s2;
	s6 =	simm.s32 $0x108;
	_ =	swait.ge @!p0 [sflag:s8], $0x0  }
0x24: {  	s3 =	sadd.s32 $0x88, s3;
	s6 =	simm.s32 @!p1 $0x1082;
	[sflag:s4] =	ssyncset.s32 $0xFFFFF086  }
0x25: {  	[simem:s6], [sflag:s4] =	dma.local [hbm:s3], $0xF7A  }
0x26: {  	[smem:$0x3F91] =	sst s1;
	(tag) =	ssettag s2;
	_ =	strace s9  }
0x27: {  	s1 =	sld [smem:$0x3FA1]  }
0x28: {  	s2 =	sld [smem:$0x3FA2]  }
0x29: {  	s4 =	sld [smem:$0x3FA4]  }
0x2a: {  	p0 =	seq.s32 s5, $0x0;
	s5 =	sld [smem:$0x3FA5]  }
0x2b: {  	s6 =	sld [smem:$0x3FA6]  }
0x2c: {  	s7 =	sld [smem:$0x3FA7]  }
0x2d: {  	s3 =	simm.s32 $0x108;
	s8 =	sld [smem:$0x3FA8]  }
0x2e: {  	s3 =	simm.s32 @!p0 $0x1082;
	s9 =	sld [smem:$0x3FA9]  }
0x2f: {  	lr =	sadd.s32 s0, s3;
	s0 =	sld [smem:$0x3FA0]  }
0x30: {  	s3 =	sld [smem:$0x3FA3]  }
0x31: {  	[smem:$0x3FAC] =	sst s10  }
0x32: {  	s10 =	sld [smem:$0x3FAA];
	_ =	sdelay $0x3  }
0x33: {  	p0 =	seq.s32 s10, $0x1;
	s10 =	sld [smem:$0x3FAC];
	_ =	sdelay $0x3  }
0x34: {  	[smem:$0x3FAC] =	sst s10  }
0x35: {  	s10 =	sld [smem:$0x3FAB];
	_ =	sdelay $0x3  }
0x36: {  	p1 =	seq.s32 s10, $0x1;
	s10 =	sld [smem:$0x3FAC];
	_ =	sdelay $0x3  }
0x37: {  	[smem:$0x3FAC] =	sst s10  }
0x38: {  	s10 =	sld [smem:$0x3FAD]  }
0x39: {  	_ = 	snop;
	(pc) =	sbr.ind lr, $3  }
0x3a: {  	_ = 	snop  }
0x3b: {  	_ = 	snop  }
0x3c: {  	p2 =	seq.s32 s10, $0x1;
	s10 =	sld [smem:$0x3FAC]  }
0x3d: {  	_ =	shalt  }
0x3e: {  	_ =	shalt  }
0x3f: {  	_ =	shalt  }
0x40: {  	_ =	shalt  }
0x41: {  	_ =	shalt  }
0x42: {  	_ =	shalt  }
0x43: {  	_ =	shalt  }
0x44: {  	_ =	shalt  }
0x45: {  	_ =	shalt  }
0x46: {  	_ =	shalt  }
0x47: {  	_ =	shalt  }
0x48: {  	_ =	shalt  }
0x49: {  	_ =	shalt  }
0x4a: {  	_ =	shalt  }
0x4b: {  	_ =	shalt  }
0x4c: {  	_ =	shalt  }
0x4d: {  	_ =	shalt  }
0x4e: {  	_ =	shalt  }
0x4f: {  	_ =	shalt  }
0x50: {  	_ =	shalt  }
0x51: {  	_ =	shalt  }
0x52: {  	_ =	shalt  }
0x53: {  	_ =	shalt  }
0x54: {  	_ =	shalt  }
0x55: {  	_ =	shalt  }
0x56: {  	_ =	shalt  }
0x57: {  	_ =	shalt  }
0x58: {  	_ =	shalt  }
0x59: {  	_ =	shalt  }
0x5a: {  	_ =	shalt  }
0x5b: {  	_ =	shalt  }
0x5c: {  	_ =	shalt  }
0x5d: {  	_ =	shalt  }
0x5e: {  	_ =	shalt  }
0x5f: {  	_ =	shalt  }
0x60: {  	_ =	shalt  }
0x61: {  	_ =	shalt  }
0x62: {  	_ =	shalt  }
0x63: {  	_ =	shalt  }
0x64: {  	_ =	shalt  }
0x65: {  	_ =	shalt  }
0x66: {  	_ =	shalt  }
0x67: {  	_ =	shalt  }
0x68: {  	_ =	shalt  }
0x69: {  	_ =	shalt  }
0x6a: {  	_ =	shalt  }
0x6b: {  	_ =	shalt  }
0x6c: {  	_ =	shalt  }
0x6d: {  	_ =	shalt  }
0x6e: {  	_ =	shalt  }
0x6f: {  	_ =	shalt  }
0x70: {  	_ =	shalt  }
0x71: {  	_ =	shalt  }
0x72: {  	_ =	shalt  }
0x73: {  	_ =	shalt  }
0x74: {  	_ =	shalt  }
0x75: {  	_ =	shalt  }
0x76: {  	_ =	shalt  }
0x77: {  	_ =	shalt  }
0x78: {  	_ =	shalt  }
0x79: {  	_ =	shalt  }
0x7a: {  	_ =	shalt  }
0x7b: {  	_ =	shalt  }
0x7c: {  	_ =	shalt  }
0x7d: {  	_ =	shalt  }
0x7e: {  	_ =	shalt  }
0x7f: {  	_ =	shalt  }
0x80: {  	_ =	shalt  }
0x81: {  	_ =	shalt  }
0x82: {  	_ =	shalt  }
0x83: {  	_ =	shalt  }
0x84: {  	_ =	shalt  }
0x85: {  	_ =	shalt  }
0x86: {  	_ =	shalt  }
0x87: {  	_ =	shalt  }
.Lfunc_end0:
.L_simem_size_0:
called_computation.2_lowered:
.L_overlay_start_0:
0x88: {  	s2 =	sld [smem:$0x3FD9]  }
0x89: {  	s3 =	sld [smem:$0x3FFE];
	_ =	sdelay $0x1  }
0x8a: {  	s1 =	srdreg.scid  }
0x8b: {  	s0 =	sand.u32 $0x1, s1  }
0x8c: {  	s16 =	sshll.u32 s0, $0xA;
	s2 =	sadd.s32 s3, s2  }
0x8d: {  	s2 =	sadd.s32 s2, s16  }
0x8e: {  	[smem:$0x3FB8] =	sst s2  }
0x8f: {  	_ = 	snop  }
0x90: {  	(tm) =	ssettm $0x1  }
0x91: {  	s17 =	sld [smem:$0x3FFB];
	_ =	sdelay $0x3  }
0x92: {  	_ =	strace s17  }
0x93: {  	s2 =	sld [smem:$0x3FFC];
	_ =	sdelay $0x3  }
0x94: {  	_ =	strace s2  }
0x95: {  	s2 =	sld [smem:$0x3FFD];
	_ =	sdelay $0x3  }
0x96: {  	_ =	strace s2  }
0x97: {  	_ =	strace $0x8FFFFFFF  }
0x98: {  	s18 =	sld [smem:$0x3FDB];
	_ =	sdelay $0x1  }
0x99: {  	s19 =	simm.s32 $_scs_section_size  }
0x9a: {  	s4 =	simm.s32 $_size__tile_overlayer_lowered;
	s5 =	simm.s32 $_tile_overlayer_lowered  }
0x9b: {  	s22 =	simm.s32 $0x1BFF;
	s21 =	sshll.u32 s5, $0x1;
	s2 =	sadd.s32 s19, s18  }
0x9c: {  	s6 =	simm.s32 $0x0;
	s20 =	sshll.u32 s4, $0x1;
	s4 =	sadd.s32 s21, s2  }
0x9d: {  	[timem:s6], [sflag:s22] =	dma.local [hbm:s4], s20  }
0x9e: {  	_ =	swait.ge [sflag:s22], s20  }
0x9f: {  	s3 =	ssub.s32 $0x0, s20;
	[sflag:s22] =	ssyncset.done $0x0  }
0xa0: {  	[sflag:s22] =	ssyncadd.s32 s3;
	_ =	sdelay $0x1  }
0xa1: {  	s23 =	simm.s32 $0x1B8B  }
0xa2: {  	_ =	swait.ge [sflag:s23], $0x1  }
0xa3: {  	[sflag:s23] =	ssyncset.done $0x0  }
0xa4: {  	s25 =	simm.s32 $0x1B8E;
	s24 =	sld [smem:$0x3FFE];
	[sflag:s23] =	ssyncadd.s32 $0xFFFFFFFF  }
0xa5: {  	s26 =	simm.s32 $execute0_lowered;
	[smem:$0x3FD2] =	sst s25  }
0xa6: {  	s4 =	sshll.u32 s26, $0x1;
	_ =	strace $0x8000004C;
	[dreg:$0x1] =	wrdreg $0xFFFFFFFF  }
0xa7: {  	s28 =	simm.s32 $_size_execute0_lowered;
	s2 =	sadd.s32 s2, s4;
	[dreg:$0x0] =	wrdreg $0x0  }
0xa8: {  	s4 =	sshll.u32 s28, $0x1;
	[dreg:$0x2] =	wrdreg s2  }
0xa9: {  	[dreg:$0x3] =	wrdreg s4  }
0xaa: {  	[dreg:$0x4] =	wrdreg $0xC0  }
0xab: {  	_ =	task [dreg:s6], $0x5FFFF  }
0xac: {  	[dreg:$0x1] =	wrdreg $0xFFFFFFFF  }
0xad: {  	[dreg:$0x0] =	wrdreg $0x60  }
0xae: {  	[dreg:$0x2] =	wrdreg s24  }
0xaf: {  	[dreg:$0x3] =	wrdreg $0x8E800  }
0xb0: {  	[dreg:$0x4] =	wrdreg $0x9  }
0xb1: {  	_ =	task.clear_ibuf [dreg:s6], $0x5FFFF;
	_ =	strace $0x9000004C  }
0xb2: {  	s29 =	simm.s32 $0x9;
	_ =	strace $0x8000004E  }
0xb3: {  	_ =	swait.ge [sflag:s29], $0x1  }
0xb4: {  	[sflag:s29] =	ssyncadd.s32 $0xFFFFFFFF  }
0xb5: {  	_ =	strace $0x9000004E  }
0xb6: {  	_ =	sfence  }
0xb7: {  	s30 =	sld [smem:$0x0];
	_ =	sdelay $0x2  }
0xb8: {  	s31 =	sshll.u32 s1, $0xD;
	s1 =	sshrl.u32 s1, $0x2  }
0xb9: {  	s3 =	sand.u32 $0x4000, s31;
	s1 =	sadd.s32 s1, s30  }
0xba: {  	s0 =	sor.u32 s3, s0;
	s1 =	sshll.u32 s1, $0x11  }
0xbb: {  	s0 =	sor.u32 s1, s0  }
0xbc: {  	s0 =	sadd.s32 $0x8F2B, s0  }
0xbd: {  	[sflag:s0] =	ssyncadd.remote.s32 $0x1  }
0xbe: {  	_ =	sfence.sel $0xFFFF  }
0xbf: {  	[dreg:$0x0] =	wrdreg $0xFFFFFFFF;
	(pc) =	sbr.abs _section_cstart, $3  }
0xc0: {  	[dreg:$0x1] =	wrdreg $0xFFFFFFFF  }
0xc1: {  	_ =	task.clear_ibuf [dreg:s6], $0x2FFFF;
	_ =	strace $0x9FFFFFFF  }
0xc2: {  	(tm) =	ssettm $0x7FFFFFFF  }
0xc3: {  	_ =	shalt  }
tec
execute0_lowered:
.L_overlay_start_1:
0x0: {  	(tag) =	ssettag $0x1  }
0x1: {  	s1 =	srdreg.scid  }
0x2: {  	s0 =	stileid.u32;
	s6 =	rddreg [dreg:$0x0]  }
0x3: {  	s2 =	rddreg [dreg:$0x1];
	s3 =	simm.s32 $0x0;
	s14 =	simm.s32 $0x7D  }
0x4: {  	s15 =	simm.s32 $0x5000;
	s16 =	simm.s32 $0x6F40;
	s17 =	simm.s32 $0x1  }
0x5: {  	s18 =	simm.s32 $0x2;
	s19 =	simm.s32 $0x2780;
	s20 =	simm.s32 $0x4F00  }
0x6: {  	s21 =	simm.s32 $0x4F80;
	s22 =	simm.s32 $0x0;
	s5 =	sand.u32 $0x1, s1  }
0x7: {  	s31 =	sshll.u32 s0, $0x1;
	s8 =	smul.u32 $0xA000, s0;
	[smem:$0x7FF] =	sst s3  }
0x8: {  	s4 =	sadd.s32 $0x3600, s6;
	s12 =	sshll.u32 s0, $0x6;
	s1 =	sor.u32 s5, s31  }
0x9: {  	s9 =	smul.u32 $0xA0000, s5;
	s10 =	ssub.s32 $0x2, s5;
	s5 =	sadd.s32 $0x17000, s6  }
0xa: {  	s12 =	sor.u32 $0x1C03, s12;
	s7 =	smul.u32 $0x500, s1;
	s1 =	rddreg [dreg:$0x2]  }
0xb: {  	_ =	strace $0x8000004D;
	s11 =	sshrl.u32 s10, $0x1;
	s13 =	sadd.s32 s8, s2  }
0xc: {  	s9 =	sadd.s32 s8, s9;
	s10 =	ssub.s32 s10, s11;
	s11 =	simm.s32 $0x2800  }
0xd: {  	s13 =	sshrl.u32 s13, $0x3;
	s7 =	sadd.s32 s7, s6;
	s9 =	sshrl.u32 s9, $0x3  }
0xe: {  	s9 =	sadd.s32 s9, s6;
	s6 =	sadd.s32 $0x63000, s7;
	s7 =	sadd.s32 $0x6D000, s7  }
0xf: {  	s8 =	sadd.s32 $0x77000, s9;
	s9 =	smax.u32 s10, $0x1;
	s10 =	simm.s32 $0x3  }
.LBB2_1:
0x10: {  	[tilespmem:s3], [sflag:$0x3] =	stream.linear.gather [hbm4b:s6+s3], $0x2800, $0x38;
	[tilespmem:$0x12E80] =	vst v63  }
0x11: {  	_ =	swait.ge [sflag:s10], $0x2800  }
0x12: {  	[sflag:s10] =	ssyncset.done $0x0  }
0x13: {  	[sflag:s10] =	ssyncadd.s32 $0xFFFFD800  }
0x14: {  	[tilespmem:s11], [sflag:$0x3] =	stream.linear.gather [hbm4b:s7+s3], $0x2800, $0x38;
	[tilespmem:$0x12E80] =	vst v63  }
0x15: {  	_ =	swait.ge [sflag:s10], $0x2800  }
0x16: {  	[sflag:s10] =	ssyncset.done $0x0  }
0x17: {  	[sflag:s10] =	ssyncadd.s32 $0xFFFFD800  }
0x18: {  	[spmem:s13], [sflag:s12] =	dma.local [hbm:s5], $0x1400  }
0x19: {  	_ =	swait.ge [sflag:s10], $0x1400  }
0x1a: {  	[sflag:s10] =	ssyncset.done $0x0  }
0x1b: {  	[sflag:s10] =	ssyncadd.s32 $0xFFFFEC00  }
0x1c: {  	[bflag:$0x0] =	sbarrier.arrive $0xFFFF  }
0x1d: {  	[tilespmem:s15], [sflag:$0x1] =	stream.indirect.gather [hbm4b:s4+s14], $0x40, s3, s14, $0xb8;
	[tilespmem:$0x12E80] =	vst v63  }
0x1e: {  	s23 =	simm.s32 $0x80  }
0x1f: {  	[tilespmem:s16], [sflag:$0x2] =	stream.indirect.gather [hbm4b:s4+s14], $0x40, s23, s14, $0xb8;
	[tilespmem:$0x12E80] =	vst v63  }
0x20: {  	_ =	swait.ge [sflag:s17], $0x1F40  }
0x21: {  	[sflag:s17] =	ssyncset.done $0x0  }
0x22: {  	s29 =	simm.s32 $0x2800;
	[sflag:s17] =	ssyncadd.s32 $0xFFFFE0C0  }
0x23: {  	[spmem:s2] =	stream.indirect.scatter.add.f32 [tilespmem:s15], [sflag:$0x3], $0x40, s29, s14, $0xb8;
	[tilespmem:$0x12E80] =	vst v63  }
0x24: {  	_ =	swait.ge [sflag:s10], $0x1F40  }
0x25: {  	[sflag:s10] =	ssyncset.done $0x0  }
0x26: {  	s30 =	simm.s32 $0x100;
	[sflag:s10] =	ssyncadd.s32 $0xFFFFE0C0  }
0x27: {  	[tilespmem:s15], [sflag:$0x1] =	stream.indirect.gather [hbm4b:s4+s14], $0x40, s30, s14, $0xb8;
	[tilespmem:$0x12E80] =	vst v63  }
0x28: {  	_ =	swait.ge [sflag:s18], $0x1F40  }
0x29: {  	[sflag:s18] =	ssyncset.done $0x0  }
0x2a: {  	s31 =	simm.s32 $0x2880;
	[sflag:s18] =	ssyncadd.s32 $0xFFFFE0C0  }
0x2b: {  	[spmem:s2] =	stream.indirect.scatter.add.f32 [tilespmem:s16], [sflag:$0x3], $0x40, s31, s14, $0xb8;
	[tilespmem:$0x12E80] =	vst v63  }
0x2c: {  	_ =	swait.ge [sflag:s10], $0x1F40  }
0x2d: {  	s24 =	simm.s32 $0x800;
	s23 =	simm.s32 $0x100;
	[sflag:s10] =	ssyncset.done $0x0  }
.LBB2_2:
0x2e: {  	s25 =	sadd.s32 $0x80, s23  }
0x2f: {  	[sflag:s10] =	ssyncadd.s32 $0xFFFFE0C0;
	s26 =	smov.u32 s24;
	s28 =	sadd.s32 $0x400, s24  }
0x30: {  	[tilespmem:s16], [sflag:$0x2] =	stream.indirect.gather [hbm4b:s4+s14], $0x40, s25, s14, $0xb8;
	[tilespmem:$0x12E80] =	vst v63  }
0x31: {  	p0 =	sne.s32 s24, $0x9800;
	_ =	swait.ge [sflag:s17], $0x1F40  }
0x32: {  	[sflag:s17] =	ssyncset.done $0x0  }
0x33: {  	s24 =	sadd.s32 $0x2800, s23;
	[sflag:s17] =	ssyncadd.s32 $0xFFFFE0C0  }
0x34: {  	[spmem:s2] =	stream.indirect.scatter.add.f32 [tilespmem:s15], [sflag:$0x3], $0x40, s24, s14, $0xb8;
	[tilespmem:$0x12E80] =	vst v63  }
0x35: {  	_ =	swait.ge [sflag:s10], $0x1F40  }
0x36: {  	[sflag:s10] =	ssyncset.done $0x0  }
0x37: {  	s24 =	sadd.s32 $0x100, s23;
	[sflag:s10] =	ssyncadd.s32 $0xFFFFE0C0  }
0x38: {  	[tilespmem:s15], [sflag:$0x1] =	stream.indirect.gather [hbm4b:s4+s14], $0x40, s24, s14, $0xb8;
	[tilespmem:$0x12E80] =	vst v63  }
0x39: {  	_ =	swait.ge [sflag:s18], $0x1F40  }
.Ltmp0:
0x3a: {  	[sflag:s18] =	ssyncset.done $0x0;
	(pc) =	sbr.rel @p0 .LBB2_2-.Ltmp0, $4  }
0x3b: {  	s23 =	sadd.s32 $0x2880, s23;
	[sflag:s18] =	ssyncadd.s32 $0xFFFFE0C0  }
0x3c: {  	[spmem:s2] =	stream.indirect.scatter.add.f32 [tilespmem:s16], [sflag:$0x3], $0x40, s23, s14, $0xb8;
	[tilespmem:$0x12E80] =	vst v63  }
0x3d: {  	_ =	swait.ge [sflag:s10], $0x1F40  }
0x3e: {  	s24 =	smov.u32 s28;
	s23 =	sshra.s32 s26, $0x2;
	[sflag:s10] =	ssyncset.done $0x0  }
0x3f: {  	s24 =	sadd.s32 $0x80, s23;
	[sflag:s10] =	ssyncadd.s32 $0xFFFFE0C0  }
0x40: {  	[tilespmem:s16], [sflag:$0x2] =	stream.indirect.gather [hbm4b:s4+s14], $0x40, s24, s14, $0xb8;
	[tilespmem:$0x12E80] =	vst v63  }
0x41: {  	_ =	swait.ge [sflag:s17], $0x1F40  }
0x42: {  	[sflag:s17] =	ssyncset.done $0x0  }
0x43: {  	s29 =	sadd.s32 $0x2800, s23;
	[sflag:s17] =	ssyncadd.s32 $0xFFFFE0C0  }
0x44: {  	[spmem:s2] =	stream.indirect.scatter.add.f32 [tilespmem:s15], [sflag:$0x3], $0x40, s29, s14, $0xb8;
	[tilespmem:$0x12E80] =	vst v63  }
0x45: {  	_ =	swait.ge [sflag:s10], $0x1F40  }
0x46: {  	[sflag:s10] =	ssyncset.done $0x0  }
0x47: {  	s30 =	sadd.s32 $0x100, s23;
	[sflag:s10] =	ssyncadd.s32 $0xFFFFE0C0  }
0x48: {  	[tilespmem:s15], [sflag:$0x1] =	stream.indirect.gather [hbm4b:s4+s14], $0x40, s30, s14, $0xb8;
	[tilespmem:$0x12E80] =	vst v63  }
0x49: {  	_ =	swait.ge [sflag:s18], $0x1F40  }
0x4a: {  	[sflag:s18] =	ssyncset.done $0x0  }
0x4b: {  	s31 =	sadd.s32 $0x2880, s23;
	[sflag:s18] =	ssyncadd.s32 $0xFFFFE0C0  }
0x4c: {  	[spmem:s2] =	stream.indirect.scatter.add.f32 [tilespmem:s16], [sflag:$0x3], $0x40, s31, s14, $0xb8;
	[tilespmem:$0x12E80] =	vst v63  }
0x4d: {  	_ =	swait.ge [sflag:s10], $0x1F40  }
0x4e: {  	[sflag:s10] =	ssyncset.done $0x0  }
0x4f: {  	[sflag:s10] =	ssyncadd.s32 $0xFFFFE0C0  }
0x50: {  	[tilespmem:s16], [sflag:$0x2] =	stream.indirect.gather [hbm4b:s4+s14], $0x40, s19, s14, $0xb8;
	[tilespmem:$0x12E80] =	vst v63  }
0x51: {  	_ =	swait.ge [sflag:s17], $0x1F40  }
0x52: {  	[sflag:s17] =	ssyncset.done $0x0  }
0x53: {  	[sflag:s17] =	ssyncadd.s32 $0xFFFFE0C0  }
0x54: {  	[spmem:s2] =	stream.indirect.scatter.add.f32 [tilespmem:s15], [sflag:$0x3], $0x40, s20, s14, $0xb8;
	[tilespmem:$0x12E80] =	vst v63  }
0x55: {  	_ =	swait.ge [sflag:s10], $0x1F40  }
0x56: {  	[sflag:s10] =	ssyncset.done $0x0  }
0x57: {  	[sflag:s10] =	ssyncadd.s32 $0xFFFFE0C0  }
0x58: {  	_ =	swait.ge [sflag:s18], $0x1F40  }
0x59: {  	[sflag:s18] =	ssyncset.done $0x0  }
0x5a: {  	[sflag:s18] =	ssyncadd.s32 $0xFFFFE0C0  }
0x5b: {  	[spmem:s2] =	stream.indirect.scatter.add.f32 [tilespmem:s16], [sflag:$0x3], $0x40, s21, s14, $0xb8;
	[tilespmem:$0x12E80] =	vst v63  }
0x5c: {  	_ =	swait.ge [sflag:s10], $0x1F40  }
0x5d: {  	s22 =	sadd.s32 $0x1, s22;
	[sflag:s10] =	ssyncset.done $0x0  }
0x5e: {  	p0 =	sne.s32 s22, s9;
	[sflag:s10] =	ssyncadd.s32 $0xFFFFE0C0  }
.Ltmp1:
0x5f: {  	[bflag:$0x0] =	sbarrier.arrive $0xFFFF;
	(pc) =	sbr.rel @p0 .LBB2_1-.Ltmp1, $4  }
0x60: {  	[hbm:s8], [sflag:s12] =	dma.local [spmem:s13], $0x1400  }
0x61: {  	_ =	swait.ge [sflag:s10], $0x1400  }
0x62: {  	[sflag:s10] =	ssyncset.done $0x0  }
0x63: {  	[sflag:s10] =	ssyncadd.s32 $0xFFFFEC00  }
0x64: {  	_ =	sfence.sel $0x180000  }
0x65: {  	[bflag:$0x0] =	sbarrier.arrive $0xFFFF  }
0x66: {  	p0 =	sne.s32 s0, $0x0;
	_ =	strace $0x9000004D  }
0x67: {  	s0 =	sadd.s32 @!p0 $0x100000, s1;
	[bflag:$0x2] =	sbarrier.arrive $0xFFFF  }
0x68: {  	[sflag:s0] =	ssyncadd.tile.s32 @!p0 $0x1;
	_ =	shalt  }
.Lfunc_end2:
_tile_overlayer_lowered:
.L_overlay_start_2:
0x69: {  	(tag) =	ssettag $0x2  }
0x6a: {  	s0 =	rddreg [dreg:$0x0];
	s2 =	stileid.u32  }
0x6b: {  	s1 =	rddreg [dreg:$0x1];
	p0 =	sne.s32 s2, $0x0  }
0x6c: {  	s3 =	rddreg [dreg:$0x2];
	[bflag:$0x3] =	sbarrier.arrive $0xFFFF;
	s2 =	simm.s32 @!p0 $0x1C03  }
0x6d: {  	[timem:s3], [sflag:s2] =	dma.local @!p0 [hbm:s0], s1  }
0x6e: {  	s0 =	simm.s32 @!p0 $0x3  }
0x6f: {  	_ =	swait.ge @!p0 [sflag:s0], s1  }
0x70: {  	s1 =	ssub.s32 @!p0 $0x0, s1;
	[sflag:s0] =	ssyncset.done @!p0 $0x0  }
0x71: {  	[sflag:s0] =	ssyncadd.s32 @!p0 s1  }
0x72: {  	[bflag:$0x3] =	sbarrier.arrive $0xFFFF  }
0x73: {  	_ =	shalt  }

// kernel: kernel.22.cloned.1.call-start
scs
__scs_entry_jumppad:
0x0: {  	(pc) =	sbr.rel $0x88, $3  }
0x1: {  	(tag) =	ssettag $0x0;
	lr =	simm.s32 $0x1  }
0x2: {  	[smem:$0x3F91] =	sst lr;
	_ =	strace $0xD0000000  }
0x3: {  	_ = 	snop  }
0x4: {  	_ = 	snop  }
0x5: {  	_ = 	snop  }
0x6: {  	_ = 	snop  }
0x7: {  	_ = 	snop  }
__scs_overlays_trampoline_lowered:
0x8: {  	[smem:$0x3FA0] =	sst s0  }
0x9: {  	[smem:$0x3FA1] =	sst s1  }
0xa: {  	[smem:$0x3FA2] =	sst s2  }
0xb: {  	[smem:$0x3FA3] =	sst s3  }
0xc: {  	[smem:$0x3FA4] =	sst s4  }
0xd: {  	[smem:$0x3FA5] =	sst s5  }
0xe: {  	[smem:$0x3FA6] =	sst s6  }
0xf: {  	[smem:$0x3FA7] =	sst s7  }
0x10: {  	[smem:$0x3FA8] =	sst s8  }
0x11: {  	[smem:$0x3FA9] =	sst s9;
	s0 =	simm.s32 @!p0 $0x0  }
0x12: {  	s1 =	sld [smem:$0x3F8F];
	s0 =	simm.s32 @p0 $0x1  }
0x13: {  	[smem:$0x3FAA] =	sst s0;
	s0 =	simm.s32 @!p1 $0x0  }
0x14: {  	s2 =	sld [smem:$0x3F8E];
	s0 =	simm.s32 @p1 $0x1  }
0x15: {  	[smem:$0x3FAB] =	sst s0;
	s0 =	simm.s32 @!p2 $0x0  }
0x16: {  	s3 =	sld [smem:$0x3FDB];
	s0 =	simm.s32 @p2 $0x1  }
0x17: {  	s4 =	simm.s32 $0x1BF5;
	[smem:$0x3FAD] =	sst s0  }
0x18: {  	s0 =	sld [smem:$0x3F90];
	_ =	swait.ge [sflag:s4], $0x0  }
0x19: {  	s7 =	sld [smem:$0x3F91]  }
0x1a: {  	s8 =	sadd.s32 $0xFFFFE003, lr  }
0x1b: {  	s9 =	sadd.s32 $0xFFFFFEF7, lr;
	s5 =	simm.s32 $0xFFFFFFFF;
	p2 =	slt.u32 s8, $0xFFFFF086  }
0x1c: {  	p1 =	slt.u32 s9, $0xF7A;
	s5 =	simm.s32 @!p2 $0x0  }
0x1d: {  	s5 =	simm.s32 @p1 $0x1;
	p0 =	seq.s32 s7, s2  }
0x1e: {  	s7 =	smul.u32 @!p0 $0xF7A, s2;
	p2 =	seq.s32 @!p0 s5, $0x0  }
0x1f: {  	s9 =	smul.u32 $0xF7A, s1;
	s8 =	simm.s32 @!p0 $0x1BF5;
	p2 =	por !p2, p0  }
0x20: {  	[sflag:s8] =	ssyncset.s32 @!p0 $0xFFFFF086;
	s6 =	sadd.s32 @!p0 s3, s7;
	s7 =	simm.s32 @!p0 $0x108  }
0x21: {  	s3 =	sadd.s32 s3, s9;
	s6 =	sadd.s32 @!p0 $0x88, s6;
	s7 =	simm.s32 @p2 $0x1082  }
0x22: {  	[simem:s7], [sflag:s8] =	dma.local @!p0 [hbm:s6], $0xF7A  }
0x23: {  	s9 =	sor.u32 $0xD0000000, s2;
	s6 =	simm.s32 $0x108;
	_ =	swait.ge @!p0 [sflag:s8], $0x0  }
0x24: {  	s3 =	sadd.s32 $0x88, s3;
	s6 =	simm.s32 @!p1 $0x1082;
	[sflag:s4] =	ssyncset.s32 $0xFFFFF086  }
0x25: {  	[simem:s6], [sflag:s4] =	dma.local [hbm:s3], $0xF7A  }
0x26: {  	[smem:$0x3F91] =	sst s1;
	(tag) =	ssettag s2;
	_ =	strace s9  }
0x27: {  	s1 =	sld [smem:$0x3FA1]  }
0x28: {  	s2 =	sld [smem:$0x3FA2]  }
0x29: {  	s4 =	sld [smem:$0x3FA4]  }
0x2a: {  	p0 =	seq.s32 s5, $0x0;
	s5 =	sld [smem:$0x3FA5]  }
0x2b: {  	s6 =	sld [smem:$0x3FA6]  }
0x2c: {  	s7 =	sld [smem:$0x3FA7]  }
0x2d: {  	s3 =	simm.s32 $0x108;
	s8 =	sld [smem:$0x3FA8]  }
0x2e: {  	s3 =	simm.s32 @!p0 $0x1082;
	s9 =	sld [smem:$0x3FA9]  }
0x2f: {  	lr =	sadd.s32 s0, s3;
	s0 =	sld [smem:$0x3FA0]  }
0x30: {  	s3 =	sld [smem:$0x3FA3]  }
0x31: {  	[smem:$0x3FAC] =	sst s10  }
0x32: {  	s10 =	sld [smem:$0x3FAA];
	_ =	sdelay $0x3  }
0x33: {  	p0 =	seq.s32 s10, $0x1;
	s10 =	sld [smem:$0x3FAC];
	_ =	sdelay $0x3  }
0x34: {  	[smem:$0x3FAC] =	sst s10  }
0x35: {  	s10 =	sld [smem:$0x3FAB];
	_ =	sdelay $0x3  }
0x36: {  	p1 =	seq.s32 s10, $0x1;
	s10 =	sld [smem:$0x3FAC];
	_ =	sdelay $0x3  }
0x37: {  	[smem:$0x3FAC] =	sst s10  }
0x38: {  	s10 =	sld [smem:$0x3FAD]  }
0x39: {  	_ = 	snop;
	(pc) =	sbr.ind lr, $3  }
0x3a: {  	_ = 	snop  }
0x3b: {  	_ = 	snop  }
0x3c: {  	p2 =	seq.s32 s10, $0x1;
	s10 =	sld [smem:$0x3FAC]  }
0x3d: {  	_ =	shalt  }
0x3e: {  	_ =	shalt  }
0x3f: {  	_ =	shalt  }
0x40: {  	_ =	shalt  }
0x41: {  	_ =	shalt  }
0x42: {  	_ =	shalt  }
0x43: {  	_ =	shalt  }
0x44: {  	_ =	shalt  }
0x45: {  	_ =	shalt  }
0x46: {  	_ =	shalt  }
0x47: {  	_ =	shalt  }
0x48: {  	_ =	shalt  }
0x49: {  	_ =	shalt  }
0x4a: {  	_ =	shalt  }
0x4b: {  	_ =	shalt  }
0x4c: {  	_ =	shalt  }
0x4d: {  	_ =	shalt  }
0x4e: {  	_ =	shalt  }
0x4f: {  	_ =	shalt  }
0x50: {  	_ =	shalt  }
0x51: {  	_ =	shalt  }
0x52: {  	_ =	shalt  }
0x53: {  	_ =	shalt  }
0x54: {  	_ =	shalt  }
0x55: {  	_ =	shalt  }
0x56: {  	_ =	shalt  }
0x57: {  	_ =	shalt  }
0x58: {  	_ =	shalt  }
0x59: {  	_ =	shalt  }
0x5a: {  	_ =	shalt  }
0x5b: {  	_ =	shalt  }
0x5c: {  	_ =	shalt  }
0x5d: {  	_ =	shalt  }
0x5e: {  	_ =	shalt  }
0x5f: {  	_ =	shalt  }
0x60: {  	_ =	shalt  }
0x61: {  	_ =	shalt  }
0x62: {  	_ =	shalt  }
0x63: {  	_ =	shalt  }
0x64: {  	_ =	shalt  }
0x65: {  	_ =	shalt  }
0x66: {  	_ =	shalt  }
0x67: {  	_ =	shalt  }
0x68: {  	_ =	shalt  }
0x69: {  	_ =	shalt  }
0x6a: {  	_ =	shalt  }
0x6b: {  	_ =	shalt  }
0x6c: {  	_ =	shalt  }
0x6d: {  	_ =	shalt  }
0x6e: {  	_ =	shalt  }
0x6f: {  	_ =	shalt  }
0x70: {  	_ =	shalt  }
0x71: {  	_ =	shalt  }
0x72: {  	_ =	shalt  }
0x73: {  	_ =	shalt  }
0x74: {  	_ =	shalt  }
0x75: {  	_ =	shalt  }
0x76: {  	_ =	shalt  }
0x77: {  	_ =	shalt  }
0x78: {  	_ =	shalt  }
0x79: {  	_ =	shalt  }
0x7a: {  	_ =	shalt  }
0x7b: {  	_ =	shalt  }
0x7c: {  	_ =	shalt  }
0x7d: {  	_ =	shalt  }
0x7e: {  	_ =	shalt  }
0x7f: {  	_ =	shalt  }
0x80: {  	_ =	shalt  }
0x81: {  	_ =	shalt  }
0x82: {  	_ =	shalt  }
0x83: {  	_ =	shalt  }
0x84: {  	_ =	shalt  }
0x85: {  	_ =	shalt  }
0x86: {  	_ =	shalt  }
0x87: {  	_ =	shalt  }
.Lfunc_end0:
.L_simem_size_0:
called_computation.3_lowered:
.L_overlay_start_0:
0x88: {  	s2 =	sld [smem:$0x3FD9]  }
0x89: {  	s3 =	sld [smem:$0x3FFE];
	_ =	sdelay $0x1  }
0x8a: {  	s1 =	srdreg.scid  }
0x8b: {  	s0 =	sand.u32 $0x1, s1  }
0x8c: {  	s14 =	sshll.u32 s0, $0xA;
	s2 =	sadd.s32 s3, s2  }
0x8d: {  	s2 =	sadd.s32 s2, s14  }
0x8e: {  	[smem:$0x3FB8] =	sst s2  }
0x8f: {  	_ = 	snop  }
0x90: {  	s2 =	sld [smem:$0x3FD0];
	_ =	sdelay $0x2  }
0x91: {  	s15 =	simm.s32 $0xA;
	s4 =	simm.s32 $0x10  }
0x92: {  	[smem:s4], [sflag:s15] =	dma.local [hbm:s2], $0x1  }
0x93: {  	_ =	swait.eq [sflag:s15], $0x1  }
0x94: {  	[sflag:s15] =	ssyncset.done $0x0  }
0x95: {  	s16 =	sld [smem:$0x10];
	[sflag:s15] =	ssyncadd.s32 $0xFFFFFFFF  }
0x96: {  	s17 =	sld [smem:$0x11];
	(tm) =	ssettm $0x1  }
0x97: {  	s18 =	sld [smem:$0x3FFB];
	_ =	sdelay $0x3  }
0x98: {  	_ =	strace s18  }
0x99: {  	s4 =	sld [smem:$0x3FFC];
	_ =	sdelay $0x3  }
0x9a: {  	_ =	strace s4  }
0x9b: {  	s4 =	sld [smem:$0x3FFD];
	_ =	sdelay $0x3  }
0x9c: {  	_ =	strace s4  }
0x9d: {  	_ =	strace $0x8FFFFFFF  }
0x9e: {  	s19 =	sld [smem:$0x3FDB];
	_ =	sdelay $0x1  }
0x9f: {  	s5 =	simm.s32 $_scs_section_size  }
0xa0: {  	s6 =	simm.s32 $_size__tile_overlayer_lowered;
	s7 =	simm.s32 $_tile_overlayer_lowered  }
0xa1: {  	s22 =	simm.s32 $0x1BFF;
	s21 =	sshll.u32 s7, $0x1;
	s4 =	sadd.s32 s5, s19  }
0xa2: {  	s8 =	simm.s32 $0x0;
	s20 =	sshll.u32 s6, $0x1;
	s6 =	sadd.s32 s21, s4  }
0xa3: {  	[timem:s8], [sflag:s22] =	dma.local [hbm:s6], s20  }
0xa4: {  	_ =	swait.ge [sflag:s22], s20  }
0xa5: {  	s5 =	ssub.s32 $0x0, s20;
	[sflag:s22] =	ssyncset.done $0x0  }
0xa6: {  	[sflag:s22] =	ssyncadd.s32 s5;
	_ =	sdelay $0x1  }
0xa7: {  	s23 =	simm.s32 $0x1B8B  }
0xa8: {  	_ =	swait.ge [sflag:s23], $0x1  }
0xa9: {  	[sflag:s23] =	ssyncset.done $0x0  }
0xaa: {  	s25 =	simm.s32 $0x1B8E;
	s24 =	sld [smem:$0x3FFE];
	[sflag:s23] =	ssyncadd.s32 $0xFFFFFFFF  }
0xab: {  	s26 =	simm.s32 $execute0_lowered;
	[smem:$0x3FD2] =	sst s25  }
0xac: {  	s6 =	sshll.u32 s26, $0x1;
	_ =	strace $0x8000004F;
	[dreg:$0x1] =	wrdreg $0xFFFFFFFF  }
0xad: {  	s28 =	simm.s32 $_size_execute0_lowered;
	s4 =	sadd.s32 s4, s6;
	[dreg:$0x0] =	wrdreg $0x0  }
0xae: {  	s6 =	sshll.u32 s28, $0x1;
	[dreg:$0x2] =	wrdreg s4  }
0xaf: {  	[dreg:$0x3] =	wrdreg s6  }
0xb0: {  	[dreg:$0x4] =	wrdreg $0xC0  }
0xb1: {  	_ =	task [dreg:s8], $0x5FFFF  }
0xb2: {  	[dreg:$0x1] =	wrdreg $0xFFFFFFFF  }
0xb3: {  	[dreg:$0x0] =	wrdreg $0x60  }
0xb4: {  	[dreg:$0x2] =	wrdreg s24  }
0xb5: {  	[dreg:$0x3] =	wrdreg s17  }
0xb6: {  	[dreg:$0x4] =	wrdreg s16  }
0xb7: {  	[dreg:$0x5] =	wrdreg $0x87500  }
0xb8: {  	[dreg:$0x6] =	wrdreg $0x98500  }
0xb9: {  	[dreg:$0x7] =	wrdreg $0x9  }
0xba: {  	_ =	task.clear_ibuf [dreg:s8], $0x8FFFF;
	_ =	strace $0x9000004F  }
0xbb: {  	s29 =	simm.s32 $0x9;
	_ =	strace $0x80000051  }
0xbc: {  	_ =	swait.ge [sflag:s29], $0x1  }
0xbd: {  	[sflag:s29] =	ssyncadd.s32 $0xFFFFFFFF  }
0xbe: {  	_ =	strace $0x90000051  }
0xbf: {  	_ =	sfence  }
0xc0: {  	s30 =	sld [smem:$0x0];
	_ =	sdelay $0x2  }
0xc1: {  	s31 =	sshll.u32 s1, $0xD;
	s1 =	sshrl.u32 s1, $0x2  }
0xc2: {  	s3 =	sand.u32 $0x4000, s31;
	s1 =	sadd.s32 s1, s30  }
0xc3: {  	s0 =	sor.u32 s3, s0;
	s1 =	sshll.u32 s1, $0x11  }
0xc4: {  	s0 =	sor.u32 s1, s0  }
0xc5: {  	s0 =	sadd.s32 $0x8F2B, s0  }
0xc6: {  	[sflag:s0] =	ssyncadd.remote.s32 $0x1  }
0xc7: {  	_ =	sfence.sel $0xFFFF  }
0xc8: {  	[dreg:$0x0] =	wrdreg $0xFFFFFFFF;
	(pc) =	sbr.abs _section_cstart, $3  }
0xc9: {  	[dreg:$0x1] =	wrdreg $0xFFFFFFFF  }
0xca: {  	_ =	task.clear_ibuf [dreg:s8], $0x2FFFF;
	_ =	strace $0x9FFFFFFF  }
0xcb: {  	(tm) =	ssettm $0x7FFFFFFF  }
tec
execute0_lowered:
.L_overlay_start_1:
0x0: {  	(tag) =	ssettag $0x1  }
0x1: {  	s8 =	rddreg [dreg:$0x0]  }
0x2: {  	s9 =	rddreg [dreg:$0x1]  }
0x3: {  	s2 =	rddreg [dreg:$0x2]  }
0x4: {  	s3 =	rddreg [dreg:$0x3]  }
0x5: {  	s4 =	rddreg [dreg:$0x4];
	s1 =	stileid.u32  }
0x6: {  	s0 =	rddreg [dreg:$0x5];
	s6 =	smul.u32 $0x4E20, s1  }
0x7: {  	s5 =	simm.s32 $0x0;
	s12 =	srdreg.scid;
	s10 =	smul.u32 $0x1100, s1  }
0x8: {  	s22 =	simm.s32 $0x280;
	s28 =	simm.s32 $0x100;
	s11 =	smul.u32 $0x110, s1  }
0x9: {  	s29 =	simm.s32 $0x180;
	s30 =	simm.s32 $0x200;
	s23 =	smul.u32 $0x50, s1  }
0xa: {  	[smem:$0x7FF] =	sst s5;
	s7 =	sadd.s32 $0x3A00, s8;
	s15 =	smul.u32 $0x4400, s1  }
0xb: {  	s17 =	sand.u32 $0x1, s12;
	s20 =	smul.u32 $0x440, s1;
	s31 =	sshll.u32 s1, $0x6  }
0xc: {  	_ =	strace $0x80000050;
	s14 =	ssub.s32 $0x2, s17;
	p0 =	sne.s32 s17, $0x0  }
0xd: {  	s17 =	simm.s32 $0x1;
	s16 =	sadd.s32 s6, s8;
	s6 =	sadd.s32 $0x3600, s8  }
0xe: {  	s13 =	sshrl.u32 s10, $0x3;
	s18 =	sshrl.u32 s11, $0x3;
	s19 =	sshrl.u32 s14, $0x1  }
0xf: {  	s24 =	sshrl.u32 s15, $0x2;
	s25 =	sshrl.u32 s20, $0x2;
	s13 =	sadd.s32 s13, s8  }
0x10: {  	s18 =	sadd.s32 s18, s8;
	s14 =	ssub.s32 s14, s19;
	s8 =	sadd.s32 s9, s23  }
0x11: {  	s26 =	sadd.s32 s24, s3;
	s21 =	sadd.s32 s25, s4;
	s24 =	sadd.s32 s10, s3  }
0x12: {  	s25 =	sadd.s32 s11, s4;
	s12 =	sadd.s32 $0x63000, s16;
	s15 =	sadd.s32 $0x65EE0, s16  }
.Ltmp0:
0x13: {  	s19 =	sor.u32 $0x1C01, s31;
	s23 =	simm.s32 $0x7D;
	(pc) =	sbr.rel .LBB2_1-.Ltmp0, $4  }
0x14: {  	s9 =	sadd.s32 $0x3C00, s13;
	s10 =	sadd.s32 $0x5E00, s18;
	s11 =	smax.u32 s14, $0x1  }
0x15: {  	s13 =	sadd.s32 $0x63FA0, s16;
	s14 =	sadd.s32 $0x64F40, s16;
	s16 =	sadd.s32 $0x66E80, s16  }
0x16: {  	s18 =	simm.s32 $0x7F80;
	s20 =	sshrl.u32 s26, $0x3;
	s21 =	sshrl.u32 s21, $0x3  }
0x17: {  	s24 =	sshrl.u32 s24, $0x3;
	s25 =	sshrl.u32 s25, $0x3;
	s26 =	simm.s32 $0x80  }
.LBB2_3:
0x18: {  	[bflag:$0x0] =	sbarrier.arrive $0xFFFF  }
0x19: {  	[bflag:$0x0] =	sbarrier.arrive $0xFFFF  }
.LBB2_4:
0x1a: {  	s11 =	sadd.s32 $0xFFFFFFFF, s11  }
0x1b: {  	p1 =	sne.s32 s11, $0x0  }
.Ltmp1:
0x1c: {  	_ = 	snop;
	(pc) =	sbr.rel @!p1 .LBB2_5-.Ltmp1, $1  }
0x1d: {  	_ =	sdelay $0x3  }
.LBB2_1:
.Ltmp2:
0x1e: {  	(pc) =	sbr.rel @p0 .LBB2_3-.Ltmp2, $1  }
0x1f: {  	_ =	sdelay $0x3  }
0x20: {  	[tilespmem:s5], [sflag:$0x1] =	stream.linear.gather [hbm4b:s8+s5], $0x280, $0x38;
	[tilespmem:$0x9960] =	vst v63  }
0x21: {  	_ =	swait.ge [sflag:s17], $0x280  }
0x22: {  	[sflag:s17] =	ssyncset.done $0x0  }
0x23: {  	[sflag:s17] =	ssyncadd.s32 $0xFFFFFD80  }
0x24: {  	[tilespmem:s18], [sflag:$0x1] =	stream.linear.gather [hbm4b:s2+s5], $0x7D0, $0x38;
	[tilespmem:$0x9960] =	vst v63  }
0x25: {  	_ =	swait.ge [sflag:s17], $0x7D0  }
0x26: {  	[sflag:s17] =	ssyncset.done $0x0  }
0x27: {  	[sflag:s17] =	ssyncadd.s32 $0xFFFFF830  }
0x28: {  	[spmem:s20], [sflag:s19] =	dma.local [hbm:s6], $0x220  }
0x29: {  	_ =	swait.ge [sflag:s17], $0x220  }
0x2a: {  	[sflag:s17] =	ssyncset.done $0x0  }
0x2b: {  	[sflag:s17] =	ssyncadd.s32 $0xFFFFFDE0  }
0x2c: {  	[spmem:s21], [sflag:s19] =	dma.local [hbm:s7], $0x22  }
0x2d: {  	_ =	swait.ge [sflag:s17], $0x22  }
0x2e: {  	[sflag:s17] =	ssyncset.done $0x0  }
0x2f: {  	[sflag:s17] =	ssyncadd.s32 $0xFFFFFFDE  }
0x30: {  	[bflag:$0x0] =	sbarrier.arrive $0xFFFF  }
0x31: {  	[tilespmem:s22], [sflag:$0x1] =	stream.linear.gather [hbm4b:s12+s5], $0x7D00, $0x38;
	[tilespmem:$0x9960] =	vst v63  }
0x32: {  	_ =	swait.ge [sflag:s17], $0x7D00  }
0x33: {  	[sflag:s17] =	ssyncset.done $0x0  }
0x34: {  	[sflag:s17] =	ssyncadd.s32 $0xFFFF8300  }
0x35: {  	[spmem:s3] =	stream.indirect.scatter.add.f32 [tilespmem:s22], [sflag:$0x1], $0x100, s5, s23, $0xb8;
	[tilespmem:$0x9960] =	vst v63  }
0x36: {  	_ =	swait.ge [sflag:s17], $0x7D00  }
0x37: {  	[sflag:s17] =	ssyncset.done $0x0  }
0x38: {  	[sflag:s17] =	ssyncadd.s32 $0xFFFF8300  }
0x39: {  	[spmem:s4] =	stream.indirect.scatter.add.f32 [tilespmem:s18], [sflag:$0x1], $0x10, s5, s23, $0xb8;
	[tilespmem:$0x9960] =	vst v63  }
0x3a: {  	_ =	swait.ge [sflag:s17], $0x7D0  }
0x3b: {  	[sflag:s17] =	ssyncset.done $0x0  }
0x3c: {  	[sflag:s17] =	ssyncadd.s32 $0xFFFFF830  }
0x3d: {  	[tilespmem:s22], [sflag:$0x1] =	stream.linear.gather [hbm4b:s13+s5], $0x7D00, $0x38;
	[tilespmem:$0x9960] =	vst v63  }
0x3e: {  	_ =	swait.ge [sflag:s17], $0x7D00  }
0x3f: {  	[sflag:s17] =	ssyncset.done $0x0  }
0x40: {  	[sflag:s17] =	ssyncadd.s32 $0xFFFF8300  }
0x41: {  	[spmem:s3] =	stream.indirect.scatter.add.f32 [tilespmem:s22], [sflag:$0x1], $0x100, s26, s23, $0xb8;
	[tilespmem:$0x9960] =	vst v63  }
0x42: {  	_ =	swait.ge [sflag:s17], $0x7D00  }
0x43: {  	[sflag:s17] =	ssyncset.done $0x0  }
0x44: {  	[sflag:s17] =	ssyncadd.s32 $0xFFFF8300  }
0x45: {  	[spmem:s4] =	stream.indirect.scatter.add.f32 [tilespmem:s18], [sflag:$0x1], $0x10, s26, s23, $0xb8;
	[tilespmem:$0x9960] =	vst v63  }
0x46: {  	_ =	swait.ge [sflag:s17], $0x7D0  }
0x47: {  	[sflag:s17] =	ssyncset.done $0x0  }
0x48: {  	[sflag:s17] =	ssyncadd.s32 $0xFFFFF830  }
0x49: {  	[tilespmem:s22], [sflag:$0x1] =	stream.linear.gather [hbm4b:s14+s5], $0x7D00, $0x38;
	[tilespmem:$0x9960] =	vst v63  }
0x4a: {  	_ =	swait.ge [sflag:s17], $0x7D00  }
0x4b: {  	[sflag:s17] =	ssyncset.done $0x0  }
0x4c: {  	[sflag:s17] =	ssyncadd.s32 $0xFFFF8300  }
0x4d: {  	[spmem:s3] =	stream.indirect.scatter.add.f32 [tilespmem:s22], [sflag:$0x1], $0x100, s28, s23, $0xb8;
	[tilespmem:$0x9960] =	vst v63  }
0x4e: {  	_ =	swait.ge [sflag:s17], $0x7D00  }
0x4f: {  	[sflag:s17] =	ssyncset.done $0x0  }
0x50: {  	[sflag:s17] =	ssyncadd.s32 $0xFFFF8300  }
0x51: {  	[spmem:s4] =	stream.indirect.scatter.add.f32 [tilespmem:s18], [sflag:$0x1], $0x10, s28, s23, $0xb8;
	[tilespmem:$0x9960] =	vst v63  }
0x52: {  	_ =	swait.ge [sflag:s17], $0x7D0  }
0x53: {  	[sflag:s17] =	ssyncset.done $0x0  }
0x54: {  	[sflag:s17] =	ssyncadd.s32 $0xFFFFF830  }
0x55: {  	[tilespmem:s22], [sflag:$0x1] =	stream.linear.gather [hbm4b:s15+s5], $0x7D00, $0x38;
	[tilespmem:$0x9960] =	vst v63  }
0x56: {  	_ =	swait.ge [sflag:s17], $0x7D00  }
0x57: {  	[sflag:s17] =	ssyncset.done $0x0  }
0x58: {  	[sflag:s17] =	ssyncadd.s32 $0xFFFF8300  }
0x59: {  	[spmem:s3] =	stream.indirect.scatter.add.f32 [tilespmem:s22], [sflag:$0x1], $0x100, s29, s23, $0xb8;
	[tilespmem:$0x9960] =	vst v63  }
0x5a: {  	_ =	swait.ge [sflag:s17], $0x7D00  }
0x5b: {  	[sflag:s17] =	ssyncset.done $0x0  }
0x5c: {  	[sflag:s17] =	ssyncadd.s32 $0xFFFF8300  }
0x5d: {  	[spmem:s4] =	stream.indirect.scatter.add.f32 [tilespmem:s18], [sflag:$0x1], $0x10, s29, s23, $0xb8;
	[tilespmem:$0x9960] =	vst v63  }
0x5e: {  	_ =	swait.ge [sflag:s17], $0x7D0  }
0x5f: {  	[sflag:s17] =	ssyncset.done $0x0  }
0x60: {  	[sflag:s17] =	ssyncadd.s32 $0xFFFFF830  }
0x61: {  	[tilespmem:s22], [sflag:$0x1] =	stream.linear.gather [hbm4b:s16+s5], $0x7D00, $0x38;
	[tilespmem:$0x9960] =	vst v63  }
0x62: {  	_ =	swait.ge [sflag:s17], $0x7D00  }
0x63: {  	[sflag:s17] =	ssyncset.done $0x0  }
0x64: {  	[sflag:s17] =	ssyncadd.s32 $0xFFFF8300  }
0x65: {  	[spmem:s3] =	stream.indirect.scatter.add.f32 [tilespmem:s22], [sflag:$0x1], $0x100, s30, s23, $0xb8;
	[tilespmem:$0x9960] =	vst v63  }
0x66: {  	_ =	swait.ge [sflag:s17], $0x7D00  }
0x67: {  	[sflag:s17] =	ssyncset.done $0x0  }
0x68: {  	[sflag:s17] =	ssyncadd.s32 $0xFFFF8300  }
0x69: {  	[spmem:s4] =	stream.indirect.scatter.add.f32 [tilespmem:s18], [sflag:$0x1], $0x10, s30, s23, $0xb8;
	[tilespmem:$0x9960] =	vst v63  }
0x6a: {  	_ =	swait.ge [sflag:s17], $0x7D0  }
0x6b: {  	[sflag:s17] =	ssyncset.done $0x0  }
0x6c: {  	[sflag:s17] =	ssyncadd.s32 $0xFFFFF830  }
0x6d: {  	[bflag:$0x0] =	sbarrier.arrive $0xFFFF  }
0x6e: {  	[hbm:s9], [sflag:s19] =	dma.local [spmem:s24], $0x220  }
0x6f: {  	_ =	swait.ge [sflag:s17], $0x220  }
0x70: {  	[sflag:s17] =	ssyncset.done $0x0  }
.Ltmp3:
0x71: {  	[sflag:s17] =	ssyncadd.s32 $0xFFFFFDE0;
	(pc) =	sbr.rel .LBB2_4-.Ltmp3, $4  }
0x72: {  	[hbm:s10], [sflag:s19] =	dma.local [spmem:s25], $0x22  }
0x73: {  	_ =	swait.ge [sflag:s17], $0x22  }
0x74: {  	[sflag:s17] =	ssyncset.done $0x0  }
0x75: {  	[sflag:s17] =	ssyncadd.s32 $0xFFFFFFDE  }
.LBB2_5:
0x76: {  	_ =	sfence.sel $0x180000  }
0x77: {  	[bflag:$0x0] =	sbarrier.arrive $0xFFFF  }
0x78: {  	p0 =	sne.s32 s1, $0x0;
	_ =	strace $0x90000050  }
0x79: {  	s0 =	sadd.s32 @!p0 $0x100000, s0;
	[bflag:$0x2] =	sbarrier.arrive $0xFFFF  }
0x7a: {  	[sflag:s0] =	ssyncadd.tile.s32 @!p0 $0x1;
	_ =	shalt  }
.Lfunc_end2:
_tile_overlayer_lowered:
.L_overlay_start_2:
0x7b: {  	(tag) =	ssettag $0x2  }
0x7c: {  	s0 =	rddreg [dreg:$0x0];
	s2 =	stileid.u32  }
0x7d: {  	s1 =	rddreg [dreg:$0x1];
	p0 =	sne.s32 s2, $0x0  }
0x7e: {  	s3 =	rddreg [dreg:$0x2];
	[bflag:$0x3] =	sbarrier.arrive $0xFFFF;
	s2 =	simm.s32 @!p0 $0x1C01  }
0x7f: {  	[timem:s3], [sflag:s2] =	dma.local @!p0 [hbm:s0], s1  }
0x80: {  	s0 =	simm.s32 @!p0 $0x1  }
0x81: {  	_ =	swait.ge @!p0 [sflag:s0], s1  }
0x82: {  	s1 =	ssub.s32 @!p0 $0x0, s1;
	[sflag:s0] =	ssyncset.done @!p0 $0x0  }
0x83: {  	[sflag:s0] =	ssyncadd.s32 @!p0 s1  }
0x84: {  	[bflag:$0x3] =	sbarrier.arrive $0xFFFF  }
0x85: {  	_ =	shalt  }

</sc_bundles>
